<compile_context>
chip_gen: v7x
topology: tpu7x:2x2x1
jax: 0.10.2.dev20260603
libtpu: 0.0.44.dev20260713+nightly
codegen_flags: <defaults>
</compile_context>

<pallas_src>
import functools

import jax
import jax.numpy as jnp
from jax import lax
from jax.experimental import pallas as pl
from jax.experimental.pallas import tpu as pltpu
from jax.experimental.pallas import tpu_sc as plsc

BRUN = 128
SGRP = 8
CHUNK = 128
NBUF = 10


def _emb_transposed(wordsT, table, seq, batch, dim):
    info = plsc.get_sparse_core_info()
    num_cores = info.num_cores
    n_t = seq // SGRP
    n_tc = batch // BRUN
    mesh = plsc.VectorSubcoreMesh(core_axis_name="c", subcore_axis_name="s")

    @functools.partial(
        pl.kernel,
        out_type=jax.ShapeDtypeStruct((seq, dim // 8, n_tc, 8, BRUN), jnp.float32),
        mesh=mesh,
        scratch_types=[
            pltpu.VMEM((2, SGRP, BRUN), jnp.int32),
            pltpu.VMEM((SGRP, BRUN, dim), jnp.float32),
            pltpu.VMEM((2, dim // 8, 8, BRUN + 1), jnp.float32),
            pltpu.SemaphoreType.DMA((2,)),
            pltpu.SemaphoreType.DMA((SGRP,)),
            pltpu.SemaphoreType.DMA((2,)),
        ],
        compiler_params=pltpu.CompilerParams(
            use_tc_tiling_on_sc=False, needs_layout_passes=False
        ),
    )
    def emb(wordsT_hbm, table_hbm, out_hbm, ib, gb, tb, isem, gsem, wsem):
        w = lax.axis_index("s") * num_cores + lax.axis_index("c")
        b0 = w * BRUN
        iota16 = lax.iota(jnp.int32, 16)
        hi8 = lax.div(iota16, 8)
        lo8 = lax.rem(iota16, 8)

        def ib_copy(t, j):
            return pltpu.make_async_copy(
                wordsT_hbm.at[pl.ds(SGRP * t, SGRP), pl.ds(b0, BRUN)],
                ib.at[j],
                isem.at[j],
            )

        def gather(j_ib, ss):
            return pltpu.make_async_copy(
                table_hbm.at[ib.at[j_ib, ss]], gb.at[ss], gsem.at[ss]
            )

        def write(s, kt):
            return pltpu.make_async_copy(
                tb.at[kt, :, :, pl.ds(0, BRUN)],
                out_hbm.at[s, :, w],
                wsem.at[kt],
            )

        def transpose(ss, kt):
            def body(b, _):
                bvec = jnp.full((16,), b, jnp.int32)
                vs = [gb[ss, b, pl.ds(16 * g, 16)] for g in range(4)]
                for g in range(4):
                    plsc.store_scatter(
                        tb.at[kt], [2 * g + hi8, lo8, bvec], vs[g]
                    )
                return _

            lax.fori_loop(0, BRUN, body, None)

        ib_copy(0, 0).start()
        ib_copy(0, 0).wait()
        for ss in range(SGRP):
            gather(0, ss).start()

        def t_body(t, _):
            j = lax.rem(t, 2)

            @pl.when(t + 1 < n_t)
            def _():
                ib_copy(t + 1, 1 - j).start()

            for ss in range(SGRP):
                s = SGRP * t + ss
                kt = ss % 2
                gather(j, ss).wait()

                @pl.when(s >= 2)
                def _():
                    write(s - 2, kt).wait()

                transpose(ss, kt)
                write(s, kt).start()

                if ss == 0:

                    @pl.when(t + 1 < n_t)
                    def _():
                        ib_copy(t + 1, 1 - j).wait()

                @pl.when(t + 1 < n_t)
                def _():
                    gather(1 - j, ss).start()

            return _

        lax.fori_loop(0, n_t, t_body, None)
        write(seq - 2, 0).wait()
        write(seq - 1, 1).wait()

    return emb(wordsT, table)


def _emb_rowgather(idx3, weights, n_per_w, n_chunks, dim):
    info = plsc.get_sparse_core_info()
    num_cores = info.num_cores
    num_workers = info.num_cores * info.num_subcores
    n_total = num_workers * n_per_w
    mesh = plsc.VectorSubcoreMesh(core_axis_name="c", subcore_axis_name="s")

    @functools.partial(
        pl.kernel,
        out_type=jax.ShapeDtypeStruct((n_total, dim), jnp.float32),
        mesh=mesh,
        scratch_types=[
            pltpu.VMEM((n_chunks, CHUNK), jnp.int32),
            pltpu.VMEM((NBUF, CHUNK, dim), jnp.float32),
            pltpu.SemaphoreType.DMA((NBUF,)),
        ],
        compiler_params=pltpu.CompilerParams(use_tc_tiling_on_sc=False),
    )
    def emb(idx_hbm, table_hbm, out_hbm, idx_v, rows_v, gsem):
        wid = lax.axis_index("s") * num_cores + lax.axis_index("c")
        base = wid * n_per_w
        pltpu.sync_copy(idx_hbm.at[wid], idx_v)

        def gather(c, b):
            return pltpu.make_async_copy(
                table_hbm.at[idx_v.at[c]], rows_v.at[b], gsem.at[b]
            )

        for b in range(min(NBUF, n_chunks)):
            gather(b, b).start()

        def group(g, _):
            for b in range(NBUF):
                c = g * NBUF + b
                gather(c, b).wait()
                pltpu.sync_copy(
                    rows_v.at[b], out_hbm.at[pl.ds(base + c * CHUNK, CHUNK)]
                )
                nxt = c + NBUF

                @pl.when(nxt < n_chunks)
                def _():
                    gather(nxt, b).start()

            return _

        n_full = n_chunks // NBUF
        lax.fori_loop(0, n_full, group, None)
        for b in range(n_chunks % NBUF):
            c = n_full * NBUF + b
            gather(c, b).wait()
            pltpu.sync_copy(
                rows_v.at[b], out_hbm.at[pl.ds(base + c * CHUNK, CHUNK)]
            )

    return emb(idx3, weights)


def kernel(words, weights):
    batch, seq = words.shape
    _, dim = weights.shape
    info = plsc.get_sparse_core_info()
    num_workers = info.num_cores * info.num_subcores

    if (
        dim == 64
        and batch == num_workers * BRUN
        and seq % SGRP == 0
        and seq >= 2 * SGRP
    ):
        wordsT = words.T.astype(jnp.int32)
        out5 = _emb_transposed(wordsT, weights, seq, batch, dim)
        return out5.transpose(2, 4, 0, 1, 3).reshape(batch, seq, dim)

    n = batch * seq
    flat = words.reshape(n).astype(jnp.int32)
    tile = num_workers * CHUNK
    n_pad = ((n + tile - 1) // tile) * tile
    if n_pad != n:
        flat = jnp.concatenate([flat, jnp.zeros(n_pad - n, jnp.int32)])
    n_per_w = n_pad // num_workers
    n_chunks = n_per_w // CHUNK

    idx3 = flat.reshape(num_workers, n_chunks, CHUNK)
    out = _emb_rowgather(idx3, weights, n_per_w, n_chunks, dim)
    return out[:n].reshape(batch, seq, dim)

# --- scband reference (transcript-rebuilt; emitter-appended) ---
"""Pipeline reference for scband-embedding-layer-17274358464595 (READ-ONLY COPY).

The authoritative reference and input builder live on the scoring server;
editing this copy changes nothing except your own understanding.
"""

import jax, jax.numpy as jnp
import numpy as np

VOC_SIZE = 1000000
DIM = 64

def setup_inputs(seed: int = 0) -> dict:
    key = jax.random.key(seed)
    k_idx, k_w = jax.random.split(key)
    words = jax.random.randint(k_idx, (4096, 200), 0, VOC_SIZE, dtype=jnp.int64 if jax.config.jax_enable_x64 else jnp.int32)
    weights = jax.random.normal(k_w, (VOC_SIZE, DIM), dtype=jnp.float32) * 0.02
    return {"words": words, "weights": weights}

def reference(words, weights):
    # Faithful translation of F.embedding(words, self.weights):
    # gather rows of the embedding table by index.
    x = jnp.take(weights, words, axis=0)
    return x

if __name__ == "__main__":
    import jax
    _d = setup_inputs()
    print(jax.jit(kernel)(*tuple(_d.values())))

</pallas_src>

<mosaic_0001>
#map = affine_map<(d0, d1) -> (0, 0)>
#map1 = affine_map<(d0, d1) -> (0, 0, 0, 0, 0)>
module attributes {stable_mosaic.version = 14 : i64} {
  func.func @emb(%arg0: i32, %arg1: i32, %arg2: memref<200x4096xi32, #tpu.memory_space<hbm>>, %arg3: memref<1000000x64xf32, #tpu.memory_space<hbm>>, %arg4: memref<200x8x32x8x128xf32, #tpu.memory_space<hbm>>, %arg5: memref<2x8x128xi32, #tpu.memory_space<vmem>>, %arg6: memref<8x128x64xf32, #tpu.memory_space<vmem>>, %arg7: memref<2x8x8x129xf32, #tpu.memory_space<vmem>>, %arg8: memref<2x!tpu.dma_semaphore, #tpu.memory_space<semaphore_mem>>, %arg9: memref<8x!tpu.dma_semaphore, #tpu.memory_space<semaphore_mem>>, %arg10: memref<2x!tpu.dma_semaphore, #tpu.memory_space<semaphore_mem>>) attributes {dimension_semantics = [#tpu.dimension_semantics<core_parallel>, #tpu.dimension_semantics<subcore_parallel>], iteration_bounds = array<i64: 2, 16>, scalar_prefetch = 0 : i64, scratch_operands = 6 : i64, tpu.core_type = #tpu.core_type<sc_vector_subcore>, window_params = [{transform_indices = #map}, {transform_indices = #map}, {transform_indices = #map1}]} {
    %mul3A = arith.constant 2 : i32
    %mul3A_0 = arith.muli %arg1, %mul3A : i32
    %add3A = arith.addi %mul3A_0, %arg0 : i32
    %mul3A_1 = arith.constant 128 : i32
    %mul3A_2 = arith.muli %add3A, %mul3A_1 : i32
    %iota3A = tpu.iota {dimensions = array<i32: 0>} : vector<16xi32>
    %div3A = arith.constant 8 : i32
    %div3A_3 = vector.broadcast %div3A : i32 to vector<16xi32>
    %div3A_4 = arith.divsi %iota3A, %div3A_3 : vector<16xi32>
    %rem3A = arith.constant 8 : i32
    %rem3A_5 = vector.broadcast %rem3A : i32 to vector<16xi32>
    %rem3A_6 = arith.remsi %iota3A, %rem3A_5 : vector<16xi32>
    %dma_start3A = arith.constant 0 : i32
    %dma_start3A_7 = arith.constant 0 : i32
    %dma_start3A_8 = arith.constant 0 : i32
    %dma_start3A_9 = arith.constant 0 : i32
    %dma_start3A_10 = tpu.memref_slice %arg5[%dma_start3A, %dma_start3A_8, %dma_start3A_9] : memref<2x8x128xi32, #tpu.memory_space<vmem>> -> memref<1x8x128xi32, #tpu.memory_space<vmem>>
    %dma_start3A_11 = tpu.memref_squeeze %dma_start3A_10 : memref<1x8x128xi32, #tpu.memory_space<vmem>> -> memref<8x128xi32, #tpu.memory_space<vmem>>
    %dma_start3A_12 = arith.constant 0 : i32
    %dma_start3A_13 = tpu.memref_slice %arg2[%dma_start3A_12, %mul3A_2] : memref<200x4096xi32, #tpu.memory_space<hbm>> -> memref<8x128xi32, #tpu.memory_space<hbm>>
    %dma_start3A_14 = tpu.memref_slice %arg8[%dma_start3A_7] : memref<2x!tpu.dma_semaphore, #tpu.memory_space<semaphore_mem>> -> memref<1x!tpu.dma_semaphore, #tpu.memory_space<semaphore_mem>>
    %dma_start3A_15 = tpu.memref_squeeze %dma_start3A_14 : memref<1x!tpu.dma_semaphore, #tpu.memory_space<semaphore_mem>> -> memref<!tpu.dma_semaphore, #tpu.memory_space<semaphore_mem>>
    %dma_start3A_16 = arith.constant 0 : i32
    %dma_start3A_17 = arith.constant 0 : i32
    %dma_start3A_18 = tpu.memref_slice %arg5[%dma_start3A, %dma_start3A_16, %dma_start3A_17] : memref<2x8x128xi32, #tpu.memory_space<vmem>> -> memref<1x8x128xi32, #tpu.memory_space<vmem>>
    %dma_start3A_19 = tpu.memref_squeeze %dma_start3A_18 : memref<1x8x128xi32, #tpu.memory_space<vmem>> -> memref<8x128xi32, #tpu.memory_space<vmem>>
    %dma_start3A_20 = arith.constant 0 : i32
    %dma_start3A_21 = tpu.memref_slice %arg2[%dma_start3A_20, %mul3A_2] : memref<200x4096xi32, #tpu.memory_space<hbm>> -> memref<8x128xi32, #tpu.memory_space<hbm>>
    tpu.enqueue_dma source(%dma_start3A_21 : memref<8x128xi32, #tpu.memory_space<hbm>>) target(%dma_start3A_19 : memref<8x128xi32, #tpu.memory_space<vmem>>) target_semaphore(%dma_start3A_15 : memref<!tpu.dma_semaphore, #tpu.memory_space<semaphore_mem>>)
    %dma_wait3A = arith.constant 0 : i32
    %dma_wait3A_22 = arith.constant 0 : i32
    %dma_wait3A_23 = arith.constant 0 : i32
    %dma_wait3A_24 = arith.constant 0 : i32
    %dma_wait3A_25 = tpu.memref_slice %arg5[%dma_wait3A, %dma_wait3A_23, %dma_wait3A_24] : memref<2x8x128xi32, #tpu.memory_space<vmem>> -> memref<1x8x128xi32, #tpu.memory_space<vmem>>
    %dma_wait3A_26 = tpu.memref_squeeze %dma_wait3A_25 : memref<1x8x128xi32, #tpu.memory_space<vmem>> -> memref<8x128xi32, #tpu.memory_space<vmem>>
    %dma_wait3A_27 = arith.constant 0 : i32
    %dma_wait3A_28 = tpu.memref_slice %arg2[%dma_wait3A_27, %mul3A_2] : memref<200x4096xi32, #tpu.memory_space<hbm>> -> memref<8x128xi32, #tpu.memory_space<hbm>>
    %dma_wait3A_29 = tpu.memref_slice %arg8[%dma_wait3A_22] : memref<2x!tpu.dma_semaphore, #tpu.memory_space<semaphore_mem>> -> memref<1x!tpu.dma_semaphore, #tpu.memory_space<semaphore_mem>>
    %dma_wait3A_30 = tpu.memref_squeeze %dma_wait3A_29 : memref<1x!tpu.dma_semaphore, #tpu.memory_space<semaphore_mem>> -> memref<!tpu.dma_semaphore, #tpu.memory_space<semaphore_mem>>
    %dma_wait3A_31 = arith.constant 0 : i32
    %dma_wait3A_32 = arith.constant 0 : i32
    %dma_wait3A_33 = tpu.memref_slice %arg5[%dma_wait3A, %dma_wait3A_31, %dma_wait3A_32] : memref<2x8x128xi32, #tpu.memory_space<vmem>> -> memref<1x8x128xi32, #tpu.memory_space<vmem>>
    %dma_wait3A_34 = tpu.memref_squeeze %dma_wait3A_33 : memref<1x8x128xi32, #tpu.memory_space<vmem>> -> memref<8x128xi32, #tpu.memory_space<vmem>>
    %dma_wait3A_35 = arith.constant 0 : i32
    %dma_wait3A_36 = tpu.memref_slice %arg2[%dma_wait3A_35, %mul3A_2] : memref<200x4096xi32, #tpu.memory_space<hbm>> -> memref<8x128xi32, #tpu.memory_space<hbm>>
    tpu.wait_dma2 semaphore(%dma_wait3A_30 : memref<!tpu.dma_semaphore, #tpu.memory_space<semaphore_mem>>) src(%dma_wait3A_36 : memref<8x128xi32, #tpu.memory_space<hbm>>) dst(%dma_wait3A_34 : memref<8x128xi32, #tpu.memory_space<vmem>>)
    %dma_start3A_37 = arith.constant 0 : i32
    %dma_start3A_38 = arith.constant 0 : i32
    %dma_start3A_39 = arith.constant 0 : i32
    %dma_start3A_40 = arith.constant 0 : i32
    %dma_start3A_41 = arith.constant 0 : i32
    %dma_start3A_42 = arith.constant 0 : i32
    %dma_start3A_43 = tpu.memref_slice %arg6[%dma_start3A_39, %dma_start3A_41, %dma_start3A_42] : memref<8x128x64xf32, #tpu.memory_space<vmem>> -> memref<1x128x64xf32, #tpu.memory_space<vmem>>
    %dma_start3A_44 = tpu.memref_squeeze %dma_start3A_43 : memref<1x128x64xf32, #tpu.memory_space<vmem>> -> memref<128x64xf32, #tpu.memory_space<vmem>>
    %dma_start3A_45 = arith.constant 0 : i32
    %dma_start3A_46 = tpu.memref_slice %arg5[%dma_start3A_37, %dma_start3A_38, %dma_start3A_45] : memref<2x8x128xi32, #tpu.memory_space<vmem>> -> memref<1x1x128xi32, #tpu.memory_space<vmem>>
    %dma_start3A_47 = tpu.memref_squeeze %dma_start3A_46 : memref<1x1x128xi32, #tpu.memory_space<vmem>> -> memref<128xi32, #tpu.memory_space<vmem>>
    %dma_start3A_48 = arith.constant 0 : i32
    %dma_start3A_49 = arith.constant 0 : i32
    %dma_start3A_50 = tpu.memref_slice %arg3[%dma_start3A_48, %dma_start3A_49] : memref<1000000x64xf32, #tpu.memory_space<hbm>> -> memref<1000000x64xf32, #tpu.memory_space<hbm>>
    %dma_start3A_51 = tpu.memref_slice %arg9[%dma_start3A_40] : memref<8x!tpu.dma_semaphore, #tpu.memory_space<semaphore_mem>> -> memref<1x!tpu.dma_semaphore, #tpu.memory_space<semaphore_mem>>
    %dma_start3A_52 = tpu.memref_squeeze %dma_start3A_51 : memref<1x!tpu.dma_semaphore, #tpu.memory_space<semaphore_mem>> -> memref<!tpu.dma_semaphore, #tpu.memory_space<semaphore_mem>>
    tpu.enqueue_indirect_dma source(%dma_start3A_50 : memref<1000000x64xf32, #tpu.memory_space<hbm>>) target(%dma_start3A_44 : memref<128x64xf32, #tpu.memory_space<vmem>>) offsets(%dma_start3A_47 : memref<128xi32, #tpu.memory_space<vmem>>) semaphore(%dma_start3A_52 : memref<!tpu.dma_semaphore, #tpu.memory_space<semaphore_mem>>)
    %dma_start3A_53 = arith.constant 0 : i32
    %dma_start3A_54 = arith.constant 1 : i32
    %dma_start3A_55 = arith.constant 1 : i32
    %dma_start3A_56 = arith.constant 1 : i32
    %dma_start3A_57 = arith.constant 0 : i32
    %dma_start3A_58 = arith.constant 0 : i32
    %dma_start3A_59 = tpu.memref_slice %arg6[%dma_start3A_55, %dma_start3A_57, %dma_start3A_58] : memref<8x128x64xf32, #tpu.memory_space<vmem>> -> memref<1x128x64xf32, #tpu.memory_space<vmem>>
    %dma_start3A_60 = tpu.memref_squeeze %dma_start3A_59 : memref<1x128x64xf32, #tpu.memory_space<vmem>> -> memref<128x64xf32, #tpu.memory_space<vmem>>
    %dma_start3A_61 = arith.constant 0 : i32
    %dma_start3A_62 = tpu.memref_slice %arg5[%dma_start3A_53, %dma_start3A_54, %dma_start3A_61] : memref<2x8x128xi32, #tpu.memory_space<vmem>> -> memref<1x1x128xi32, #tpu.memory_space<vmem>>
    %dma_start3A_63 = tpu.memref_squeeze %dma_start3A_62 : memref<1x1x128xi32, #tpu.memory_space<vmem>> -> memref<128xi32, #tpu.memory_space<vmem>>
    %dma_start3A_64 = arith.constant 0 : i32
    %dma_start3A_65 = arith.constant 0 : i32
    %dma_start3A_66 = tpu.memref_slice %arg3[%dma_start3A_64, %dma_start3A_65] : memref<1000000x64xf32, #tpu.memory_space<hbm>> -> memref<1000000x64xf32, #tpu.memory_space<hbm>>
    %dma_start3A_67 = tpu.memref_slice %arg9[%dma_start3A_56] : memref<8x!tpu.dma_semaphore, #tpu.memory_space<semaphore_mem>> -> memref<1x!tpu.dma_semaphore, #tpu.memory_space<semaphore_mem>>
    %dma_start3A_68 = tpu.memref_squeeze %dma_start3A_67 : memref<1x!tpu.dma_semaphore, #tpu.memory_space<semaphore_mem>> -> memref<!tpu.dma_semaphore, #tpu.memory_space<semaphore_mem>>
    tpu.enqueue_indirect_dma source(%dma_start3A_66 : memref<1000000x64xf32, #tpu.memory_space<hbm>>) target(%dma_start3A_60 : memref<128x64xf32, #tpu.memory_space<vmem>>) offsets(%dma_start3A_63 : memref<128xi32, #tpu.memory_space<vmem>>) semaphore(%dma_start3A_68 : memref<!tpu.dma_semaphore, #tpu.memory_space<semaphore_mem>>)
    %dma_start3A_69 = arith.constant 0 : i32
    %dma_start3A_70 = arith.constant 2 : i32
    %dma_start3A_71 = arith.constant 2 : i32
    %dma_start3A_72 = arith.constant 2 : i32
    %dma_start3A_73 = arith.constant 0 : i32
    %dma_start3A_74 = arith.constant 0 : i32
    %dma_start3A_75 = tpu.memref_slice %arg6[%dma_start3A_71, %dma_start3A_73, %dma_start3A_74] : memref<8x128x64xf32, #tpu.memory_space<vmem>> -> memref<1x128x64xf32, #tpu.memory_space<vmem>>
    %dma_start3A_76 = tpu.memref_squeeze %dma_start3A_75 : memref<1x128x64xf32, #tpu.memory_space<vmem>> -> memref<128x64xf32, #tpu.memory_space<vmem>>
    %dma_start3A_77 = arith.constant 0 : i32
    %dma_start3A_78 = tpu.memref_slice %arg5[%dma_start3A_69, %dma_start3A_70, %dma_start3A_77] : memref<2x8x128xi32, #tpu.memory_space<vmem>> -> memref<1x1x128xi32, #tpu.memory_space<vmem>>
    %dma_start3A_79 = tpu.memref_squeeze %dma_start3A_78 : memref<1x1x128xi32, #tpu.memory_space<vmem>> -> memref<128xi32, #tpu.memory_space<vmem>>
    %dma_start3A_80 = arith.constant 0 : i32
    %dma_start3A_81 = arith.constant 0 : i32
    %dma_start3A_82 = tpu.memref_slice %arg3[%dma_start3A_80, %dma_start3A_81] : memref<1000000x64xf32, #tpu.memory_space<hbm>> -> memref<1000000x64xf32, #tpu.memory_space<hbm>>
    %dma_start3A_83 = tpu.memref_slice %arg9[%dma_start3A_72] : memref<8x!tpu.dma_semaphore, #tpu.memory_space<semaphore_mem>> -> memref<1x!tpu.dma_semaphore, #tpu.memory_space<semaphore_mem>>
    %dma_start3A_84 = tpu.memref_squeeze %dma_start3A_83 : memref<1x!tpu.dma_semaphore, #tpu.memory_space<semaphore_mem>> -> memref<!tpu.dma_semaphore, #tpu.memory_space<semaphore_mem>>
    tpu.enqueue_indirect_dma source(%dma_start3A_82 : memref<1000000x64xf32, #tpu.memory_space<hbm>>) target(%dma_start3A_76 : memref<128x64xf32, #tpu.memory_space<vmem>>) offsets(%dma_start3A_79 : memref<128xi32, #tpu.memory_space<vmem>>) semaphore(%dma_start3A_84 : memref<!tpu.dma_semaphore, #tpu.memory_space<semaphore_mem>>)
    %dma_start3A_85 = arith.constant 0 : i32
    %dma_start3A_86 = arith.constant 3 : i32
    %dma_start3A_87 = arith.constant 3 : i32
    %dma_start3A_88 = arith.constant 3 : i32
    %dma_start3A_89 = arith.constant 0 : i32
    %dma_start3A_90 = arith.constant 0 : i32
    %dma_start3A_91 = tpu.memref_slice %arg6[%dma_start3A_87, %dma_start3A_89, %dma_start3A_90] : memref<8x128x64xf32, #tpu.memory_space<vmem>> -> memref<1x128x64xf32, #tpu.memory_space<vmem>>
    %dma_start3A_92 = tpu.memref_squeeze %dma_start3A_91 : memref<1x128x64xf32, #tpu.memory_space<vmem>> -> memref<128x64xf32, #tpu.memory_space<vmem>>
    %dma_start3A_93 = arith.constant 0 : i32
    %dma_start3A_94 = tpu.memref_slice %arg5[%dma_start3A_85, %dma_start3A_86, %dma_start3A_93] : memref<2x8x128xi32, #tpu.memory_space<vmem>> -> memref<1x1x128xi32, #tpu.memory_space<vmem>>
    %dma_start3A_95 = tpu.memref_squeeze %dma_start3A_94 : memref<1x1x128xi32, #tpu.memory_space<vmem>> -> memref<128xi32, #tpu.memory_space<vmem>>
    %dma_start3A_96 = arith.constant 0 : i32
    %dma_start3A_97 = arith.constant 0 : i32
    %dma_start3A_98 = tpu.memref_slice %arg3[%dma_start3A_96, %dma_start3A_97] : memref<1000000x64xf32, #tpu.memory_space<hbm>> -> memref<1000000x64xf32, #tpu.memory_space<hbm>>
    %dma_start3A_99 = tpu.memref_slice %arg9[%dma_start3A_88] : memref<8x!tpu.dma_semaphore, #tpu.memory_space<semaphore_mem>> -> memref<1x!tpu.dma_semaphore, #tpu.memory_space<semaphore_mem>>
    %dma_start3A_100 = tpu.memref_squeeze %dma_start3A_99 : memref<1x!tpu.dma_semaphore, #tpu.memory_space<semaphore_mem>> -> memref<!tpu.dma_semaphore, #tpu.memory_space<semaphore_mem>>
    tpu.enqueue_indirect_dma source(%dma_start3A_98 : memref<1000000x64xf32, #tpu.memory_space<hbm>>) target(%dma_start3A_92 : memref<128x64xf32, #tpu.memory_space<vmem>>) offsets(%dma_start3A_95 : memref<128xi32, #tpu.memory_space<vmem>>) semaphore(%dma_start3A_100 : memref<!tpu.dma_semaphore, #tpu.memory_space<semaphore_mem>>)
    %dma_start3A_101 = arith.constant 0 : i32
    %dma_start3A_102 = arith.constant 4 : i32
    %dma_start3A_103 = arith.constant 4 : i32
    %dma_start3A_104 = arith.constant 4 : i32
    %dma_start3A_105 = arith.constant 0 : i32
    %dma_start3A_106 = arith.constant 0 : i32
    %dma_start3A_107 = tpu.memref_slice %arg6[%dma_start3A_103, %dma_start3A_105, %dma_start3A_106] : memref<8x128x64xf32, #tpu.memory_space<vmem>> -> memref<1x128x64xf32, #tpu.memory_space<vmem>>
    %dma_start3A_108 = tpu.memref_squeeze %dma_start3A_107 : memref<1x128x64xf32, #tpu.memory_space<vmem>> -> memref<128x64xf32, #tpu.memory_space<vmem>>
    %dma_start3A_109 = arith.constant 0 : i32
    %dma_start3A_110 = tpu.memref_slice %arg5[%dma_start3A_101, %dma_start3A_102, %dma_start3A_109] : memref<2x8x128xi32, #tpu.memory_space<vmem>> -> memref<1x1x128xi32, #tpu.memory_space<vmem>>
    %dma_start3A_111 = tpu.memref_squeeze %dma_start3A_110 : memref<1x1x128xi32, #tpu.memory_space<vmem>> -> memref<128xi32, #tpu.memory_space<vmem>>
    %dma_start3A_112 = arith.constant 0 : i32
    %dma_start3A_113 = arith.constant 0 : i32
    %dma_start3A_114 = tpu.memref_slice %arg3[%dma_start3A_112, %dma_start3A_113] : memref<1000000x64xf32, #tpu.memory_space<hbm>> -> memref<1000000x64xf32, #tpu.memory_space<hbm>>
    %dma_start3A_115 = tpu.memref_slice %arg9[%dma_start3A_104] : memref<8x!tpu.dma_semaphore, #tpu.memory_space<semaphore_mem>> -> memref<1x!tpu.dma_semaphore, #tpu.memory_space<semaphore_mem>>
    %dma_start3A_116 = tpu.memref_squeeze %dma_start3A_115 : memref<1x!tpu.dma_semaphore, #tpu.memory_space<semaphore_mem>> -> memref<!tpu.dma_semaphore, #tpu.memory_space<semaphore_mem>>
    tpu.enqueue_indirect_dma source(%dma_start3A_114 : memref<1000000x64xf32, #tpu.memory_space<hbm>>) target(%dma_start3A_108 : memref<128x64xf32, #tpu.memory_space<vmem>>) offsets(%dma_start3A_111 : memref<128xi32, #tpu.memory_space<vmem>>) semaphore(%dma_start3A_116 : memref<!tpu.dma_semaphore, #tpu.memory_space<semaphore_mem>>)
    %dma_start3A_117 = arith.constant 0 : i32
    %dma_start3A_118 = arith.constant 5 : i32
    %dma_start3A_119 = arith.constant 5 : i32
    %dma_start3A_120 = arith.constant 5 : i32
    %dma_start3A_121 = arith.constant 0 : i32
    %dma_start3A_122 = arith.constant 0 : i32
    %dma_start3A_123 = tpu.memref_slice %arg6[%dma_start3A_119, %dma_start3A_121, %dma_start3A_122] : memref<8x128x64xf32, #tpu.memory_space<vmem>> -> memref<1x128x64xf32, #tpu.memory_space<vmem>>
    %dma_start3A_124 = tpu.memref_squeeze %dma_start3A_123 : memref<1x128x64xf32, #tpu.memory_space<vmem>> -> memref<128x64xf32, #tpu.memory_space<vmem>>
    %dma_start3A_125 = arith.constant 0 : i32
    %dma_start3A_126 = tpu.memref_slice %arg5[%dma_start3A_117, %dma_start3A_118, %dma_start3A_125] : memref<2x8x128xi32, #tpu.memory_space<vmem>> -> memref<1x1x128xi32, #tpu.memory_space<vmem>>
    %dma_start3A_127 = tpu.memref_squeeze %dma_start3A_126 : memref<1x1x128xi32, #tpu.memory_space<vmem>> -> memref<128xi32, #tpu.memory_space<vmem>>
    %dma_start3A_128 = arith.constant 0 : i32
    %dma_start3A_129 = arith.constant 0 : i32
    %dma_start3A_130 = tpu.memref_slice %arg3[%dma_start3A_128, %dma_start3A_129] : memref<1000000x64xf32, #tpu.memory_space<hbm>> -> memref<1000000x64xf32, #tpu.memory_space<hbm>>
    %dma_start3A_131 = tpu.memref_slice %arg9[%dma_start3A_120] : memref<8x!tpu.dma_semaphore, #tpu.memory_space<semaphore_mem>> -> memref<1x!tpu.dma_semaphore, #tpu.memory_space<semaphore_mem>>
    %dma_start3A_132 = tpu.memref_squeeze %dma_start3A_131 : memref<1x!tpu.dma_semaphore, #tpu.memory_space<semaphore_mem>> -> memref<!tpu.dma_semaphore, #tpu.memory_space<semaphore_mem>>
    tpu.enqueue_indirect_dma source(%dma_start3A_130 : memref<1000000x64xf32, #tpu.memory_space<hbm>>) target(%dma_start3A_124 : memref<128x64xf32, #tpu.memory_space<vmem>>) offsets(%dma_start3A_127 : memref<128xi32, #tpu.memory_space<vmem>>) semaphore(%dma_start3A_132 : memref<!tpu.dma_semaphore, #tpu.memory_space<semaphore_mem>>)
    %dma_start3A_133 = arith.constant 0 : i32
    %dma_start3A_134 = arith.constant 6 : i32
    %dma_start3A_135 = arith.constant 6 : i32
    %dma_start3A_136 = arith.constant 6 : i32
    %dma_start3A_137 = arith.constant 0 : i32
    %dma_start3A_138 = arith.constant 0 : i32
    %dma_start3A_139 = tpu.memref_slice %arg6[%dma_start3A_135, %dma_start3A_137, %dma_start3A_138] : memref<8x128x64xf32, #tpu.memory_space<vmem>> -> memref<1x128x64xf32, #tpu.memory_space<vmem>>
    %dma_start3A_140 = tpu.memref_squeeze %dma_start3A_139 : memref<1x128x64xf32, #tpu.memory_space<vmem>> -> memref<128x64xf32, #tpu.memory_space<vmem>>
    %dma_start3A_141 = arith.constant 0 : i32
    %dma_start3A_142 = tpu.memref_slice %arg5[%dma_start3A_133, %dma_start3A_134, %dma_start3A_141] : memref<2x8x128xi32, #tpu.memory_space<vmem>> -> memref<1x1x128xi32, #tpu.memory_space<vmem>>
    %dma_start3A_143 = tpu.memref_squeeze %dma_start3A_142 : memref<1x1x128xi32, #tpu.memory_space<vmem>> -> memref<128xi32, #tpu.memory_space<vmem>>
    %dma_start3A_144 = arith.constant 0 : i32
    %dma_start3A_145 = arith.constant 0 : i32
    %dma_start3A_146 = tpu.memref_slice %arg3[%dma_start3A_144, %dma_start3A_145] : memref<1000000x64xf32, #tpu.memory_space<hbm>> -> memref<1000000x64xf32, #tpu.memory_space<hbm>>
    %dma_start3A_147 = tpu.memref_slice %arg9[%dma_start3A_136] : memref<8x!tpu.dma_semaphore, #tpu.memory_space<semaphore_mem>> -> memref<1x!tpu.dma_semaphore, #tpu.memory_space<semaphore_mem>>
    %dma_start3A_148 = tpu.memref_squeeze %dma_start3A_147 : memref<1x!tpu.dma_semaphore, #tpu.memory_space<semaphore_mem>> -> memref<!tpu.dma_semaphore, #tpu.memory_space<semaphore_mem>>
    tpu.enqueue_indirect_dma source(%dma_start3A_146 : memref<1000000x64xf32, #tpu.memory_space<hbm>>) target(%dma_start3A_140 : memref<128x64xf32, #tpu.memory_space<vmem>>) offsets(%dma_start3A_143 : memref<128xi32, #tpu.memory_space<vmem>>) semaphore(%dma_start3A_148 : memref<!tpu.dma_semaphore, #tpu.memory_space<semaphore_mem>>)
    %dma_start3A_149 = arith.constant 0 : i32
    %dma_start3A_150 = arith.constant 7 : i32
    %dma_start3A_151 = arith.constant 7 : i32
    %dma_start3A_152 = arith.constant 7 : i32
    %dma_start3A_153 = arith.constant 0 : i32
    %dma_start3A_154 = arith.constant 0 : i32
    %dma_start3A_155 = tpu.memref_slice %arg6[%dma_start3A_151, %dma_start3A_153, %dma_start3A_154] : memref<8x128x64xf32, #tpu.memory_space<vmem>> -> memref<1x128x64xf32, #tpu.memory_space<vmem>>
    %dma_start3A_156 = tpu.memref_squeeze %dma_start3A_155 : memref<1x128x64xf32, #tpu.memory_space<vmem>> -> memref<128x64xf32, #tpu.memory_space<vmem>>
    %dma_start3A_157 = arith.constant 0 : i32
    %dma_start3A_158 = tpu.memref_slice %arg5[%dma_start3A_149, %dma_start3A_150, %dma_start3A_157] : memref<2x8x128xi32, #tpu.memory_space<vmem>> -> memref<1x1x128xi32, #tpu.memory_space<vmem>>
    %dma_start3A_159 = tpu.memref_squeeze %dma_start3A_158 : memref<1x1x128xi32, #tpu.memory_space<vmem>> -> memref<128xi32, #tpu.memory_space<vmem>>
    %dma_start3A_160 = arith.constant 0 : i32
    %dma_start3A_161 = arith.constant 0 : i32
    %dma_start3A_162 = tpu.memref_slice %arg3[%dma_start3A_160, %dma_start3A_161] : memref<1000000x64xf32, #tpu.memory_space<hbm>> -> memref<1000000x64xf32, #tpu.memory_space<hbm>>
    %dma_start3A_163 = tpu.memref_slice %arg9[%dma_start3A_152] : memref<8x!tpu.dma_semaphore, #tpu.memory_space<semaphore_mem>> -> memref<1x!tpu.dma_semaphore, #tpu.memory_space<semaphore_mem>>
    %dma_start3A_164 = tpu.memref_squeeze %dma_start3A_163 : memref<1x!tpu.dma_semaphore, #tpu.memory_space<semaphore_mem>> -> memref<!tpu.dma_semaphore, #tpu.memory_space<semaphore_mem>>
    tpu.enqueue_indirect_dma source(%dma_start3A_162 : memref<1000000x64xf32, #tpu.memory_space<hbm>>) target(%dma_start3A_156 : memref<128x64xf32, #tpu.memory_space<vmem>>) offsets(%dma_start3A_159 : memref<128xi32, #tpu.memory_space<vmem>>) semaphore(%dma_start3A_164 : memref<!tpu.dma_semaphore, #tpu.memory_space<semaphore_mem>>)
    %scan3A = arith.constant 0 : i32
    %scan3A_165 = arith.constant 25 : i32
    %scan3A_166 = arith.addi %scan3A, %scan3A_165 : i32
    %scan3A_167 = arith.constant 1 : i32
    scf.for %scan3A_219 = %scan3A to %scan3A_166 step %scan3A_167  : i32 {
      %rem3A_220 = arith.constant 2 : i32
      %rem3A_221 = arith.remsi %scan3A_219, %rem3A_220 : i32
      %add3A_222 = arith.constant 1 : i32
      %add3A_223 = arith.addi %scan3A_219, %add3A_222 : i32
      %lt3A = arith.constant 25 : i32
      %lt3A_224 = arith.cmpi slt, %add3A_223, %lt3A : i32
      %convert_element_type3A = arith.extui %lt3A_224 : i1 to i32
      %cond3A = arith.constant 0 : i32
      %cond3A_225 = arith.cmpi ne, %convert_element_type3A, %cond3A : i32
      scf.if %cond3A_225 {
        %add3A_712 = arith.constant 1 : i32
        %add3A_713 = arith.addi %scan3A_219, %add3A_712 : i32
        %sub3A = arith.constant 1 : i32
        %sub3A_714 = arith.subi %sub3A, %rem3A_221 : i32
        %mul3A_715 = arith.constant 8 : i32
        %mul3A_716 = arith.muli %mul3A_715, %add3A_713 : i32
        %dma_start3A_717 = arith.constant 0 : i32
        %dma_start3A_718 = arith.constant 0 : i32
        %dma_start3A_719 = tpu.memref_slice %arg5[%sub3A_714, %dma_start3A_717, %dma_start3A_718] : memref<2x8x128xi32, #tpu.memory_space<vmem>> -> memref<1x8x128xi32, #tpu.memory_space<vmem>>
        %dma_start3A_720 = tpu.memref_squeeze %dma_start3A_719 : memref<1x8x128xi32, #tpu.memory_space<vmem>> -> memref<8x128xi32, #tpu.memory_space<vmem>>
        %dma_start3A_721 = tpu.memref_slice %arg2[%mul3A_716, %mul3A_2] : memref<200x4096xi32, #tpu.memory_space<hbm>> -> memref<8x128xi32, #tpu.memory_space<hbm>>
        %dma_start3A_722 = tpu.memref_slice %arg8[%sub3A_714] : memref<2x!tpu.dma_semaphore, #tpu.memory_space<semaphore_mem>> -> memref<1x!tpu.dma_semaphore, #tpu.memory_space<semaphore_mem>>
        %dma_start3A_723 = tpu.memref_squeeze %dma_start3A_722 : memref<1x!tpu.dma_semaphore, #tpu.memory_space<semaphore_mem>> -> memref<!tpu.dma_semaphore, #tpu.memory_space<semaphore_mem>>
        %dma_start3A_724 = arith.constant 0 : i32
        %dma_start3A_725 = arith.constant 0 : i32
        %dma_start3A_726 = tpu.memref_slice %arg5[%sub3A_714, %dma_start3A_724, %dma_start3A_725] : memref<2x8x128xi32, #tpu.memory_space<vmem>> -> memref<1x8x128xi32, #tpu.memory_space<vmem>>
        %dma_start3A_727 = tpu.memref_squeeze %dma_start3A_726 : memref<1x8x128xi32, #tpu.memory_space<vmem>> -> memref<8x128xi32, #tpu.memory_space<vmem>>
        %dma_start3A_728 = tpu.memref_slice %arg2[%mul3A_716, %mul3A_2] : memref<200x4096xi32, #tpu.memory_space<hbm>> -> memref<8x128xi32, #tpu.memory_space<hbm>>
        tpu.enqueue_dma source(%dma_start3A_728 : memref<8x128xi32, #tpu.memory_space<hbm>>) target(%dma_start3A_727 : memref<8x128xi32, #tpu.memory_space<vmem>>) target_semaphore(%dma_start3A_723 : memref<!tpu.dma_semaphore, #tpu.memory_space<semaphore_mem>>)
      } else {
      }
      %mul3A_226 = arith.constant 8 : i32
      %mul3A_227 = arith.muli %mul3A_226, %scan3A_219 : i32
      %add3A_228 = arith.constant 0 : i32
      %add3A_229 = arith.addi %mul3A_227, %add3A_228 : i32
      %dma_wait3A_230 = arith.constant 0 : i32
      %dma_wait3A_231 = arith.constant 0 : i32
      %dma_wait3A_232 = arith.constant 0 : i32
      %dma_wait3A_233 = arith.constant 0 : i32
      %dma_wait3A_234 = arith.constant 0 : i32
      %dma_wait3A_235 = tpu.memref_slice %arg6[%dma_wait3A_231, %dma_wait3A_233, %dma_wait3A_234] : memref<8x128x64xf32, #tpu.memory_space<vmem>> -> memref<1x128x64xf32, #tpu.memory_space<vmem>>
      %dma_wait3A_236 = tpu.memref_squeeze %dma_wait3A_235 : memref<1x128x64xf32, #tpu.memory_space<vmem>> -> memref<128x64xf32, #tpu.memory_space<vmem>>
      %dma_wait3A_237 = arith.constant 0 : i32
      %dma_wait3A_238 = tpu.memref_slice %arg5[%rem3A_221, %dma_wait3A_230, %dma_wait3A_237] : memref<2x8x128xi32, #tpu.memory_space<vmem>> -> memref<1x1x128xi32, #tpu.memory_space<vmem>>
      %dma_wait3A_239 = tpu.memref_squeeze %dma_wait3A_238 : memref<1x1x128xi32, #tpu.memory_space<vmem>> -> memref<128xi32, #tpu.memory_space<vmem>>
      %dma_wait3A_240 = arith.constant 0 : i32
      %dma_wait3A_241 = arith.constant 0 : i32
      %dma_wait3A_242 = tpu.memref_slice %arg3[%dma_wait3A_240, %dma_wait3A_241] : memref<1000000x64xf32, #tpu.memory_space<hbm>> -> memref<1000000x64xf32, #tpu.memory_space<hbm>>
      %dma_wait3A_243 = tpu.memref_slice %arg9[%dma_wait3A_232] : memref<8x!tpu.dma_semaphore, #tpu.memory_space<semaphore_mem>> -> memref<1x!tpu.dma_semaphore, #tpu.memory_space<semaphore_mem>>
      %dma_wait3A_244 = tpu.memref_squeeze %dma_wait3A_243 : memref<1x!tpu.dma_semaphore, #tpu.memory_space<semaphore_mem>> -> memref<!tpu.dma_semaphore, #tpu.memory_space<semaphore_mem>>
      tpu.wait_indirect_dma semaphore(%dma_wait3A_244 : memref<!tpu.dma_semaphore, #tpu.memory_space<semaphore_mem>>) src(%dma_wait3A_242 : memref<1000000x64xf32, #tpu.memory_space<hbm>>) dst(%dma_wait3A_236 : memref<128x64xf32, #tpu.memory_space<vmem>>)
      %ge3A = arith.constant 2 : i32
      %ge3A_245 = arith.cmpi sge, %add3A_229, %ge3A : i32
      %convert_element_type3A_246 = arith.extui %ge3A_245 : i1 to i32
      %cond3A_247 = arith.constant 0 : i32
      %cond3A_248 = arith.cmpi ne, %convert_element_type3A_246, %cond3A_247 : i32
      scf.if %cond3A_248 {
        %sub3A = arith.constant 2 : i32
        %sub3A_712 = arith.subi %add3A_229, %sub3A : i32
        %dma_wait3A_713 = arith.constant 0 : i32
        %dma_wait3A_714 = arith.constant 0 : i32
        %dma_wait3A_715 = arith.constant 0 : i32
        %dma_wait3A_716 = arith.constant 0 : i32
        %dma_wait3A_717 = arith.constant 0 : i32
        %dma_wait3A_718 = tpu.memref_slice %arg7[%dma_wait3A_713, %dma_wait3A_715, %dma_wait3A_716, %dma_wait3A_717] : memref<2x8x8x129xf32, #tpu.memory_space<vmem>> -> memref<1x8x8x128xf32, #tpu.memory_space<vmem>>
        %dma_wait3A_719 = tpu.memref_squeeze %dma_wait3A_718 : memref<1x8x8x128xf32, #tpu.memory_space<vmem>> -> memref<8x8x128xf32, #tpu.memory_space<vmem>>
        %dma_wait3A_720 = arith.constant 0 : i32
        %dma_wait3A_721 = arith.constant 0 : i32
        %dma_wait3A_722 = arith.constant 0 : i32
        %dma_wait3A_723 = tpu.memref_slice %arg4[%sub3A_712, %dma_wait3A_720, %add3A, %dma_wait3A_721, %dma_wait3A_722] : memref<200x8x32x8x128xf32, #tpu.memory_space<hbm>> -> memref<1x8x1x8x128xf32, #tpu.memory_space<hbm>>
        %dma_wait3A_724 = tpu.memref_squeeze %dma_wait3A_723 : memref<1x8x1x8x128xf32, #tpu.memory_space<hbm>> -> memref<8x8x128xf32, #tpu.memory_space<hbm>>
        %dma_wait3A_725 = tpu.memref_slice %arg10[%dma_wait3A_714] : memref<2x!tpu.dma_semaphore, #tpu.memory_space<semaphore_mem>> -> memref<1x!tpu.dma_semaphore, #tpu.memory_space<semaphore_mem>>
        %dma_wait3A_726 = tpu.memref_squeeze %dma_wait3A_725 : memref<1x!tpu.dma_semaphore, #tpu.memory_space<semaphore_mem>> -> memref<!tpu.dma_semaphore, #tpu.memory_space<semaphore_mem>>
        %dma_wait3A_727 = arith.constant 0 : i32
        %dma_wait3A_728 = arith.constant 0 : i32
        %dma_wait3A_729 = arith.constant 0 : i32
        %dma_wait3A_730 = tpu.memref_slice %arg4[%sub3A_712, %dma_wait3A_727, %add3A, %dma_wait3A_728, %dma_wait3A_729] : memref<200x8x32x8x128xf32, #tpu.memory_space<hbm>> -> memref<1x8x1x8x128xf32, #tpu.memory_space<hbm>>
        %dma_wait3A_731 = tpu.memref_squeeze %dma_wait3A_730 : memref<1x8x1x8x128xf32, #tpu.memory_space<hbm>> -> memref<8x8x128xf32, #tpu.memory_space<hbm>>
        %dma_wait3A_732 = arith.constant 0 : i32
        %dma_wait3A_733 = arith.constant 0 : i32
        %dma_wait3A_734 = arith.constant 0 : i32
        %dma_wait3A_735 = tpu.memref_slice %arg7[%dma_wait3A_713, %dma_wait3A_732, %dma_wait3A_733, %dma_wait3A_734] : memref<2x8x8x129xf32, #tpu.memory_space<vmem>> -> memref<1x8x8x128xf32, #tpu.memory_space<vmem>>
        %dma_wait3A_736 = tpu.memref_squeeze %dma_wait3A_735 : memref<1x8x8x128xf32, #tpu.memory_space<vmem>> -> memref<8x8x128xf32, #tpu.memory_space<vmem>>
        tpu.wait_dma2 semaphore(%dma_wait3A_726 : memref<!tpu.dma_semaphore, #tpu.memory_space<semaphore_mem>>) src(%dma_wait3A_736 : memref<8x8x128xf32, #tpu.memory_space<vmem>>) dst(%dma_wait3A_731 : memref<8x8x128xf32, #tpu.memory_space<hbm>>)
      } else {
      }
      %scan3A_249 = arith.constant 0 : i32
      %scan3A_250 = arith.constant 128 : i32
      %scan3A_251 = arith.addi %scan3A_249, %scan3A_250 : i32
      %scan3A_252 = arith.constant 1 : i32
      scf.for %scan3A_712 = %scan3A_249 to %scan3A_251 step %scan3A_252  : i32 {
        %broadcast_in_dim3A = vector.broadcast %scan3A_712 : i32 to vector<16xi32>
        %get3A = arith.constant 0 : i32
        %get3A_713 = arith.index_cast %get3A : i32 to index
        %get3A_714 = arith.index_cast %scan3A_712 : i32 to index
        %get3A_715 = arith.constant 0 : index
        %get3A_716 = tpu.vector_load %arg6[%get3A_713, %get3A_714, %get3A_715] {strides = array<i32>} : memref<8x128x64xf32, #tpu.memory_space<vmem>>, vector<16xf32>,
        %get3A_717 = arith.constant 0 : i32
        %get3A_718 = arith.index_cast %get3A_717 : i32 to index
        %get3A_719 = arith.index_cast %scan3A_712 : i32 to index
        %get3A_720 = arith.constant 16 : index
        %get3A_721 = tpu.vector_load %arg6[%get3A_718, %get3A_719, %get3A_720] {strides = array<i32>} : memref<8x128x64xf32, #tpu.memory_space<vmem>>, vector<16xf32>,
        %get3A_722 = arith.constant 0 : i32
        %get3A_723 = arith.index_cast %get3A_722 : i32 to index
        %get3A_724 = arith.index_cast %scan3A_712 : i32 to index
        %get3A_725 = arith.constant 32 : index
        %get3A_726 = tpu.vector_load %arg6[%get3A_723, %get3A_724, %get3A_725] {strides = array<i32>} : memref<8x128x64xf32, #tpu.memory_space<vmem>>, vector<16xf32>,
        %get3A_727 = arith.constant 0 : i32
        %get3A_728 = arith.index_cast %get3A_727 : i32 to index
        %get3A_729 = arith.index_cast %scan3A_712 : i32 to index
        %get3A_730 = arith.constant 48 : index
        %get3A_731 = tpu.vector_load %arg6[%get3A_728, %get3A_729, %get3A_730] {strides = array<i32>} : memref<8x128x64xf32, #tpu.memory_space<vmem>>, vector<16xf32>,
        %add3A_732 = arith.constant 0 : i32
        %add3A_733 = vector.broadcast %add3A_732 : i32 to vector<16xi32>
        %add3A_734 = arith.addi %add3A_733, %div3A_4 : vector<16xi32>
        %scatter3A = arith.constant 0 : i32
        %scatter3A_735 = arith.constant 0 : i32
        %scatter3A_736 = arith.constant 0 : i32
        %scatter3A_737 = arith.constant 0 : i32
        %scatter3A_738 = tpu.memref_slice %arg7[%scatter3A, %scatter3A_735, %scatter3A_736, %scatter3A_737] : memref<2x8x8x129xf32, #tpu.memory_space<vmem>> -> memref<1x8x8x129xf32, #tpu.memory_space<vmem>>
        %scatter3A_739 = tpu.memref_squeeze %scatter3A_738 : memref<1x8x8x129xf32, #tpu.memory_space<vmem>> -> memref<8x8x129xf32, #tpu.memory_space<vmem>>
        tpu.vector_store_idx %scatter3A_739[%add3A_734, %rem3A_6, %broadcast_in_dim3A], %get3A_716 : memref<8x8x129xf32, #tpu.memory_space<vmem>>[vector<16xi32>, vector<16xi32>, vector<16xi32>], vector<16xf32>,
        %add3A_740 = arith.constant 2 : i32
        %add3A_741 = vector.broadcast %add3A_740 : i32 to vector<16xi32>
        %add3A_742 = arith.addi %add3A_741, %div3A_4 : vector<16xi32>
        %scatter3A_743 = arith.constant 0 : i32
        %scatter3A_744 = arith.constant 0 : i32
        %scatter3A_745 = arith.constant 0 : i32
        %scatter3A_746 = arith.constant 0 : i32
        %scatter3A_747 = tpu.memref_slice %arg7[%scatter3A_743, %scatter3A_744, %scatter3A_745, %scatter3A_746] : memref<2x8x8x129xf32, #tpu.memory_space<vmem>> -> memref<1x8x8x129xf32, #tpu.memory_space<vmem>>
        %scatter3A_748 = tpu.memref_squeeze %scatter3A_747 : memref<1x8x8x129xf32, #tpu.memory_space<vmem>> -> memref<8x8x129xf32, #tpu.memory_space<vmem>>
        tpu.vector_store_idx %scatter3A_748[%add3A_742, %rem3A_6, %broadcast_in_dim3A], %get3A_721 : memref<8x8x129xf32, #tpu.memory_space<vmem>>[vector<16xi32>, vector<16xi32>, vector<16xi32>], vector<16xf32>,
        %add3A_749 = arith.constant 4 : i32
        %add3A_750 = vector.broadcast %add3A_749 : i32 to vector<16xi32>
        %add3A_751 = arith.addi %add3A_750, %div3A_4 : vector<16xi32>
        %scatter3A_752 = arith.constant 0 : i32
        %scatter3A_753 = arith.constant 0 : i32
        %scatter3A_754 = arith.constant 0 : i32
        %scatter3A_755 = arith.constant 0 : i32
        %scatter3A_756 = tpu.memref_slice %arg7[%scatter3A_752, %scatter3A_753, %scatter3A_754, %scatter3A_755] : memref<2x8x8x129xf32, #tpu.memory_space<vmem>> -> memref<1x8x8x129xf32, #tpu.memory_space<vmem>>
        %scatter3A_757 = tpu.memref_squeeze %scatter3A_756 : memref<1x8x8x129xf32, #tpu.memory_space<vmem>> -> memref<8x8x129xf32, #tpu.memory_space<vmem>>
        tpu.vector_store_idx %scatter3A_757[%add3A_751, %rem3A_6, %broadcast_in_dim3A], %get3A_726 : memref<8x8x129xf32, #tpu.memory_space<vmem>>[vector<16xi32>, vector<16xi32>, vector<16xi32>], vector<16xf32>,
        %add3A_758 = arith.constant 6 : i32
        %add3A_759 = vector.broadcast %add3A_758 : i32 to vector<16xi32>
        %add3A_760 = arith.addi %add3A_759, %div3A_4 : vector<16xi32>
        %scatter3A_761 = arith.constant 0 : i32
        %scatter3A_762 = arith.constant 0 : i32
        %scatter3A_763 = arith.constant 0 : i32
        %scatter3A_764 = arith.constant 0 : i32
        %scatter3A_765 = tpu.memref_slice %arg7[%scatter3A_761, %scatter3A_762, %scatter3A_763, %scatter3A_764] : memref<2x8x8x129xf32, #tpu.memory_space<vmem>> -> memref<1x8x8x129xf32, #tpu.memory_space<vmem>>
        %scatter3A_766 = tpu.memref_squeeze %scatter3A_765 : memref<1x8x8x129xf32, #tpu.memory_space<vmem>> -> memref<8x8x129xf32, #tpu.memory_space<vmem>>
        tpu.vector_store_idx %scatter3A_766[%add3A_760, %rem3A_6, %broadcast_in_dim3A], %get3A_731 : memref<8x8x129xf32, #tpu.memory_space<vmem>>[vector<16xi32>, vector<16xi32>, vector<16xi32>], vector<16xf32>,
      }
      %scan3A_253 = arith.constant 128 : i32
      %dma_start3A_254 = arith.constant 0 : i32
      %dma_start3A_255 = arith.constant 0 : i32
      %dma_start3A_256 = arith.constant 0 : i32
      %dma_start3A_257 = arith.constant 0 : i32
      %dma_start3A_258 = arith.constant 0 : i32
      %dma_start3A_259 = tpu.memref_slice %arg7[%dma_start3A_254, %dma_start3A_256, %dma_start3A_257, %dma_start3A_258] : memref<2x8x8x129xf32, #tpu.memory_space<vmem>> -> memref<1x8x8x128xf32, #tpu.memory_space<vmem>>
      %dma_start3A_260 = tpu.memref_squeeze %dma_start3A_259 : memref<1x8x8x128xf32, #tpu.memory_space<vmem>> -> memref<8x8x128xf32, #tpu.memory_space<vmem>>
      %dma_start3A_261 = arith.constant 0 : i32
      %dma_start3A_262 = arith.constant 0 : i32
      %dma_start3A_263 = arith.constant 0 : i32
      %dma_start3A_264 = tpu.memref_slice %arg4[%add3A_229, %dma_start3A_261, %add3A, %dma_start3A_262, %dma_start3A_263] : memref<200x8x32x8x128xf32, #tpu.memory_space<hbm>> -> memref<1x8x1x8x128xf32, #tpu.memory_space<hbm>>
      %dma_start3A_265 = tpu.memref_squeeze %dma_start3A_264 : memref<1x8x1x8x128xf32, #tpu.memory_space<hbm>> -> memref<8x8x128xf32, #tpu.memory_space<hbm>>
      %dma_start3A_266 = tpu.memref_slice %arg10[%dma_start3A_255] : memref<2x!tpu.dma_semaphore, #tpu.memory_space<semaphore_mem>> -> memref<1x!tpu.dma_semaphore, #tpu.memory_space<semaphore_mem>>
      %dma_start3A_267 = tpu.memref_squeeze %dma_start3A_266 : memref<1x!tpu.dma_semaphore, #tpu.memory_space<semaphore_mem>> -> memref<!tpu.dma_semaphore, #tpu.memory_space<semaphore_mem>>
      %dma_start3A_268 = arith.constant 0 : i32
      %dma_start3A_269 = arith.constant 0 : i32
      %dma_start3A_270 = arith.constant 0 : i32
      %dma_start3A_271 = tpu.memref_slice %arg4[%add3A_229, %dma_start3A_268, %add3A, %dma_start3A_269, %dma_start3A_270] : memref<200x8x32x8x128xf32, #tpu.memory_space<hbm>> -> memref<1x8x1x8x128xf32, #tpu.memory_space<hbm>>
      %dma_start3A_272 = tpu.memref_squeeze %dma_start3A_271 : memref<1x8x1x8x128xf32, #tpu.memory_space<hbm>> -> memref<8x8x128xf32, #tpu.memory_space<hbm>>
      %dma_start3A_273 = arith.constant 0 : i32
      %dma_start3A_274 = arith.constant 0 : i32
      %dma_start3A_275 = arith.constant 0 : i32
      %dma_start3A_276 = tpu.memref_slice %arg7[%dma_start3A_254, %dma_start3A_273, %dma_start3A_274, %dma_start3A_275] : memref<2x8x8x129xf32, #tpu.memory_space<vmem>> -> memref<1x8x8x128xf32, #tpu.memory_space<vmem>>
      %dma_start3A_277 = tpu.memref_squeeze %dma_start3A_276 : memref<1x8x8x128xf32, #tpu.memory_space<vmem>> -> memref<8x8x128xf32, #tpu.memory_space<vmem>>
      tpu.enqueue_dma source(%dma_start3A_277 : memref<8x8x128xf32, #tpu.memory_space<vmem>>) target(%dma_start3A_272 : memref<8x8x128xf32, #tpu.memory_space<hbm>>) target_semaphore(%dma_start3A_267 : memref<!tpu.dma_semaphore, #tpu.memory_space<semaphore_mem>>)
      %add3A_278 = arith.constant 1 : i32
      %add3A_279 = arith.addi %scan3A_219, %add3A_278 : i32
      %lt3A_280 = arith.constant 25 : i32
      %lt3A_281 = arith.cmpi slt, %add3A_279, %lt3A_280 : i32
      %convert_element_type3A_282 = arith.extui %lt3A_281 : i1 to i32
      %cond3A_283 = arith.constant 0 : i32
      %cond3A_284 = arith.cmpi ne, %convert_element_type3A_282, %cond3A_283 : i32
      scf.if %cond3A_284 {
        %add3A_712 = arith.constant 1 : i32
        %add3A_713 = arith.addi %scan3A_219, %add3A_712 : i32
        %sub3A = arith.constant 1 : i32
        %sub3A_714 = arith.subi %sub3A, %rem3A_221 : i32
        %mul3A_715 = arith.constant 8 : i32
        %mul3A_716 = arith.muli %mul3A_715, %add3A_713 : i32
        %dma_wait3A_717 = arith.constant 0 : i32
        %dma_wait3A_718 = arith.constant 0 : i32
        %dma_wait3A_719 = tpu.memref_slice %arg5[%sub3A_714, %dma_wait3A_717, %dma_wait3A_718] : memref<2x8x128xi32, #tpu.memory_space<vmem>> -> memref<1x8x128xi32, #tpu.memory_space<vmem>>
        %dma_wait3A_720 = tpu.memref_squeeze %dma_wait3A_719 : memref<1x8x128xi32, #tpu.memory_space<vmem>> -> memref<8x128xi32, #tpu.memory_space<vmem>>
        %dma_wait3A_721 = tpu.memref_slice %arg2[%mul3A_716, %mul3A_2] : memref<200x4096xi32, #tpu.memory_space<hbm>> -> memref<8x128xi32, #tpu.memory_space<hbm>>
        %dma_wait3A_722 = tpu.memref_slice %arg8[%sub3A_714] : memref<2x!tpu.dma_semaphore, #tpu.memory_space<semaphore_mem>> -> memref<1x!tpu.dma_semaphore, #tpu.memory_space<semaphore_mem>>
        %dma_wait3A_723 = tpu.memref_squeeze %dma_wait3A_722 : memref<1x!tpu.dma_semaphore, #tpu.memory_space<semaphore_mem>> -> memref<!tpu.dma_semaphore, #tpu.memory_space<semaphore_mem>>
        %dma_wait3A_724 = arith.constant 0 : i32
        %dma_wait3A_725 = arith.constant 0 : i32
        %dma_wait3A_726 = tpu.memref_slice %arg5[%sub3A_714, %dma_wait3A_724, %dma_wait3A_725] : memref<2x8x128xi32, #tpu.memory_space<vmem>> -> memref<1x8x128xi32, #tpu.memory_space<vmem>>
        %dma_wait3A_727 = tpu.memref_squeeze %dma_wait3A_726 : memref<1x8x128xi32, #tpu.memory_space<vmem>> -> memref<8x128xi32, #tpu.memory_space<vmem>>
        %dma_wait3A_728 = tpu.memref_slice %arg2[%mul3A_716, %mul3A_2] : memref<200x4096xi32, #tpu.memory_space<hbm>> -> memref<8x128xi32, #tpu.memory_space<hbm>>
        tpu.wait_dma2 semaphore(%dma_wait3A_723 : memref<!tpu.dma_semaphore, #tpu.memory_space<semaphore_mem>>) src(%dma_wait3A_728 : memref<8x128xi32, #tpu.memory_space<hbm>>) dst(%dma_wait3A_727 : memref<8x128xi32, #tpu.memory_space<vmem>>)
      } else {
      }
      %add3A_285 = arith.constant 1 : i32
      %add3A_286 = arith.addi %scan3A_219, %add3A_285 : i32
      %lt3A_287 = arith.constant 25 : i32
      %lt3A_288 = arith.cmpi slt, %add3A_286, %lt3A_287 : i32
      %convert_element_type3A_289 = arith.extui %lt3A_288 : i1 to i32
      %cond3A_290 = arith.constant 0 : i32
      %cond3A_291 = arith.cmpi ne, %convert_element_type3A_289, %cond3A_290 : i32
      scf.if %cond3A_291 {
        %sub3A = arith.constant 1 : i32
        %sub3A_712 = arith.subi %sub3A, %rem3A_221 : i32
        %dma_start3A_713 = arith.constant 0 : i32
        %dma_start3A_714 = arith.constant 0 : i32
        %dma_start3A_715 = arith.constant 0 : i32
        %dma_start3A_716 = arith.constant 0 : i32
        %dma_start3A_717 = arith.constant 0 : i32
        %dma_start3A_718 = tpu.memref_slice %arg6[%dma_start3A_714, %dma_start3A_716, %dma_start3A_717] : memref<8x128x64xf32, #tpu.memory_space<vmem>> -> memref<1x128x64xf32, #tpu.memory_space<vmem>>
        %dma_start3A_719 = tpu.memref_squeeze %dma_start3A_718 : memref<1x128x64xf32, #tpu.memory_space<vmem>> -> memref<128x64xf32, #tpu.memory_space<vmem>>
        %dma_start3A_720 = arith.constant 0 : i32
        %dma_start3A_721 = tpu.memref_slice %arg5[%sub3A_712, %dma_start3A_713, %dma_start3A_720] : memref<2x8x128xi32, #tpu.memory_space<vmem>> -> memref<1x1x128xi32, #tpu.memory_space<vmem>>
        %dma_start3A_722 = tpu.memref_squeeze %dma_start3A_721 : memref<1x1x128xi32, #tpu.memory_space<vmem>> -> memref<128xi32, #tpu.memory_space<vmem>>
        %dma_start3A_723 = arith.constant 0 : i32
        %dma_start3A_724 = arith.constant 0 : i32
        %dma_start3A_725 = tpu.memref_slice %arg3[%dma_start3A_723, %dma_start3A_724] : memref<1000000x64xf32, #tpu.memory_space<hbm>> -> memref<1000000x64xf32, #tpu.memory_space<hbm>>
        %dma_start3A_726 = tpu.memref_slice %arg9[%dma_start3A_715] : memref<8x!tpu.dma_semaphore, #tpu.memory_space<semaphore_mem>> -> memref<1x!tpu.dma_semaphore, #tpu.memory_space<semaphore_mem>>
        %dma_start3A_727 = tpu.memref_squeeze %dma_start3A_726 : memref<1x!tpu.dma_semaphore, #tpu.memory_space<semaphore_mem>> -> memref<!tpu.dma_semaphore, #tpu.memory_space<semaphore_mem>>
        tpu.enqueue_indirect_dma source(%dma_start3A_725 : memref<1000000x64xf32, #tpu.memory_space<hbm>>) target(%dma_start3A_719 : memref<128x64xf32, #tpu.memory_space<vmem>>) offsets(%dma_start3A_722 : memref<128xi32, #tpu.memory_space<vmem>>) semaphore(%dma_start3A_727 : memref<!tpu.dma_semaphore, #tpu.memory_space<semaphore_mem>>)
      } else {
      }
      %mul3A_292 = arith.constant 8 : i32
      %mul3A_293 = arith.muli %mul3A_292, %scan3A_219 : i32
      %add3A_294 = arith.constant 1 : i32
      %add3A_295 = arith.addi %mul3A_293, %add3A_294 : i32
      %dma_wait3A_296 = arith.constant 1 : i32
      %dma_wait3A_297 = arith.constant 1 : i32
      %dma_wait3A_298 = arith.constant 1 : i32
      %dma_wait3A_299 = arith.constant 0 : i32
      %dma_wait3A_300 = arith.constant 0 : i32
      %dma_wait3A_301 = tpu.memref_slice %arg6[%dma_wait3A_297, %dma_wait3A_299, %dma_wait3A_300] : memref<8x128x64xf32, #tpu.memory_space<vmem>> -> memref<1x128x64xf32, #tpu.memory_space<vmem>>
      %dma_wait3A_302 = tpu.memref_squeeze %dma_wait3A_301 : memref<1x128x64xf32, #tpu.memory_space<vmem>> -> memref<128x64xf32, #tpu.memory_space<vmem>>
      %dma_wait3A_303 = arith.constant 0 : i32
      %dma_wait3A_304 = tpu.memref_slice %arg5[%rem3A_221, %dma_wait3A_296, %dma_wait3A_303] : memref<2x8x128xi32, #tpu.memory_space<vmem>> -> memref<1x1x128xi32, #tpu.memory_space<vmem>>
      %dma_wait3A_305 = tpu.memref_squeeze %dma_wait3A_304 : memref<1x1x128xi32, #tpu.memory_space<vmem>> -> memref<128xi32, #tpu.memory_space<vmem>>
      %dma_wait3A_306 = arith.constant 0 : i32
      %dma_wait3A_307 = arith.constant 0 : i32
      %dma_wait3A_308 = tpu.memref_slice %arg3[%dma_wait3A_306, %dma_wait3A_307] : memref<1000000x64xf32, #tpu.memory_space<hbm>> -> memref<1000000x64xf32, #tpu.memory_space<hbm>>
      %dma_wait3A_309 = tpu.memref_slice %arg9[%dma_wait3A_298] : memref<8x!tpu.dma_semaphore, #tpu.memory_space<semaphore_mem>> -> memref<1x!tpu.dma_semaphore, #tpu.memory_space<semaphore_mem>>
      %dma_wait3A_310 = tpu.memref_squeeze %dma_wait3A_309 : memref<1x!tpu.dma_semaphore, #tpu.memory_space<semaphore_mem>> -> memref<!tpu.dma_semaphore, #tpu.memory_space<semaphore_mem>>
      tpu.wait_indirect_dma semaphore(%dma_wait3A_310 : memref<!tpu.dma_semaphore, #tpu.memory_space<semaphore_mem>>) src(%dma_wait3A_308 : memref<1000000x64xf32, #tpu.memory_space<hbm>>) dst(%dma_wait3A_302 : memref<128x64xf32, #tpu.memory_space<vmem>>)
      %ge3A_311 = arith.constant 2 : i32
      %ge3A_312 = arith.cmpi sge, %add3A_295, %ge3A_311 : i32
      %convert_element_type3A_313 = arith.extui %ge3A_312 : i1 to i32
      %cond3A_314 = arith.constant 0 : i32
      %cond3A_315 = arith.cmpi ne, %convert_element_type3A_313, %cond3A_314 : i32
      scf.if %cond3A_315 {
        %sub3A = arith.constant 2 : i32
        %sub3A_712 = arith.subi %add3A_295, %sub3A : i32
        %dma_wait3A_713 = arith.constant 1 : i32
        %dma_wait3A_714 = arith.constant 1 : i32
        %dma_wait3A_715 = arith.constant 0 : i32
        %dma_wait3A_716 = arith.constant 0 : i32
        %dma_wait3A_717 = arith.constant 0 : i32
        %dma_wait3A_718 = tpu.memref_slice %arg7[%dma_wait3A_713, %dma_wait3A_715, %dma_wait3A_716, %dma_wait3A_717] : memref<2x8x8x129xf32, #tpu.memory_space<vmem>> -> memref<1x8x8x128xf32, #tpu.memory_space<vmem>>
        %dma_wait3A_719 = tpu.memref_squeeze %dma_wait3A_718 : memref<1x8x8x128xf32, #tpu.memory_space<vmem>> -> memref<8x8x128xf32, #tpu.memory_space<vmem>>
        %dma_wait3A_720 = arith.constant 0 : i32
        %dma_wait3A_721 = arith.constant 0 : i32
        %dma_wait3A_722 = arith.constant 0 : i32
        %dma_wait3A_723 = tpu.memref_slice %arg4[%sub3A_712, %dma_wait3A_720, %add3A, %dma_wait3A_721, %dma_wait3A_722] : memref<200x8x32x8x128xf32, #tpu.memory_space<hbm>> -> memref<1x8x1x8x128xf32, #tpu.memory_space<hbm>>
        %dma_wait3A_724 = tpu.memref_squeeze %dma_wait3A_723 : memref<1x8x1x8x128xf32, #tpu.memory_space<hbm>> -> memref<8x8x128xf32, #tpu.memory_space<hbm>>
        %dma_wait3A_725 = tpu.memref_slice %arg10[%dma_wait3A_714] : memref<2x!tpu.dma_semaphore, #tpu.memory_space<semaphore_mem>> -> memref<1x!tpu.dma_semaphore, #tpu.memory_space<semaphore_mem>>
        %dma_wait3A_726 = tpu.memref_squeeze %dma_wait3A_725 : memref<1x!tpu.dma_semaphore, #tpu.memory_space<semaphore_mem>> -> memref<!tpu.dma_semaphore, #tpu.memory_space<semaphore_mem>>
        %dma_wait3A_727 = arith.constant 0 : i32
        %dma_wait3A_728 = arith.constant 0 : i32
        %dma_wait3A_729 = arith.constant 0 : i32
        %dma_wait3A_730 = tpu.memref_slice %arg4[%sub3A_712, %dma_wait3A_727, %add3A, %dma_wait3A_728, %dma_wait3A_729] : memref<200x8x32x8x128xf32, #tpu.memory_space<hbm>> -> memref<1x8x1x8x128xf32, #tpu.memory_space<hbm>>
        %dma_wait3A_731 = tpu.memref_squeeze %dma_wait3A_730 : memref<1x8x1x8x128xf32, #tpu.memory_space<hbm>> -> memref<8x8x128xf32, #tpu.memory_space<hbm>>
        %dma_wait3A_732 = arith.constant 0 : i32
        %dma_wait3A_733 = arith.constant 0 : i32
        %dma_wait3A_734 = arith.constant 0 : i32
        %dma_wait3A_735 = tpu.memref_slice %arg7[%dma_wait3A_713, %dma_wait3A_732, %dma_wait3A_733, %dma_wait3A_734] : memref<2x8x8x129xf32, #tpu.memory_space<vmem>> -> memref<1x8x8x128xf32, #tpu.memory_space<vmem>>
        %dma_wait3A_736 = tpu.memref_squeeze %dma_wait3A_735 : memref<1x8x8x128xf32, #tpu.memory_space<vmem>> -> memref<8x8x128xf32, #tpu.memory_space<vmem>>
        tpu.wait_dma2 semaphore(%dma_wait3A_726 : memref<!tpu.dma_semaphore, #tpu.memory_space<semaphore_mem>>) src(%dma_wait3A_736 : memref<8x8x128xf32, #tpu.memory_space<vmem>>) dst(%dma_wait3A_731 : memref<8x8x128xf32, #tpu.memory_space<hbm>>)
      } else {
      }
      %scan3A_316 = arith.constant 0 : i32
      %scan3A_317 = arith.constant 128 : i32
      %scan3A_318 = arith.addi %scan3A_316, %scan3A_317 : i32
      %scan3A_319 = arith.constant 1 : i32
      scf.for %scan3A_712 = %scan3A_316 to %scan3A_318 step %scan3A_319  : i32 {
        %broadcast_in_dim3A = vector.broadcast %scan3A_712 : i32 to vector<16xi32>
        %get3A = arith.constant 1 : i32
        %get3A_713 = arith.index_cast %get3A : i32 to index
        %get3A_714 = arith.index_cast %scan3A_712 : i32 to index
        %get3A_715 = arith.constant 0 : index
        %get3A_716 = tpu.vector_load %arg6[%get3A_713, %get3A_714, %get3A_715] {strides = array<i32>} : memref<8x128x64xf32, #tpu.memory_space<vmem>>, vector<16xf32>,
        %get3A_717 = arith.constant 1 : i32
        %get3A_718 = arith.index_cast %get3A_717 : i32 to index
        %get3A_719 = arith.index_cast %scan3A_712 : i32 to index
        %get3A_720 = arith.constant 16 : index
        %get3A_721 = tpu.vector_load %arg6[%get3A_718, %get3A_719, %get3A_720] {strides = array<i32>} : memref<8x128x64xf32, #tpu.memory_space<vmem>>, vector<16xf32>,
        %get3A_722 = arith.constant 1 : i32
        %get3A_723 = arith.index_cast %get3A_722 : i32 to index
        %get3A_724 = arith.index_cast %scan3A_712 : i32 to index
        %get3A_725 = arith.constant 32 : index
        %get3A_726 = tpu.vector_load %arg6[%get3A_723, %get3A_724, %get3A_725] {strides = array<i32>} : memref<8x128x64xf32, #tpu.memory_space<vmem>>, vector<16xf32>,
        %get3A_727 = arith.constant 1 : i32
        %get3A_728 = arith.index_cast %get3A_727 : i32 to index
        %get3A_729 = arith.index_cast %scan3A_712 : i32 to index
        %get3A_730 = arith.constant 48 : index
        %get3A_731 = tpu.vector_load %arg6[%get3A_728, %get3A_729, %get3A_730] {strides = array<i32>} : memref<8x128x64xf32, #tpu.memory_space<vmem>>, vector<16xf32>,
        %add3A_732 = arith.constant 0 : i32
        %add3A_733 = vector.broadcast %add3A_732 : i32 to vector<16xi32>
        %add3A_734 = arith.addi %add3A_733, %div3A_4 : vector<16xi32>
        %scatter3A = arith.constant 1 : i32
        %scatter3A_735 = arith.constant 0 : i32
        %scatter3A_736 = arith.constant 0 : i32
        %scatter3A_737 = arith.constant 0 : i32
        %scatter3A_738 = tpu.memref_slice %arg7[%scatter3A, %scatter3A_735, %scatter3A_736, %scatter3A_737] : memref<2x8x8x129xf32, #tpu.memory_space<vmem>> -> memref<1x8x8x129xf32, #tpu.memory_space<vmem>>
        %scatter3A_739 = tpu.memref_squeeze %scatter3A_738 : memref<1x8x8x129xf32, #tpu.memory_space<vmem>> -> memref<8x8x129xf32, #tpu.memory_space<vmem>>
        tpu.vector_store_idx %scatter3A_739[%add3A_734, %rem3A_6, %broadcast_in_dim3A], %get3A_716 : memref<8x8x129xf32, #tpu.memory_space<vmem>>[vector<16xi32>, vector<16xi32>, vector<16xi32>], vector<16xf32>,
        %add3A_740 = arith.constant 2 : i32
        %add3A_741 = vector.broadcast %add3A_740 : i32 to vector<16xi32>
        %add3A_742 = arith.addi %add3A_741, %div3A_4 : vector<16xi32>
        %scatter3A_743 = arith.constant 1 : i32
        %scatter3A_744 = arith.constant 0 : i32
        %scatter3A_745 = arith.constant 0 : i32
        %scatter3A_746 = arith.constant 0 : i32
        %scatter3A_747 = tpu.memref_slice %arg7[%scatter3A_743, %scatter3A_744, %scatter3A_745, %scatter3A_746] : memref<2x8x8x129xf32, #tpu.memory_space<vmem>> -> memref<1x8x8x129xf32, #tpu.memory_space<vmem>>
        %scatter3A_748 = tpu.memref_squeeze %scatter3A_747 : memref<1x8x8x129xf32, #tpu.memory_space<vmem>> -> memref<8x8x129xf32, #tpu.memory_space<vmem>>
        tpu.vector_store_idx %scatter3A_748[%add3A_742, %rem3A_6, %broadcast_in_dim3A], %get3A_721 : memref<8x8x129xf32, #tpu.memory_space<vmem>>[vector<16xi32>, vector<16xi32>, vector<16xi32>], vector<16xf32>,
        %add3A_749 = arith.constant 4 : i32
        %add3A_750 = vector.broadcast %add3A_749 : i32 to vector<16xi32>
        %add3A_751 = arith.addi %add3A_750, %div3A_4 : vector<16xi32>
        %scatter3A_752 = arith.constant 1 : i32
        %scatter3A_753 = arith.constant 0 : i32
        %scatter3A_754 = arith.constant 0 : i32
        %scatter3A_755 = arith.constant 0 : i32
        %scatter3A_756 = tpu.memref_slice %arg7[%scatter3A_752, %scatter3A_753, %scatter3A_754, %scatter3A_755] : memref<2x8x8x129xf32, #tpu.memory_space<vmem>> -> memref<1x8x8x129xf32, #tpu.memory_space<vmem>>
        %scatter3A_757 = tpu.memref_squeeze %scatter3A_756 : memref<1x8x8x129xf32, #tpu.memory_space<vmem>> -> memref<8x8x129xf32, #tpu.memory_space<vmem>>
        tpu.vector_store_idx %scatter3A_757[%add3A_751, %rem3A_6, %broadcast_in_dim3A], %get3A_726 : memref<8x8x129xf32, #tpu.memory_space<vmem>>[vector<16xi32>, vector<16xi32>, vector<16xi32>], vector<16xf32>,
        %add3A_758 = arith.constant 6 : i32
        %add3A_759 = vector.broadcast %add3A_758 : i32 to vector<16xi32>
        %add3A_760 = arith.addi %add3A_759, %div3A_4 : vector<16xi32>
        %scatter3A_761 = arith.constant 1 : i32
        %scatter3A_762 = arith.constant 0 : i32
        %scatter3A_763 = arith.constant 0 : i32
        %scatter3A_764 = arith.constant 0 : i32
        %scatter3A_765 = tpu.memref_slice %arg7[%scatter3A_761, %scatter3A_762, %scatter3A_763, %scatter3A_764] : memref<2x8x8x129xf32, #tpu.memory_space<vmem>> -> memref<1x8x8x129xf32, #tpu.memory_space<vmem>>
        %scatter3A_766 = tpu.memref_squeeze %scatter3A_765 : memref<1x8x8x129xf32, #tpu.memory_space<vmem>> -> memref<8x8x129xf32, #tpu.memory_space<vmem>>
        tpu.vector_store_idx %scatter3A_766[%add3A_760, %rem3A_6, %broadcast_in_dim3A], %get3A_731 : memref<8x8x129xf32, #tpu.memory_space<vmem>>[vector<16xi32>, vector<16xi32>, vector<16xi32>], vector<16xf32>,
      }
      %scan3A_320 = arith.constant 128 : i32
      %dma_start3A_321 = arith.constant 1 : i32
      %dma_start3A_322 = arith.constant 1 : i32
      %dma_start3A_323 = arith.constant 0 : i32
      %dma_start3A_324 = arith.constant 0 : i32
      %dma_start3A_325 = arith.constant 0 : i32
      %dma_start3A_326 = tpu.memref_slice %arg7[%dma_start3A_321, %dma_start3A_323, %dma_start3A_324, %dma_start3A_325] : memref<2x8x8x129xf32, #tpu.memory_space<vmem>> -> memref<1x8x8x128xf32, #tpu.memory_space<vmem>>
      %dma_start3A_327 = tpu.memref_squeeze %dma_start3A_326 : memref<1x8x8x128xf32, #tpu.memory_space<vmem>> -> memref<8x8x128xf32, #tpu.memory_space<vmem>>
      %dma_start3A_328 = arith.constant 0 : i32
      %dma_start3A_329 = arith.constant 0 : i32
      %dma_start3A_330 = arith.constant 0 : i32
      %dma_start3A_331 = tpu.memref_slice %arg4[%add3A_295, %dma_start3A_328, %add3A, %dma_start3A_329, %dma_start3A_330] : memref<200x8x32x8x128xf32, #tpu.memory_space<hbm>> -> memref<1x8x1x8x128xf32, #tpu.memory_space<hbm>>
      %dma_start3A_332 = tpu.memref_squeeze %dma_start3A_331 : memref<1x8x1x8x128xf32, #tpu.memory_space<hbm>> -> memref<8x8x128xf32, #tpu.memory_space<hbm>>
      %dma_start3A_333 = tpu.memref_slice %arg10[%dma_start3A_322] : memref<2x!tpu.dma_semaphore, #tpu.memory_space<semaphore_mem>> -> memref<1x!tpu.dma_semaphore, #tpu.memory_space<semaphore_mem>>
      %dma_start3A_334 = tpu.memref_squeeze %dma_start3A_333 : memref<1x!tpu.dma_semaphore, #tpu.memory_space<semaphore_mem>> -> memref<!tpu.dma_semaphore, #tpu.memory_space<semaphore_mem>>
      %dma_start3A_335 = arith.constant 0 : i32
      %dma_start3A_336 = arith.constant 0 : i32
      %dma_start3A_337 = arith.constant 0 : i32
      %dma_start3A_338 = tpu.memref_slice %arg4[%add3A_295, %dma_start3A_335, %add3A, %dma_start3A_336, %dma_start3A_337] : memref<200x8x32x8x128xf32, #tpu.memory_space<hbm>> -> memref<1x8x1x8x128xf32, #tpu.memory_space<hbm>>
      %dma_start3A_339 = tpu.memref_squeeze %dma_start3A_338 : memref<1x8x1x8x128xf32, #tpu.memory_space<hbm>> -> memref<8x8x128xf32, #tpu.memory_space<hbm>>
      %dma_start3A_340 = arith.constant 0 : i32
      %dma_start3A_341 = arith.constant 0 : i32
      %dma_start3A_342 = arith.constant 0 : i32
      %dma_start3A_343 = tpu.memref_slice %arg7[%dma_start3A_321, %dma_start3A_340, %dma_start3A_341, %dma_start3A_342] : memref<2x8x8x129xf32, #tpu.memory_space<vmem>> -> memref<1x8x8x128xf32, #tpu.memory_space<vmem>>
      %dma_start3A_344 = tpu.memref_squeeze %dma_start3A_343 : memref<1x8x8x128xf32, #tpu.memory_space<vmem>> -> memref<8x8x128xf32, #tpu.memory_space<vmem>>
      tpu.enqueue_dma source(%dma_start3A_344 : memref<8x8x128xf32, #tpu.memory_space<vmem>>) target(%dma_start3A_339 : memref<8x8x128xf32, #tpu.memory_space<hbm>>) target_semaphore(%dma_start3A_334 : memref<!tpu.dma_semaphore, #tpu.memory_space<semaphore_mem>>)
      %add3A_345 = arith.constant 1 : i32
      %add3A_346 = arith.addi %scan3A_219, %add3A_345 : i32
      %lt3A_347 = arith.constant 25 : i32
      %lt3A_348 = arith.cmpi slt, %add3A_346, %lt3A_347 : i32
      %convert_element_type3A_349 = arith.extui %lt3A_348 : i1 to i32
      %cond3A_350 = arith.constant 0 : i32
      %cond3A_351 = arith.cmpi ne, %convert_element_type3A_349, %cond3A_350 : i32
      scf.if %cond3A_351 {
        %sub3A = arith.constant 1 : i32
        %sub3A_712 = arith.subi %sub3A, %rem3A_221 : i32
        %dma_start3A_713 = arith.constant 1 : i32
        %dma_start3A_714 = arith.constant 1 : i32
        %dma_start3A_715 = arith.constant 1 : i32
        %dma_start3A_716 = arith.constant 0 : i32
        %dma_start3A_717 = arith.constant 0 : i32
        %dma_start3A_718 = tpu.memref_slice %arg6[%dma_start3A_714, %dma_start3A_716, %dma_start3A_717] : memref<8x128x64xf32, #tpu.memory_space<vmem>> -> memref<1x128x64xf32, #tpu.memory_space<vmem>>
        %dma_start3A_719 = tpu.memref_squeeze %dma_start3A_718 : memref<1x128x64xf32, #tpu.memory_space<vmem>> -> memref<128x64xf32, #tpu.memory_space<vmem>>
        %dma_start3A_720 = arith.constant 0 : i32
        %dma_start3A_721 = tpu.memref_slice %arg5[%sub3A_712, %dma_start3A_713, %dma_start3A_720] : memref<2x8x128xi32, #tpu.memory_space<vmem>> -> memref<1x1x128xi32, #tpu.memory_space<vmem>>
        %dma_start3A_722 = tpu.memref_squeeze %dma_start3A_721 : memref<1x1x128xi32, #tpu.memory_space<vmem>> -> memref<128xi32, #tpu.memory_space<vmem>>
        %dma_start3A_723 = arith.constant 0 : i32
        %dma_start3A_724 = arith.constant 0 : i32
        %dma_start3A_725 = tpu.memref_slice %arg3[%dma_start3A_723, %dma_start3A_724] : memref<1000000x64xf32, #tpu.memory_space<hbm>> -> memref<1000000x64xf32, #tpu.memory_space<hbm>>
        %dma_start3A_726 = tpu.memref_slice %arg9[%dma_start3A_715] : memref<8x!tpu.dma_semaphore, #tpu.memory_space<semaphore_mem>> -> memref<1x!tpu.dma_semaphore, #tpu.memory_space<semaphore_mem>>
        %dma_start3A_727 = tpu.memref_squeeze %dma_start3A_726 : memref<1x!tpu.dma_semaphore, #tpu.memory_space<semaphore_mem>> -> memref<!tpu.dma_semaphore, #tpu.memory_space<semaphore_mem>>
        tpu.enqueue_indirect_dma source(%dma_start3A_725 : memref<1000000x64xf32, #tpu.memory_space<hbm>>) target(%dma_start3A_719 : memref<128x64xf32, #tpu.memory_space<vmem>>) offsets(%dma_start3A_722 : memref<128xi32, #tpu.memory_space<vmem>>) semaphore(%dma_start3A_727 : memref<!tpu.dma_semaphore, #tpu.memory_space<semaphore_mem>>)
      } else {
      }
      %mul3A_352 = arith.constant 8 : i32
      %mul3A_353 = arith.muli %mul3A_352, %scan3A_219 : i32
      %add3A_354 = arith.constant 2 : i32
      %add3A_355 = arith.addi %mul3A_353, %add3A_354 : i32
      %dma_wait3A_356 = arith.constant 2 : i32
      %dma_wait3A_357 = arith.constant 2 : i32
      %dma_wait3A_358 = arith.constant 2 : i32
      %dma_wait3A_359 = arith.constant 0 : i32
      %dma_wait3A_360 = arith.constant 0 : i32
      %dma_wait3A_361 = tpu.memref_slice %arg6[%dma_wait3A_357, %dma_wait3A_359, %dma_wait3A_360] : memref<8x128x64xf32, #tpu.memory_space<vmem>> -> memref<1x128x64xf32, #tpu.memory_space<vmem>>
      %dma_wait3A_362 = tpu.memref_squeeze %dma_wait3A_361 : memref<1x128x64xf32, #tpu.memory_space<vmem>> -> memref<128x64xf32, #tpu.memory_space<vmem>>
      %dma_wait3A_363 = arith.constant 0 : i32
      %dma_wait3A_364 = tpu.memref_slice %arg5[%rem3A_221, %dma_wait3A_356, %dma_wait3A_363] : memref<2x8x128xi32, #tpu.memory_space<vmem>> -> memref<1x1x128xi32, #tpu.memory_space<vmem>>
      %dma_wait3A_365 = tpu.memref_squeeze %dma_wait3A_364 : memref<1x1x128xi32, #tpu.memory_space<vmem>> -> memref<128xi32, #tpu.memory_space<vmem>>
      %dma_wait3A_366 = arith.constant 0 : i32
      %dma_wait3A_367 = arith.constant 0 : i32
      %dma_wait3A_368 = tpu.memref_slice %arg3[%dma_wait3A_366, %dma_wait3A_367] : memref<1000000x64xf32, #tpu.memory_space<hbm>> -> memref<1000000x64xf32, #tpu.memory_space<hbm>>
      %dma_wait3A_369 = tpu.memref_slice %arg9[%dma_wait3A_358] : memref<8x!tpu.dma_semaphore, #tpu.memory_space<semaphore_mem>> -> memref<1x!tpu.dma_semaphore, #tpu.memory_space<semaphore_mem>>
      %dma_wait3A_370 = tpu.memref_squeeze %dma_wait3A_369 : memref<1x!tpu.dma_semaphore, #tpu.memory_space<semaphore_mem>> -> memref<!tpu.dma_semaphore, #tpu.memory_space<semaphore_mem>>
      tpu.wait_indirect_dma semaphore(%dma_wait3A_370 : memref<!tpu.dma_semaphore, #tpu.memory_space<semaphore_mem>>) src(%dma_wait3A_368 : memref<1000000x64xf32, #tpu.memory_space<hbm>>) dst(%dma_wait3A_362 : memref<128x64xf32, #tpu.memory_space<vmem>>)
      %ge3A_371 = arith.constant 2 : i32
      %ge3A_372 = arith.cmpi sge, %add3A_355, %ge3A_371 : i32
      %convert_element_type3A_373 = arith.extui %ge3A_372 : i1 to i32
      %cond3A_374 = arith.constant 0 : i32
      %cond3A_375 = arith.cmpi ne, %convert_element_type3A_373, %cond3A_374 : i32
      scf.if %cond3A_375 {
        %sub3A = arith.constant 2 : i32
        %sub3A_712 = arith.subi %add3A_355, %sub3A : i32
        %dma_wait3A_713 = arith.constant 0 : i32
        %dma_wait3A_714 = arith.constant 0 : i32
        %dma_wait3A_715 = arith.constant 0 : i32
        %dma_wait3A_716 = arith.constant 0 : i32
        %dma_wait3A_717 = arith.constant 0 : i32
        %dma_wait3A_718 = tpu.memref_slice %arg7[%dma_wait3A_713, %dma_wait3A_715, %dma_wait3A_716, %dma_wait3A_717] : memref<2x8x8x129xf32, #tpu.memory_space<vmem>> -> memref<1x8x8x128xf32, #tpu.memory_space<vmem>>
        %dma_wait3A_719 = tpu.memref_squeeze %dma_wait3A_718 : memref<1x8x8x128xf32, #tpu.memory_space<vmem>> -> memref<8x8x128xf32, #tpu.memory_space<vmem>>
        %dma_wait3A_720 = arith.constant 0 : i32
        %dma_wait3A_721 = arith.constant 0 : i32
        %dma_wait3A_722 = arith.constant 0 : i32
        %dma_wait3A_723 = tpu.memref_slice %arg4[%sub3A_712, %dma_wait3A_720, %add3A, %dma_wait3A_721, %dma_wait3A_722] : memref<200x8x32x8x128xf32, #tpu.memory_space<hbm>> -> memref<1x8x1x8x128xf32, #tpu.memory_space<hbm>>
        %dma_wait3A_724 = tpu.memref_squeeze %dma_wait3A_723 : memref<1x8x1x8x128xf32, #tpu.memory_space<hbm>> -> memref<8x8x128xf32, #tpu.memory_space<hbm>>
        %dma_wait3A_725 = tpu.memref_slice %arg10[%dma_wait3A_714] : memref<2x!tpu.dma_semaphore, #tpu.memory_space<semaphore_mem>> -> memref<1x!tpu.dma_semaphore, #tpu.memory_space<semaphore_mem>>
        %dma_wait3A_726 = tpu.memref_squeeze %dma_wait3A_725 : memref<1x!tpu.dma_semaphore, #tpu.memory_space<semaphore_mem>> -> memref<!tpu.dma_semaphore, #tpu.memory_space<semaphore_mem>>
        %dma_wait3A_727 = arith.constant 0 : i32
        %dma_wait3A_728 = arith.constant 0 : i32
        %dma_wait3A_729 = arith.constant 0 : i32
        %dma_wait3A_730 = tpu.memref_slice %arg4[%sub3A_712, %dma_wait3A_727, %add3A, %dma_wait3A_728, %dma_wait3A_729] : memref<200x8x32x8x128xf32, #tpu.memory_space<hbm>> -> memref<1x8x1x8x128xf32, #tpu.memory_space<hbm>>
        %dma_wait3A_731 = tpu.memref_squeeze %dma_wait3A_730 : memref<1x8x1x8x128xf32, #tpu.memory_space<hbm>> -> memref<8x8x128xf32, #tpu.memory_space<hbm>>
        %dma_wait3A_732 = arith.constant 0 : i32
        %dma_wait3A_733 = arith.constant 0 : i32
        %dma_wait3A_734 = arith.constant 0 : i32
        %dma_wait3A_735 = tpu.memref_slice %arg7[%dma_wait3A_713, %dma_wait3A_732, %dma_wait3A_733, %dma_wait3A_734] : memref<2x8x8x129xf32, #tpu.memory_space<vmem>> -> memref<1x8x8x128xf32, #tpu.memory_space<vmem>>
        %dma_wait3A_736 = tpu.memref_squeeze %dma_wait3A_735 : memref<1x8x8x128xf32, #tpu.memory_space<vmem>> -> memref<8x8x128xf32, #tpu.memory_space<vmem>>
        tpu.wait_dma2 semaphore(%dma_wait3A_726 : memref<!tpu.dma_semaphore, #tpu.memory_space<semaphore_mem>>) src(%dma_wait3A_736 : memref<8x8x128xf32, #tpu.memory_space<vmem>>) dst(%dma_wait3A_731 : memref<8x8x128xf32, #tpu.memory_space<hbm>>)
      } else {
      }
      %scan3A_376 = arith.constant 0 : i32
      %scan3A_377 = arith.constant 128 : i32
      %scan3A_378 = arith.addi %scan3A_376, %scan3A_377 : i32
      %scan3A_379 = arith.constant 1 : i32
      scf.for %scan3A_712 = %scan3A_376 to %scan3A_378 step %scan3A_379  : i32 {
        %broadcast_in_dim3A = vector.broadcast %scan3A_712 : i32 to vector<16xi32>
        %get3A = arith.constant 2 : i32
        %get3A_713 = arith.index_cast %get3A : i32 to index
        %get3A_714 = arith.index_cast %scan3A_712 : i32 to index
        %get3A_715 = arith.constant 0 : index
        %get3A_716 = tpu.vector_load %arg6[%get3A_713, %get3A_714, %get3A_715] {strides = array<i32>} : memref<8x128x64xf32, #tpu.memory_space<vmem>>, vector<16xf32>,
        %get3A_717 = arith.constant 2 : i32
        %get3A_718 = arith.index_cast %get3A_717 : i32 to index
        %get3A_719 = arith.index_cast %scan3A_712 : i32 to index
        %get3A_720 = arith.constant 16 : index
        %get3A_721 = tpu.vector_load %arg6[%get3A_718, %get3A_719, %get3A_720] {strides = array<i32>} : memref<8x128x64xf32, #tpu.memory_space<vmem>>, vector<16xf32>,
        %get3A_722 = arith.constant 2 : i32
        %get3A_723 = arith.index_cast %get3A_722 : i32 to index
        %get3A_724 = arith.index_cast %scan3A_712 : i32 to index
        %get3A_725 = arith.constant 32 : index
        %get3A_726 = tpu.vector_load %arg6[%get3A_723, %get3A_724, %get3A_725] {strides = array<i32>} : memref<8x128x64xf32, #tpu.memory_space<vmem>>, vector<16xf32>,
        %get3A_727 = arith.constant 2 : i32
        %get3A_728 = arith.index_cast %get3A_727 : i32 to index
        %get3A_729 = arith.index_cast %scan3A_712 : i32 to index
        %get3A_730 = arith.constant 48 : index
        %get3A_731 = tpu.vector_load %arg6[%get3A_728, %get3A_729, %get3A_730] {strides = array<i32>} : memref<8x128x64xf32, #tpu.memory_space<vmem>>, vector<16xf32>,
        %add3A_732 = arith.constant 0 : i32
        %add3A_733 = vector.broadcast %add3A_732 : i32 to vector<16xi32>
        %add3A_734 = arith.addi %add3A_733, %div3A_4 : vector<16xi32>
        %scatter3A = arith.constant 0 : i32
        %scatter3A_735 = arith.constant 0 : i32
        %scatter3A_736 = arith.constant 0 : i32
        %scatter3A_737 = arith.constant 0 : i32
        %scatter3A_738 = tpu.memref_slice %arg7[%scatter3A, %scatter3A_735, %scatter3A_736, %scatter3A_737] : memref<2x8x8x129xf32, #tpu.memory_space<vmem>> -> memref<1x8x8x129xf32, #tpu.memory_space<vmem>>
        %scatter3A_739 = tpu.memref_squeeze %scatter3A_738 : memref<1x8x8x129xf32, #tpu.memory_space<vmem>> -> memref<8x8x129xf32, #tpu.memory_space<vmem>>
        tpu.vector_store_idx %scatter3A_739[%add3A_734, %rem3A_6, %broadcast_in_dim3A], %get3A_716 : memref<8x8x129xf32, #tpu.memory_space<vmem>>[vector<16xi32>, vector<16xi32>, vector<16xi32>], vector<16xf32>,
        %add3A_740 = arith.constant 2 : i32
        %add3A_741 = vector.broadcast %add3A_740 : i32 to vector<16xi32>
        %add3A_742 = arith.addi %add3A_741, %div3A_4 : vector<16xi32>
        %scatter3A_743 = arith.constant 0 : i32
        %scatter3A_744 = arith.constant 0 : i32
        %scatter3A_745 = arith.constant 0 : i32
        %scatter3A_746 = arith.constant 0 : i32
        %scatter3A_747 = tpu.memref_slice %arg7[%scatter3A_743, %scatter3A_744, %scatter3A_745, %scatter3A_746] : memref<2x8x8x129xf32, #tpu.memory_space<vmem>> -> memref<1x8x8x129xf32, #tpu.memory_space<vmem>>
        %scatter3A_748 = tpu.memref_squeeze %scatter3A_747 : memref<1x8x8x129xf32, #tpu.memory_space<vmem>> -> memref<8x8x129xf32, #tpu.memory_space<vmem>>
        tpu.vector_store_idx %scatter3A_748[%add3A_742, %rem3A_6, %broadcast_in_dim3A], %get3A_721 : memref<8x8x129xf32, #tpu.memory_space<vmem>>[vector<16xi32>, vector<16xi32>, vector<16xi32>], vector<16xf32>,
        %add3A_749 = arith.constant 4 : i32
        %add3A_750 = vector.broadcast %add3A_749 : i32 to vector<16xi32>
        %add3A_751 = arith.addi %add3A_750, %div3A_4 : vector<16xi32>
        %scatter3A_752 = arith.constant 0 : i32
        %scatter3A_753 = arith.constant 0 : i32
        %scatter3A_754 = arith.constant 0 : i32
        %scatter3A_755 = arith.constant 0 : i32
        %scatter3A_756 = tpu.memref_slice %arg7[%scatter3A_752, %scatter3A_753, %scatter3A_754, %scatter3A_755] : memref<2x8x8x129xf32, #tpu.memory_space<vmem>> -> memref<1x8x8x129xf32, #tpu.memory_space<vmem>>
        %scatter3A_757 = tpu.memref_squeeze %scatter3A_756 : memref<1x8x8x129xf32, #tpu.memory_space<vmem>> -> memref<8x8x129xf32, #tpu.memory_space<vmem>>
        tpu.vector_store_idx %scatter3A_757[%add3A_751, %rem3A_6, %broadcast_in_dim3A], %get3A_726 : memref<8x8x129xf32, #tpu.memory_space<vmem>>[vector<16xi32>, vector<16xi32>, vector<16xi32>], vector<16xf32>,
        %add3A_758 = arith.constant 6 : i32
        %add3A_759 = vector.broadcast %add3A_758 : i32 to vector<16xi32>
        %add3A_760 = arith.addi %add3A_759, %div3A_4 : vector<16xi32>
        %scatter3A_761 = arith.constant 0 : i32
        %scatter3A_762 = arith.constant 0 : i32
        %scatter3A_763 = arith.constant 0 : i32
        %scatter3A_764 = arith.constant 0 : i32
        %scatter3A_765 = tpu.memref_slice %arg7[%scatter3A_761, %scatter3A_762, %scatter3A_763, %scatter3A_764] : memref<2x8x8x129xf32, #tpu.memory_space<vmem>> -> memref<1x8x8x129xf32, #tpu.memory_space<vmem>>
        %scatter3A_766 = tpu.memref_squeeze %scatter3A_765 : memref<1x8x8x129xf32, #tpu.memory_space<vmem>> -> memref<8x8x129xf32, #tpu.memory_space<vmem>>
        tpu.vector_store_idx %scatter3A_766[%add3A_760, %rem3A_6, %broadcast_in_dim3A], %get3A_731 : memref<8x8x129xf32, #tpu.memory_space<vmem>>[vector<16xi32>, vector<16xi32>, vector<16xi32>], vector<16xf32>,
      }
      %scan3A_380 = arith.constant 128 : i32
      %dma_start3A_381 = arith.constant 0 : i32
      %dma_start3A_382 = arith.constant 0 : i32
      %dma_start3A_383 = arith.constant 0 : i32
      %dma_start3A_384 = arith.constant 0 : i32
      %dma_start3A_385 = arith.constant 0 : i32
      %dma_start3A_386 = tpu.memref_slice %arg7[%dma_start3A_381, %dma_start3A_383, %dma_start3A_384, %dma_start3A_385] : memref<2x8x8x129xf32, #tpu.memory_space<vmem>> -> memref<1x8x8x128xf32, #tpu.memory_space<vmem>>
      %dma_start3A_387 = tpu.memref_squeeze %dma_start3A_386 : memref<1x8x8x128xf32, #tpu.memory_space<vmem>> -> memref<8x8x128xf32, #tpu.memory_space<vmem>>
      %dma_start3A_388 = arith.constant 0 : i32
      %dma_start3A_389 = arith.constant 0 : i32
      %dma_start3A_390 = arith.constant 0 : i32
      %dma_start3A_391 = tpu.memref_slice %arg4[%add3A_355, %dma_start3A_388, %add3A, %dma_start3A_389, %dma_start3A_390] : memref<200x8x32x8x128xf32, #tpu.memory_space<hbm>> -> memref<1x8x1x8x128xf32, #tpu.memory_space<hbm>>
      %dma_start3A_392 = tpu.memref_squeeze %dma_start3A_391 : memref<1x8x1x8x128xf32, #tpu.memory_space<hbm>> -> memref<8x8x128xf32, #tpu.memory_space<hbm>>
      %dma_start3A_393 = tpu.memref_slice %arg10[%dma_start3A_382] : memref<2x!tpu.dma_semaphore, #tpu.memory_space<semaphore_mem>> -> memref<1x!tpu.dma_semaphore, #tpu.memory_space<semaphore_mem>>
      %dma_start3A_394 = tpu.memref_squeeze %dma_start3A_393 : memref<1x!tpu.dma_semaphore, #tpu.memory_space<semaphore_mem>> -> memref<!tpu.dma_semaphore, #tpu.memory_space<semaphore_mem>>
      %dma_start3A_395 = arith.constant 0 : i32
      %dma_start3A_396 = arith.constant 0 : i32
      %dma_start3A_397 = arith.constant 0 : i32
      %dma_start3A_398 = tpu.memref_slice %arg4[%add3A_355, %dma_start3A_395, %add3A, %dma_start3A_396, %dma_start3A_397] : memref<200x8x32x8x128xf32, #tpu.memory_space<hbm>> -> memref<1x8x1x8x128xf32, #tpu.memory_space<hbm>>
      %dma_start3A_399 = tpu.memref_squeeze %dma_start3A_398 : memref<1x8x1x8x128xf32, #tpu.memory_space<hbm>> -> memref<8x8x128xf32, #tpu.memory_space<hbm>>
      %dma_start3A_400 = arith.constant 0 : i32
      %dma_start3A_401 = arith.constant 0 : i32
      %dma_start3A_402 = arith.constant 0 : i32
      %dma_start3A_403 = tpu.memref_slice %arg7[%dma_start3A_381, %dma_start3A_400, %dma_start3A_401, %dma_start3A_402] : memref<2x8x8x129xf32, #tpu.memory_space<vmem>> -> memref<1x8x8x128xf32, #tpu.memory_space<vmem>>
      %dma_start3A_404 = tpu.memref_squeeze %dma_start3A_403 : memref<1x8x8x128xf32, #tpu.memory_space<vmem>> -> memref<8x8x128xf32, #tpu.memory_space<vmem>>
      tpu.enqueue_dma source(%dma_start3A_404 : memref<8x8x128xf32, #tpu.memory_space<vmem>>) target(%dma_start3A_399 : memref<8x8x128xf32, #tpu.memory_space<hbm>>) target_semaphore(%dma_start3A_394 : memref<!tpu.dma_semaphore, #tpu.memory_space<semaphore_mem>>)
      %add3A_405 = arith.constant 1 : i32
      %add3A_406 = arith.addi %scan3A_219, %add3A_405 : i32
      %lt3A_407 = arith.constant 25 : i32
      %lt3A_408 = arith.cmpi slt, %add3A_406, %lt3A_407 : i32
      %convert_element_type3A_409 = arith.extui %lt3A_408 : i1 to i32
      %cond3A_410 = arith.constant 0 : i32
      %cond3A_411 = arith.cmpi ne, %convert_element_type3A_409, %cond3A_410 : i32
      scf.if %cond3A_411 {
        %sub3A = arith.constant 1 : i32
        %sub3A_712 = arith.subi %sub3A, %rem3A_221 : i32
        %dma_start3A_713 = arith.constant 2 : i32
        %dma_start3A_714 = arith.constant 2 : i32
        %dma_start3A_715 = arith.constant 2 : i32
        %dma_start3A_716 = arith.constant 0 : i32
        %dma_start3A_717 = arith.constant 0 : i32
        %dma_start3A_718 = tpu.memref_slice %arg6[%dma_start3A_714, %dma_start3A_716, %dma_start3A_717] : memref<8x128x64xf32, #tpu.memory_space<vmem>> -> memref<1x128x64xf32, #tpu.memory_space<vmem>>
        %dma_start3A_719 = tpu.memref_squeeze %dma_start3A_718 : memref<1x128x64xf32, #tpu.memory_space<vmem>> -> memref<128x64xf32, #tpu.memory_space<vmem>>
        %dma_start3A_720 = arith.constant 0 : i32
        %dma_start3A_721 = tpu.memref_slice %arg5[%sub3A_712, %dma_start3A_713, %dma_start3A_720] : memref<2x8x128xi32, #tpu.memory_space<vmem>> -> memref<1x1x128xi32, #tpu.memory_space<vmem>>
        %dma_start3A_722 = tpu.memref_squeeze %dma_start3A_721 : memref<1x1x128xi32, #tpu.memory_space<vmem>> -> memref<128xi32, #tpu.memory_space<vmem>>
        %dma_start3A_723 = arith.constant 0 : i32
        %dma_start3A_724 = arith.constant 0 : i32
        %dma_start3A_725 = tpu.memref_slice %arg3[%dma_start3A_723, %dma_start3A_724] : memref<1000000x64xf32, #tpu.memory_space<hbm>> -> memref<1000000x64xf32, #tpu.memory_space<hbm>>
        %dma_start3A_726 = tpu.memref_slice %arg9[%dma_start3A_715] : memref<8x!tpu.dma_semaphore, #tpu.memory_space<semaphore_mem>> -> memref<1x!tpu.dma_semaphore, #tpu.memory_space<semaphore_mem>>
        %dma_start3A_727 = tpu.memref_squeeze %dma_start3A_726 : memref<1x!tpu.dma_semaphore, #tpu.memory_space<semaphore_mem>> -> memref<!tpu.dma_semaphore, #tpu.memory_space<semaphore_mem>>
        tpu.enqueue_indirect_dma source(%dma_start3A_725 : memref<1000000x64xf32, #tpu.memory_space<hbm>>) target(%dma_start3A_719 : memref<128x64xf32, #tpu.memory_space<vmem>>) offsets(%dma_start3A_722 : memref<128xi32, #tpu.memory_space<vmem>>) semaphore(%dma_start3A_727 : memref<!tpu.dma_semaphore, #tpu.memory_space<semaphore_mem>>)
      } else {
      }
      %mul3A_412 = arith.constant 8 : i32
      %mul3A_413 = arith.muli %mul3A_412, %scan3A_219 : i32
      %add3A_414 = arith.constant 3 : i32
      %add3A_415 = arith.addi %mul3A_413, %add3A_414 : i32
      %dma_wait3A_416 = arith.constant 3 : i32
      %dma_wait3A_417 = arith.constant 3 : i32
      %dma_wait3A_418 = arith.constant 3 : i32
      %dma_wait3A_419 = arith.constant 0 : i32
      %dma_wait3A_420 = arith.constant 0 : i32
      %dma_wait3A_421 = tpu.memref_slice %arg6[%dma_wait3A_417, %dma_wait3A_419, %dma_wait3A_420] : memref<8x128x64xf32, #tpu.memory_space<vmem>> -> memref<1x128x64xf32, #tpu.memory_space<vmem>>
      %dma_wait3A_422 = tpu.memref_squeeze %dma_wait3A_421 : memref<1x128x64xf32, #tpu.memory_space<vmem>> -> memref<128x64xf32, #tpu.memory_space<vmem>>
      %dma_wait3A_423 = arith.constant 0 : i32
      %dma_wait3A_424 = tpu.memref_slice %arg5[%rem3A_221, %dma_wait3A_416, %dma_wait3A_423] : memref<2x8x128xi32, #tpu.memory_space<vmem>> -> memref<1x1x128xi32, #tpu.memory_space<vmem>>
      %dma_wait3A_425 = tpu.memref_squeeze %dma_wait3A_424 : memref<1x1x128xi32, #tpu.memory_space<vmem>> -> memref<128xi32, #tpu.memory_space<vmem>>
      %dma_wait3A_426 = arith.constant 0 : i32
      %dma_wait3A_427 = arith.constant 0 : i32
      %dma_wait3A_428 = tpu.memref_slice %arg3[%dma_wait3A_426, %dma_wait3A_427] : memref<1000000x64xf32, #tpu.memory_space<hbm>> -> memref<1000000x64xf32, #tpu.memory_space<hbm>>
      %dma_wait3A_429 = tpu.memref_slice %arg9[%dma_wait3A_418] : memref<8x!tpu.dma_semaphore, #tpu.memory_space<semaphore_mem>> -> memref<1x!tpu.dma_semaphore, #tpu.memory_space<semaphore_mem>>
      %dma_wait3A_430 = tpu.memref_squeeze %dma_wait3A_429 : memref<1x!tpu.dma_semaphore, #tpu.memory_space<semaphore_mem>> -> memref<!tpu.dma_semaphore, #tpu.memory_space<semaphore_mem>>
      tpu.wait_indirect_dma semaphore(%dma_wait3A_430 : memref<!tpu.dma_semaphore, #tpu.memory_space<semaphore_mem>>) src(%dma_wait3A_428 : memref<1000000x64xf32, #tpu.memory_space<hbm>>) dst(%dma_wait3A_422 : memref<128x64xf32, #tpu.memory_space<vmem>>)
      %ge3A_431 = arith.constant 2 : i32
      %ge3A_432 = arith.cmpi sge, %add3A_415, %ge3A_431 : i32
      %convert_element_type3A_433 = arith.extui %ge3A_432 : i1 to i32
      %cond3A_434 = arith.constant 0 : i32
      %cond3A_435 = arith.cmpi ne, %convert_element_type3A_433, %cond3A_434 : i32
      scf.if %cond3A_435 {
        %sub3A = arith.constant 2 : i32
        %sub3A_712 = arith.subi %add3A_415, %sub3A : i32
        %dma_wait3A_713 = arith.constant 1 : i32
        %dma_wait3A_714 = arith.constant 1 : i32
        %dma_wait3A_715 = arith.constant 0 : i32
        %dma_wait3A_716 = arith.constant 0 : i32
        %dma_wait3A_717 = arith.constant 0 : i32
        %dma_wait3A_718 = tpu.memref_slice %arg7[%dma_wait3A_713, %dma_wait3A_715, %dma_wait3A_716, %dma_wait3A_717] : memref<2x8x8x129xf32, #tpu.memory_space<vmem>> -> memref<1x8x8x128xf32, #tpu.memory_space<vmem>>
        %dma_wait3A_719 = tpu.memref_squeeze %dma_wait3A_718 : memref<1x8x8x128xf32, #tpu.memory_space<vmem>> -> memref<8x8x128xf32, #tpu.memory_space<vmem>>
        %dma_wait3A_720 = arith.constant 0 : i32
        %dma_wait3A_721 = arith.constant 0 : i32
        %dma_wait3A_722 = arith.constant 0 : i32
        %dma_wait3A_723 = tpu.memref_slice %arg4[%sub3A_712, %dma_wait3A_720, %add3A, %dma_wait3A_721, %dma_wait3A_722] : memref<200x8x32x8x128xf32, #tpu.memory_space<hbm>> -> memref<1x8x1x8x128xf32, #tpu.memory_space<hbm>>
        %dma_wait3A_724 = tpu.memref_squeeze %dma_wait3A_723 : memref<1x8x1x8x128xf32, #tpu.memory_space<hbm>> -> memref<8x8x128xf32, #tpu.memory_space<hbm>>
        %dma_wait3A_725 = tpu.memref_slice %arg10[%dma_wait3A_714] : memref<2x!tpu.dma_semaphore, #tpu.memory_space<semaphore_mem>> -> memref<1x!tpu.dma_semaphore, #tpu.memory_space<semaphore_mem>>
        %dma_wait3A_726 = tpu.memref_squeeze %dma_wait3A_725 : memref<1x!tpu.dma_semaphore, #tpu.memory_space<semaphore_mem>> -> memref<!tpu.dma_semaphore, #tpu.memory_space<semaphore_mem>>
        %dma_wait3A_727 = arith.constant 0 : i32
        %dma_wait3A_728 = arith.constant 0 : i32
        %dma_wait3A_729 = arith.constant 0 : i32
        %dma_wait3A_730 = tpu.memref_slice %arg4[%sub3A_712, %dma_wait3A_727, %add3A, %dma_wait3A_728, %dma_wait3A_729] : memref<200x8x32x8x128xf32, #tpu.memory_space<hbm>> -> memref<1x8x1x8x128xf32, #tpu.memory_space<hbm>>
        %dma_wait3A_731 = tpu.memref_squeeze %dma_wait3A_730 : memref<1x8x1x8x128xf32, #tpu.memory_space<hbm>> -> memref<8x8x128xf32, #tpu.memory_space<hbm>>
        %dma_wait3A_732 = arith.constant 0 : i32
        %dma_wait3A_733 = arith.constant 0 : i32
        %dma_wait3A_734 = arith.constant 0 : i32
        %dma_wait3A_735 = tpu.memref_slice %arg7[%dma_wait3A_713, %dma_wait3A_732, %dma_wait3A_733, %dma_wait3A_734] : memref<2x8x8x129xf32, #tpu.memory_space<vmem>> -> memref<1x8x8x128xf32, #tpu.memory_space<vmem>>
        %dma_wait3A_736 = tpu.memref_squeeze %dma_wait3A_735 : memref<1x8x8x128xf32, #tpu.memory_space<vmem>> -> memref<8x8x128xf32, #tpu.memory_space<vmem>>
        tpu.wait_dma2 semaphore(%dma_wait3A_726 : memref<!tpu.dma_semaphore, #tpu.memory_space<semaphore_mem>>) src(%dma_wait3A_736 : memref<8x8x128xf32, #tpu.memory_space<vmem>>) dst(%dma_wait3A_731 : memref<8x8x128xf32, #tpu.memory_space<hbm>>)
      } else {
      }
      %scan3A_436 = arith.constant 0 : i32
      %scan3A_437 = arith.constant 128 : i32
      %scan3A_438 = arith.addi %scan3A_436, %scan3A_437 : i32
      %scan3A_439 = arith.constant 1 : i32
      scf.for %scan3A_712 = %scan3A_436 to %scan3A_438 step %scan3A_439  : i32 {
        %broadcast_in_dim3A = vector.broadcast %scan3A_712 : i32 to vector<16xi32>
        %get3A = arith.constant 3 : i32
        %get3A_713 = arith.index_cast %get3A : i32 to index
        %get3A_714 = arith.index_cast %scan3A_712 : i32 to index
        %get3A_715 = arith.constant 0 : index
        %get3A_716 = tpu.vector_load %arg6[%get3A_713, %get3A_714, %get3A_715] {strides = array<i32>} : memref<8x128x64xf32, #tpu.memory_space<vmem>>, vector<16xf32>,
        %get3A_717 = arith.constant 3 : i32
        %get3A_718 = arith.index_cast %get3A_717 : i32 to index
        %get3A_719 = arith.index_cast %scan3A_712 : i32 to index
        %get3A_720 = arith.constant 16 : index
        %get3A_721 = tpu.vector_load %arg6[%get3A_718, %get3A_719, %get3A_720] {strides = array<i32>} : memref<8x128x64xf32, #tpu.memory_space<vmem>>, vector<16xf32>,
        %get3A_722 = arith.constant 3 : i32
        %get3A_723 = arith.index_cast %get3A_722 : i32 to index
        %get3A_724 = arith.index_cast %scan3A_712 : i32 to index
        %get3A_725 = arith.constant 32 : index
        %get3A_726 = tpu.vector_load %arg6[%get3A_723, %get3A_724, %get3A_725] {strides = array<i32>} : memref<8x128x64xf32, #tpu.memory_space<vmem>>, vector<16xf32>,
        %get3A_727 = arith.constant 3 : i32
        %get3A_728 = arith.index_cast %get3A_727 : i32 to index
        %get3A_729 = arith.index_cast %scan3A_712 : i32 to index
        %get3A_730 = arith.constant 48 : index
        %get3A_731 = tpu.vector_load %arg6[%get3A_728, %get3A_729, %get3A_730] {strides = array<i32>} : memref<8x128x64xf32, #tpu.memory_space<vmem>>, vector<16xf32>,
        %add3A_732 = arith.constant 0 : i32
        %add3A_733 = vector.broadcast %add3A_732 : i32 to vector<16xi32>
        %add3A_734 = arith.addi %add3A_733, %div3A_4 : vector<16xi32>
        %scatter3A = arith.constant 1 : i32
        %scatter3A_735 = arith.constant 0 : i32
        %scatter3A_736 = arith.constant 0 : i32
        %scatter3A_737 = arith.constant 0 : i32
        %scatter3A_738 = tpu.memref_slice %arg7[%scatter3A, %scatter3A_735, %scatter3A_736, %scatter3A_737] : memref<2x8x8x129xf32, #tpu.memory_space<vmem>> -> memref<1x8x8x129xf32, #tpu.memory_space<vmem>>
        %scatter3A_739 = tpu.memref_squeeze %scatter3A_738 : memref<1x8x8x129xf32, #tpu.memory_space<vmem>> -> memref<8x8x129xf32, #tpu.memory_space<vmem>>
        tpu.vector_store_idx %scatter3A_739[%add3A_734, %rem3A_6, %broadcast_in_dim3A], %get3A_716 : memref<8x8x129xf32, #tpu.memory_space<vmem>>[vector<16xi32>, vector<16xi32>, vector<16xi32>], vector<16xf32>,
        %add3A_740 = arith.constant 2 : i32
        %add3A_741 = vector.broadcast %add3A_740 : i32 to vector<16xi32>
        %add3A_742 = arith.addi %add3A_741, %div3A_4 : vector<16xi32>
        %scatter3A_743 = arith.constant 1 : i32
        %scatter3A_744 = arith.constant 0 : i32
        %scatter3A_745 = arith.constant 0 : i32
        %scatter3A_746 = arith.constant 0 : i32
        %scatter3A_747 = tpu.memref_slice %arg7[%scatter3A_743, %scatter3A_744, %scatter3A_745, %scatter3A_746] : memref<2x8x8x129xf32, #tpu.memory_space<vmem>> -> memref<1x8x8x129xf32, #tpu.memory_space<vmem>>
        %scatter3A_748 = tpu.memref_squeeze %scatter3A_747 : memref<1x8x8x129xf32, #tpu.memory_space<vmem>> -> memref<8x8x129xf32, #tpu.memory_space<vmem>>
        tpu.vector_store_idx %scatter3A_748[%add3A_742, %rem3A_6, %broadcast_in_dim3A], %get3A_721 : memref<8x8x129xf32, #tpu.memory_space<vmem>>[vector<16xi32>, vector<16xi32>, vector<16xi32>], vector<16xf32>,
        %add3A_749 = arith.constant 4 : i32
        %add3A_750 = vector.broadcast %add3A_749 : i32 to vector<16xi32>
        %add3A_751 = arith.addi %add3A_750, %div3A_4 : vector<16xi32>
        %scatter3A_752 = arith.constant 1 : i32
        %scatter3A_753 = arith.constant 0 : i32
        %scatter3A_754 = arith.constant 0 : i32
        %scatter3A_755 = arith.constant 0 : i32
        %scatter3A_756 = tpu.memref_slice %arg7[%scatter3A_752, %scatter3A_753, %scatter3A_754, %scatter3A_755] : memref<2x8x8x129xf32, #tpu.memory_space<vmem>> -> memref<1x8x8x129xf32, #tpu.memory_space<vmem>>
        %scatter3A_757 = tpu.memref_squeeze %scatter3A_756 : memref<1x8x8x129xf32, #tpu.memory_space<vmem>> -> memref<8x8x129xf32, #tpu.memory_space<vmem>>
        tpu.vector_store_idx %scatter3A_757[%add3A_751, %rem3A_6, %broadcast_in_dim3A], %get3A_726 : memref<8x8x129xf32, #tpu.memory_space<vmem>>[vector<16xi32>, vector<16xi32>, vector<16xi32>], vector<16xf32>,
        %add3A_758 = arith.constant 6 : i32
        %add3A_759 = vector.broadcast %add3A_758 : i32 to vector<16xi32>
        %add3A_760 = arith.addi %add3A_759, %div3A_4 : vector<16xi32>
        %scatter3A_761 = arith.constant 1 : i32
        %scatter3A_762 = arith.constant 0 : i32
        %scatter3A_763 = arith.constant 0 : i32
        %scatter3A_764 = arith.constant 0 : i32
        %scatter3A_765 = tpu.memref_slice %arg7[%scatter3A_761, %scatter3A_762, %scatter3A_763, %scatter3A_764] : memref<2x8x8x129xf32, #tpu.memory_space<vmem>> -> memref<1x8x8x129xf32, #tpu.memory_space<vmem>>
        %scatter3A_766 = tpu.memref_squeeze %scatter3A_765 : memref<1x8x8x129xf32, #tpu.memory_space<vmem>> -> memref<8x8x129xf32, #tpu.memory_space<vmem>>
        tpu.vector_store_idx %scatter3A_766[%add3A_760, %rem3A_6, %broadcast_in_dim3A], %get3A_731 : memref<8x8x129xf32, #tpu.memory_space<vmem>>[vector<16xi32>, vector<16xi32>, vector<16xi32>], vector<16xf32>,
      }
      %scan3A_440 = arith.constant 128 : i32
      %dma_start3A_441 = arith.constant 1 : i32
      %dma_start3A_442 = arith.constant 1 : i32
      %dma_start3A_443 = arith.constant 0 : i32
      %dma_start3A_444 = arith.constant 0 : i32
      %dma_start3A_445 = arith.constant 0 : i32
      %dma_start3A_446 = tpu.memref_slice %arg7[%dma_start3A_441, %dma_start3A_443, %dma_start3A_444, %dma_start3A_445] : memref<2x8x8x129xf32, #tpu.memory_space<vmem>> -> memref<1x8x8x128xf32, #tpu.memory_space<vmem>>
      %dma_start3A_447 = tpu.memref_squeeze %dma_start3A_446 : memref<1x8x8x128xf32, #tpu.memory_space<vmem>> -> memref<8x8x128xf32, #tpu.memory_space<vmem>>
      %dma_start3A_448 = arith.constant 0 : i32
      %dma_start3A_449 = arith.constant 0 : i32
      %dma_start3A_450 = arith.constant 0 : i32
      %dma_start3A_451 = tpu.memref_slice %arg4[%add3A_415, %dma_start3A_448, %add3A, %dma_start3A_449, %dma_start3A_450] : memref<200x8x32x8x128xf32, #tpu.memory_space<hbm>> -> memref<1x8x1x8x128xf32, #tpu.memory_space<hbm>>
      %dma_start3A_452 = tpu.memref_squeeze %dma_start3A_451 : memref<1x8x1x8x128xf32, #tpu.memory_space<hbm>> -> memref<8x8x128xf32, #tpu.memory_space<hbm>>
      %dma_start3A_453 = tpu.memref_slice %arg10[%dma_start3A_442] : memref<2x!tpu.dma_semaphore, #tpu.memory_space<semaphore_mem>> -> memref<1x!tpu.dma_semaphore, #tpu.memory_space<semaphore_mem>>
      %dma_start3A_454 = tpu.memref_squeeze %dma_start3A_453 : memref<1x!tpu.dma_semaphore, #tpu.memory_space<semaphore_mem>> -> memref<!tpu.dma_semaphore, #tpu.memory_space<semaphore_mem>>
      %dma_start3A_455 = arith.constant 0 : i32
      %dma_start3A_456 = arith.constant 0 : i32
      %dma_start3A_457 = arith.constant 0 : i32
      %dma_start3A_458 = tpu.memref_slice %arg4[%add3A_415, %dma_start3A_455, %add3A, %dma_start3A_456, %dma_start3A_457] : memref<200x8x32x8x128xf32, #tpu.memory_space<hbm>> -> memref<1x8x1x8x128xf32, #tpu.memory_space<hbm>>
      %dma_start3A_459 = tpu.memref_squeeze %dma_start3A_458 : memref<1x8x1x8x128xf32, #tpu.memory_space<hbm>> -> memref<8x8x128xf32, #tpu.memory_space<hbm>>
      %dma_start3A_460 = arith.constant 0 : i32
      %dma_start3A_461 = arith.constant 0 : i32
      %dma_start3A_462 = arith.constant 0 : i32
      %dma_start3A_463 = tpu.memref_slice %arg7[%dma_start3A_441, %dma_start3A_460, %dma_start3A_461, %dma_start3A_462] : memref<2x8x8x129xf32, #tpu.memory_space<vmem>> -> memref<1x8x8x128xf32, #tpu.memory_space<vmem>>
      %dma_start3A_464 = tpu.memref_squeeze %dma_start3A_463 : memref<1x8x8x128xf32, #tpu.memory_space<vmem>> -> memref<8x8x128xf32, #tpu.memory_space<vmem>>
      tpu.enqueue_dma source(%dma_start3A_464 : memref<8x8x128xf32, #tpu.memory_space<vmem>>) target(%dma_start3A_459 : memref<8x8x128xf32, #tpu.memory_space<hbm>>) target_semaphore(%dma_start3A_454 : memref<!tpu.dma_semaphore, #tpu.memory_space<semaphore_mem>>)
      %add3A_465 = arith.constant 1 : i32
      %add3A_466 = arith.addi %scan3A_219, %add3A_465 : i32
      %lt3A_467 = arith.constant 25 : i32
      %lt3A_468 = arith.cmpi slt, %add3A_466, %lt3A_467 : i32
      %convert_element_type3A_469 = arith.extui %lt3A_468 : i1 to i32
      %cond3A_470 = arith.constant 0 : i32
      %cond3A_471 = arith.cmpi ne, %convert_element_type3A_469, %cond3A_470 : i32
      scf.if %cond3A_471 {
        %sub3A = arith.constant 1 : i32
        %sub3A_712 = arith.subi %sub3A, %rem3A_221 : i32
        %dma_start3A_713 = arith.constant 3 : i32
        %dma_start3A_714 = arith.constant 3 : i32
        %dma_start3A_715 = arith.constant 3 : i32
        %dma_start3A_716 = arith.constant 0 : i32
        %dma_start3A_717 = arith.constant 0 : i32
        %dma_start3A_718 = tpu.memref_slice %arg6[%dma_start3A_714, %dma_start3A_716, %dma_start3A_717] : memref<8x128x64xf32, #tpu.memory_space<vmem>> -> memref<1x128x64xf32, #tpu.memory_space<vmem>>
        %dma_start3A_719 = tpu.memref_squeeze %dma_start3A_718 : memref<1x128x64xf32, #tpu.memory_space<vmem>> -> memref<128x64xf32, #tpu.memory_space<vmem>>
        %dma_start3A_720 = arith.constant 0 : i32
        %dma_start3A_721 = tpu.memref_slice %arg5[%sub3A_712, %dma_start3A_713, %dma_start3A_720] : memref<2x8x128xi32, #tpu.memory_space<vmem>> -> memref<1x1x128xi32, #tpu.memory_space<vmem>>
        %dma_start3A_722 = tpu.memref_squeeze %dma_start3A_721 : memref<1x1x128xi32, #tpu.memory_space<vmem>> -> memref<128xi32, #tpu.memory_space<vmem>>
        %dma_start3A_723 = arith.constant 0 : i32
        %dma_start3A_724 = arith.constant 0 : i32
        %dma_start3A_725 = tpu.memref_slice %arg3[%dma_start3A_723, %dma_start3A_724] : memref<1000000x64xf32, #tpu.memory_space<hbm>> -> memref<1000000x64xf32, #tpu.memory_space<hbm>>
        %dma_start3A_726 = tpu.memref_slice %arg9[%dma_start3A_715] : memref<8x!tpu.dma_semaphore, #tpu.memory_space<semaphore_mem>> -> memref<1x!tpu.dma_semaphore, #tpu.memory_space<semaphore_mem>>
        %dma_start3A_727 = tpu.memref_squeeze %dma_start3A_726 : memref<1x!tpu.dma_semaphore, #tpu.memory_space<semaphore_mem>> -> memref<!tpu.dma_semaphore, #tpu.memory_space<semaphore_mem>>
        tpu.enqueue_indirect_dma source(%dma_start3A_725 : memref<1000000x64xf32, #tpu.memory_space<hbm>>) target(%dma_start3A_719 : memref<128x64xf32, #tpu.memory_space<vmem>>) offsets(%dma_start3A_722 : memref<128xi32, #tpu.memory_space<vmem>>) semaphore(%dma_start3A_727 : memref<!tpu.dma_semaphore, #tpu.memory_space<semaphore_mem>>)
      } else {
      }
      %mul3A_472 = arith.constant 8 : i32
      %mul3A_473 = arith.muli %mul3A_472, %scan3A_219 : i32
      %add3A_474 = arith.constant 4 : i32
      %add3A_475 = arith.addi %mul3A_473, %add3A_474 : i32
      %dma_wait3A_476 = arith.constant 4 : i32
      %dma_wait3A_477 = arith.constant 4 : i32
      %dma_wait3A_478 = arith.constant 4 : i32
      %dma_wait3A_479 = arith.constant 0 : i32
      %dma_wait3A_480 = arith.constant 0 : i32
      %dma_wait3A_481 = tpu.memref_slice %arg6[%dma_wait3A_477, %dma_wait3A_479, %dma_wait3A_480] : memref<8x128x64xf32, #tpu.memory_space<vmem>> -> memref<1x128x64xf32, #tpu.memory_space<vmem>>
      %dma_wait3A_482 = tpu.memref_squeeze %dma_wait3A_481 : memref<1x128x64xf32, #tpu.memory_space<vmem>> -> memref<128x64xf32, #tpu.memory_space<vmem>>
      %dma_wait3A_483 = arith.constant 0 : i32
      %dma_wait3A_484 = tpu.memref_slice %arg5[%rem3A_221, %dma_wait3A_476, %dma_wait3A_483] : memref<2x8x128xi32, #tpu.memory_space<vmem>> -> memref<1x1x128xi32, #tpu.memory_space<vmem>>
      %dma_wait3A_485 = tpu.memref_squeeze %dma_wait3A_484 : memref<1x1x128xi32, #tpu.memory_space<vmem>> -> memref<128xi32, #tpu.memory_space<vmem>>
      %dma_wait3A_486 = arith.constant 0 : i32
      %dma_wait3A_487 = arith.constant 0 : i32
      %dma_wait3A_488 = tpu.memref_slice %arg3[%dma_wait3A_486, %dma_wait3A_487] : memref<1000000x64xf32, #tpu.memory_space<hbm>> -> memref<1000000x64xf32, #tpu.memory_space<hbm>>
      %dma_wait3A_489 = tpu.memref_slice %arg9[%dma_wait3A_478] : memref<8x!tpu.dma_semaphore, #tpu.memory_space<semaphore_mem>> -> memref<1x!tpu.dma_semaphore, #tpu.memory_space<semaphore_mem>>
      %dma_wait3A_490 = tpu.memref_squeeze %dma_wait3A_489 : memref<1x!tpu.dma_semaphore, #tpu.memory_space<semaphore_mem>> -> memref<!tpu.dma_semaphore, #tpu.memory_space<semaphore_mem>>
      tpu.wait_indirect_dma semaphore(%dma_wait3A_490 : memref<!tpu.dma_semaphore, #tpu.memory_space<semaphore_mem>>) src(%dma_wait3A_488 : memref<1000000x64xf32, #tpu.memory_space<hbm>>) dst(%dma_wait3A_482 : memref<128x64xf32, #tpu.memory_space<vmem>>)
      %ge3A_491 = arith.constant 2 : i32
      %ge3A_492 = arith.cmpi sge, %add3A_475, %ge3A_491 : i32
      %convert_element_type3A_493 = arith.extui %ge3A_492 : i1 to i32
      %cond3A_494 = arith.constant 0 : i32
      %cond3A_495 = arith.cmpi ne, %convert_element_type3A_493, %cond3A_494 : i32
      scf.if %cond3A_495 {
        %sub3A = arith.constant 2 : i32
        %sub3A_712 = arith.subi %add3A_475, %sub3A : i32
        %dma_wait3A_713 = arith.constant 0 : i32
        %dma_wait3A_714 = arith.constant 0 : i32
        %dma_wait3A_715 = arith.constant 0 : i32
        %dma_wait3A_716 = arith.constant 0 : i32
        %dma_wait3A_717 = arith.constant 0 : i32
        %dma_wait3A_718 = tpu.memref_slice %arg7[%dma_wait3A_713, %dma_wait3A_715, %dma_wait3A_716, %dma_wait3A_717] : memref<2x8x8x129xf32, #tpu.memory_space<vmem>> -> memref<1x8x8x128xf32, #tpu.memory_space<vmem>>
        %dma_wait3A_719 = tpu.memref_squeeze %dma_wait3A_718 : memref<1x8x8x128xf32, #tpu.memory_space<vmem>> -> memref<8x8x128xf32, #tpu.memory_space<vmem>>
        %dma_wait3A_720 = arith.constant 0 : i32
        %dma_wait3A_721 = arith.constant 0 : i32
        %dma_wait3A_722 = arith.constant 0 : i32
        %dma_wait3A_723 = tpu.memref_slice %arg4[%sub3A_712, %dma_wait3A_720, %add3A, %dma_wait3A_721, %dma_wait3A_722] : memref<200x8x32x8x128xf32, #tpu.memory_space<hbm>> -> memref<1x8x1x8x128xf32, #tpu.memory_space<hbm>>
        %dma_wait3A_724 = tpu.memref_squeeze %dma_wait3A_723 : memref<1x8x1x8x128xf32, #tpu.memory_space<hbm>> -> memref<8x8x128xf32, #tpu.memory_space<hbm>>
        %dma_wait3A_725 = tpu.memref_slice %arg10[%dma_wait3A_714] : memref<2x!tpu.dma_semaphore, #tpu.memory_space<semaphore_mem>> -> memref<1x!tpu.dma_semaphore, #tpu.memory_space<semaphore_mem>>
        %dma_wait3A_726 = tpu.memref_squeeze %dma_wait3A_725 : memref<1x!tpu.dma_semaphore, #tpu.memory_space<semaphore_mem>> -> memref<!tpu.dma_semaphore, #tpu.memory_space<semaphore_mem>>
        %dma_wait3A_727 = arith.constant 0 : i32
        %dma_wait3A_728 = arith.constant 0 : i32
        %dma_wait3A_729 = arith.constant 0 : i32
        %dma_wait3A_730 = tpu.memref_slice %arg4[%sub3A_712, %dma_wait3A_727, %add3A, %dma_wait3A_728, %dma_wait3A_729] : memref<200x8x32x8x128xf32, #tpu.memory_space<hbm>> -> memref<1x8x1x8x128xf32, #tpu.memory_space<hbm>>
        %dma_wait3A_731 = tpu.memref_squeeze %dma_wait3A_730 : memref<1x8x1x8x128xf32, #tpu.memory_space<hbm>> -> memref<8x8x128xf32, #tpu.memory_space<hbm>>
        %dma_wait3A_732 = arith.constant 0 : i32
        %dma_wait3A_733 = arith.constant 0 : i32
        %dma_wait3A_734 = arith.constant 0 : i32
        %dma_wait3A_735 = tpu.memref_slice %arg7[%dma_wait3A_713, %dma_wait3A_732, %dma_wait3A_733, %dma_wait3A_734] : memref<2x8x8x129xf32, #tpu.memory_space<vmem>> -> memref<1x8x8x128xf32, #tpu.memory_space<vmem>>
        %dma_wait3A_736 = tpu.memref_squeeze %dma_wait3A_735 : memref<1x8x8x128xf32, #tpu.memory_space<vmem>> -> memref<8x8x128xf32, #tpu.memory_space<vmem>>
        tpu.wait_dma2 semaphore(%dma_wait3A_726 : memref<!tpu.dma_semaphore, #tpu.memory_space<semaphore_mem>>) src(%dma_wait3A_736 : memref<8x8x128xf32, #tpu.memory_space<vmem>>) dst(%dma_wait3A_731 : memref<8x8x128xf32, #tpu.memory_space<hbm>>)
      } else {
      }
      %scan3A_496 = arith.constant 0 : i32
      %scan3A_497 = arith.constant 128 : i32
      %scan3A_498 = arith.addi %scan3A_496, %scan3A_497 : i32
      %scan3A_499 = arith.constant 1 : i32
      scf.for %scan3A_712 = %scan3A_496 to %scan3A_498 step %scan3A_499  : i32 {
        %broadcast_in_dim3A = vector.broadcast %scan3A_712 : i32 to vector<16xi32>
        %get3A = arith.constant 4 : i32
        %get3A_713 = arith.index_cast %get3A : i32 to index
        %get3A_714 = arith.index_cast %scan3A_712 : i32 to index
        %get3A_715 = arith.constant 0 : index
        %get3A_716 = tpu.vector_load %arg6[%get3A_713, %get3A_714, %get3A_715] {strides = array<i32>} : memref<8x128x64xf32, #tpu.memory_space<vmem>>, vector<16xf32>,
        %get3A_717 = arith.constant 4 : i32
        %get3A_718 = arith.index_cast %get3A_717 : i32 to index
        %get3A_719 = arith.index_cast %scan3A_712 : i32 to index
        %get3A_720 = arith.constant 16 : index
        %get3A_721 = tpu.vector_load %arg6[%get3A_718, %get3A_719, %get3A_720] {strides = array<i32>} : memref<8x128x64xf32, #tpu.memory_space<vmem>>, vector<16xf32>,
        %get3A_722 = arith.constant 4 : i32
        %get3A_723 = arith.index_cast %get3A_722 : i32 to index
        %get3A_724 = arith.index_cast %scan3A_712 : i32 to index
        %get3A_725 = arith.constant 32 : index
        %get3A_726 = tpu.vector_load %arg6[%get3A_723, %get3A_724, %get3A_725] {strides = array<i32>} : memref<8x128x64xf32, #tpu.memory_space<vmem>>, vector<16xf32>,
        %get3A_727 = arith.constant 4 : i32
        %get3A_728 = arith.index_cast %get3A_727 : i32 to index
        %get3A_729 = arith.index_cast %scan3A_712 : i32 to index
        %get3A_730 = arith.constant 48 : index
        %get3A_731 = tpu.vector_load %arg6[%get3A_728, %get3A_729, %get3A_730] {strides = array<i32>} : memref<8x128x64xf32, #tpu.memory_space<vmem>>, vector<16xf32>,
        %add3A_732 = arith.constant 0 : i32
        %add3A_733 = vector.broadcast %add3A_732 : i32 to vector<16xi32>
        %add3A_734 = arith.addi %add3A_733, %div3A_4 : vector<16xi32>
        %scatter3A = arith.constant 0 : i32
        %scatter3A_735 = arith.constant 0 : i32
        %scatter3A_736 = arith.constant 0 : i32
        %scatter3A_737 = arith.constant 0 : i32
        %scatter3A_738 = tpu.memref_slice %arg7[%scatter3A, %scatter3A_735, %scatter3A_736, %scatter3A_737] : memref<2x8x8x129xf32, #tpu.memory_space<vmem>> -> memref<1x8x8x129xf32, #tpu.memory_space<vmem>>
        %scatter3A_739 = tpu.memref_squeeze %scatter3A_738 : memref<1x8x8x129xf32, #tpu.memory_space<vmem>> -> memref<8x8x129xf32, #tpu.memory_space<vmem>>
        tpu.vector_store_idx %scatter3A_739[%add3A_734, %rem3A_6, %broadcast_in_dim3A], %get3A_716 : memref<8x8x129xf32, #tpu.memory_space<vmem>>[vector<16xi32>, vector<16xi32>, vector<16xi32>], vector<16xf32>,
        %add3A_740 = arith.constant 2 : i32
        %add3A_741 = vector.broadcast %add3A_740 : i32 to vector<16xi32>
        %add3A_742 = arith.addi %add3A_741, %div3A_4 : vector<16xi32>
        %scatter3A_743 = arith.constant 0 : i32
        %scatter3A_744 = arith.constant 0 : i32
        %scatter3A_745 = arith.constant 0 : i32
        %scatter3A_746 = arith.constant 0 : i32
        %scatter3A_747 = tpu.memref_slice %arg7[%scatter3A_743, %scatter3A_744, %scatter3A_745, %scatter3A_746] : memref<2x8x8x129xf32, #tpu.memory_space<vmem>> -> memref<1x8x8x129xf32, #tpu.memory_space<vmem>>
        %scatter3A_748 = tpu.memref_squeeze %scatter3A_747 : memref<1x8x8x129xf32, #tpu.memory_space<vmem>> -> memref<8x8x129xf32, #tpu.memory_space<vmem>>
        tpu.vector_store_idx %scatter3A_748[%add3A_742, %rem3A_6, %broadcast_in_dim3A], %get3A_721 : memref<8x8x129xf32, #tpu.memory_space<vmem>>[vector<16xi32>, vector<16xi32>, vector<16xi32>], vector<16xf32>,
        %add3A_749 = arith.constant 4 : i32
        %add3A_750 = vector.broadcast %add3A_749 : i32 to vector<16xi32>
        %add3A_751 = arith.addi %add3A_750, %div3A_4 : vector<16xi32>
        %scatter3A_752 = arith.constant 0 : i32
        %scatter3A_753 = arith.constant 0 : i32
        %scatter3A_754 = arith.constant 0 : i32
        %scatter3A_755 = arith.constant 0 : i32
        %scatter3A_756 = tpu.memref_slice %arg7[%scatter3A_752, %scatter3A_753, %scatter3A_754, %scatter3A_755] : memref<2x8x8x129xf32, #tpu.memory_space<vmem>> -> memref<1x8x8x129xf32, #tpu.memory_space<vmem>>
        %scatter3A_757 = tpu.memref_squeeze %scatter3A_756 : memref<1x8x8x129xf32, #tpu.memory_space<vmem>> -> memref<8x8x129xf32, #tpu.memory_space<vmem>>
        tpu.vector_store_idx %scatter3A_757[%add3A_751, %rem3A_6, %broadcast_in_dim3A], %get3A_726 : memref<8x8x129xf32, #tpu.memory_space<vmem>>[vector<16xi32>, vector<16xi32>, vector<16xi32>], vector<16xf32>,
        %add3A_758 = arith.constant 6 : i32
        %add3A_759 = vector.broadcast %add3A_758 : i32 to vector<16xi32>
        %add3A_760 = arith.addi %add3A_759, %div3A_4 : vector<16xi32>
        %scatter3A_761 = arith.constant 0 : i32
        %scatter3A_762 = arith.constant 0 : i32
        %scatter3A_763 = arith.constant 0 : i32
        %scatter3A_764 = arith.constant 0 : i32
        %scatter3A_765 = tpu.memref_slice %arg7[%scatter3A_761, %scatter3A_762, %scatter3A_763, %scatter3A_764] : memref<2x8x8x129xf32, #tpu.memory_space<vmem>> -> memref<1x8x8x129xf32, #tpu.memory_space<vmem>>
        %scatter3A_766 = tpu.memref_squeeze %scatter3A_765 : memref<1x8x8x129xf32, #tpu.memory_space<vmem>> -> memref<8x8x129xf32, #tpu.memory_space<vmem>>
        tpu.vector_store_idx %scatter3A_766[%add3A_760, %rem3A_6, %broadcast_in_dim3A], %get3A_731 : memref<8x8x129xf32, #tpu.memory_space<vmem>>[vector<16xi32>, vector<16xi32>, vector<16xi32>], vector<16xf32>,
      }
      %scan3A_500 = arith.constant 128 : i32
      %dma_start3A_501 = arith.constant 0 : i32
      %dma_start3A_502 = arith.constant 0 : i32
      %dma_start3A_503 = arith.constant 0 : i32
      %dma_start3A_504 = arith.constant 0 : i32
      %dma_start3A_505 = arith.constant 0 : i32
      %dma_start3A_506 = tpu.memref_slice %arg7[%dma_start3A_501, %dma_start3A_503, %dma_start3A_504, %dma_start3A_505] : memref<2x8x8x129xf32, #tpu.memory_space<vmem>> -> memref<1x8x8x128xf32, #tpu.memory_space<vmem>>
      %dma_start3A_507 = tpu.memref_squeeze %dma_start3A_506 : memref<1x8x8x128xf32, #tpu.memory_space<vmem>> -> memref<8x8x128xf32, #tpu.memory_space<vmem>>
      %dma_start3A_508 = arith.constant 0 : i32
      %dma_start3A_509 = arith.constant 0 : i32
      %dma_start3A_510 = arith.constant 0 : i32
      %dma_start3A_511 = tpu.memref_slice %arg4[%add3A_475, %dma_start3A_508, %add3A, %dma_start3A_509, %dma_start3A_510] : memref<200x8x32x8x128xf32, #tpu.memory_space<hbm>> -> memref<1x8x1x8x128xf32, #tpu.memory_space<hbm>>
      %dma_start3A_512 = tpu.memref_squeeze %dma_start3A_511 : memref<1x8x1x8x128xf32, #tpu.memory_space<hbm>> -> memref<8x8x128xf32, #tpu.memory_space<hbm>>
      %dma_start3A_513 = tpu.memref_slice %arg10[%dma_start3A_502] : memref<2x!tpu.dma_semaphore, #tpu.memory_space<semaphore_mem>> -> memref<1x!tpu.dma_semaphore, #tpu.memory_space<semaphore_mem>>
      %dma_start3A_514 = tpu.memref_squeeze %dma_start3A_513 : memref<1x!tpu.dma_semaphore, #tpu.memory_space<semaphore_mem>> -> memref<!tpu.dma_semaphore, #tpu.memory_space<semaphore_mem>>
      %dma_start3A_515 = arith.constant 0 : i32
      %dma_start3A_516 = arith.constant 0 : i32
      %dma_start3A_517 = arith.constant 0 : i32
      %dma_start3A_518 = tpu.memref_slice %arg4[%add3A_475, %dma_start3A_515, %add3A, %dma_start3A_516, %dma_start3A_517] : memref<200x8x32x8x128xf32, #tpu.memory_space<hbm>> -> memref<1x8x1x8x128xf32, #tpu.memory_space<hbm>>
      %dma_start3A_519 = tpu.memref_squeeze %dma_start3A_518 : memref<1x8x1x8x128xf32, #tpu.memory_space<hbm>> -> memref<8x8x128xf32, #tpu.memory_space<hbm>>
      %dma_start3A_520 = arith.constant 0 : i32
      %dma_start3A_521 = arith.constant 0 : i32
      %dma_start3A_522 = arith.constant 0 : i32
      %dma_start3A_523 = tpu.memref_slice %arg7[%dma_start3A_501, %dma_start3A_520, %dma_start3A_521, %dma_start3A_522] : memref<2x8x8x129xf32, #tpu.memory_space<vmem>> -> memref<1x8x8x128xf32, #tpu.memory_space<vmem>>
      %dma_start3A_524 = tpu.memref_squeeze %dma_start3A_523 : memref<1x8x8x128xf32, #tpu.memory_space<vmem>> -> memref<8x8x128xf32, #tpu.memory_space<vmem>>
      tpu.enqueue_dma source(%dma_start3A_524 : memref<8x8x128xf32, #tpu.memory_space<vmem>>) target(%dma_start3A_519 : memref<8x8x128xf32, #tpu.memory_space<hbm>>) target_semaphore(%dma_start3A_514 : memref<!tpu.dma_semaphore, #tpu.memory_space<semaphore_mem>>)
      %add3A_525 = arith.constant 1 : i32
      %add3A_526 = arith.addi %scan3A_219, %add3A_525 : i32
      %lt3A_527 = arith.constant 25 : i32
      %lt3A_528 = arith.cmpi slt, %add3A_526, %lt3A_527 : i32
      %convert_element_type3A_529 = arith.extui %lt3A_528 : i1 to i32
      %cond3A_530 = arith.constant 0 : i32
      %cond3A_531 = arith.cmpi ne, %convert_element_type3A_529, %cond3A_530 : i32
      scf.if %cond3A_531 {
        %sub3A = arith.constant 1 : i32
        %sub3A_712 = arith.subi %sub3A, %rem3A_221 : i32
        %dma_start3A_713 = arith.constant 4 : i32
        %dma_start3A_714 = arith.constant 4 : i32
        %dma_start3A_715 = arith.constant 4 : i32
        %dma_start3A_716 = arith.constant 0 : i32
        %dma_start3A_717 = arith.constant 0 : i32
        %dma_start3A_718 = tpu.memref_slice %arg6[%dma_start3A_714, %dma_start3A_716, %dma_start3A_717] : memref<8x128x64xf32, #tpu.memory_space<vmem>> -> memref<1x128x64xf32, #tpu.memory_space<vmem>>
        %dma_start3A_719 = tpu.memref_squeeze %dma_start3A_718 : memref<1x128x64xf32, #tpu.memory_space<vmem>> -> memref<128x64xf32, #tpu.memory_space<vmem>>
        %dma_start3A_720 = arith.constant 0 : i32
        %dma_start3A_721 = tpu.memref_slice %arg5[%sub3A_712, %dma_start3A_713, %dma_start3A_720] : memref<2x8x128xi32, #tpu.memory_space<vmem>> -> memref<1x1x128xi32, #tpu.memory_space<vmem>>
        %dma_start3A_722 = tpu.memref_squeeze %dma_start3A_721 : memref<1x1x128xi32, #tpu.memory_space<vmem>> -> memref<128xi32, #tpu.memory_space<vmem>>
        %dma_start3A_723 = arith.constant 0 : i32
        %dma_start3A_724 = arith.constant 0 : i32
        %dma_start3A_725 = tpu.memref_slice %arg3[%dma_start3A_723, %dma_start3A_724] : memref<1000000x64xf32, #tpu.memory_space<hbm>> -> memref<1000000x64xf32, #tpu.memory_space<hbm>>
        %dma_start3A_726 = tpu.memref_slice %arg9[%dma_start3A_715] : memref<8x!tpu.dma_semaphore, #tpu.memory_space<semaphore_mem>> -> memref<1x!tpu.dma_semaphore, #tpu.memory_space<semaphore_mem>>
        %dma_start3A_727 = tpu.memref_squeeze %dma_start3A_726 : memref<1x!tpu.dma_semaphore, #tpu.memory_space<semaphore_mem>> -> memref<!tpu.dma_semaphore, #tpu.memory_space<semaphore_mem>>
        tpu.enqueue_indirect_dma source(%dma_start3A_725 : memref<1000000x64xf32, #tpu.memory_space<hbm>>) target(%dma_start3A_719 : memref<128x64xf32, #tpu.memory_space<vmem>>) offsets(%dma_start3A_722 : memref<128xi32, #tpu.memory_space<vmem>>) semaphore(%dma_start3A_727 : memref<!tpu.dma_semaphore, #tpu.memory_space<semaphore_mem>>)
      } else {
      }
      %mul3A_532 = arith.constant 8 : i32
      %mul3A_533 = arith.muli %mul3A_532, %scan3A_219 : i32
      %add3A_534 = arith.constant 5 : i32
      %add3A_535 = arith.addi %mul3A_533, %add3A_534 : i32
      %dma_wait3A_536 = arith.constant 5 : i32
      %dma_wait3A_537 = arith.constant 5 : i32
      %dma_wait3A_538 = arith.constant 5 : i32
      %dma_wait3A_539 = arith.constant 0 : i32
      %dma_wait3A_540 = arith.constant 0 : i32
      %dma_wait3A_541 = tpu.memref_slice %arg6[%dma_wait3A_537, %dma_wait3A_539, %dma_wait3A_540] : memref<8x128x64xf32, #tpu.memory_space<vmem>> -> memref<1x128x64xf32, #tpu.memory_space<vmem>>
      %dma_wait3A_542 = tpu.memref_squeeze %dma_wait3A_541 : memref<1x128x64xf32, #tpu.memory_space<vmem>> -> memref<128x64xf32, #tpu.memory_space<vmem>>
      %dma_wait3A_543 = arith.constant 0 : i32
      %dma_wait3A_544 = tpu.memref_slice %arg5[%rem3A_221, %dma_wait3A_536, %dma_wait3A_543] : memref<2x8x128xi32, #tpu.memory_space<vmem>> -> memref<1x1x128xi32, #tpu.memory_space<vmem>>
      %dma_wait3A_545 = tpu.memref_squeeze %dma_wait3A_544 : memref<1x1x128xi32, #tpu.memory_space<vmem>> -> memref<128xi32, #tpu.memory_space<vmem>>
      %dma_wait3A_546 = arith.constant 0 : i32
      %dma_wait3A_547 = arith.constant 0 : i32
      %dma_wait3A_548 = tpu.memref_slice %arg3[%dma_wait3A_546, %dma_wait3A_547] : memref<1000000x64xf32, #tpu.memory_space<hbm>> -> memref<1000000x64xf32, #tpu.memory_space<hbm>>
      %dma_wait3A_549 = tpu.memref_slice %arg9[%dma_wait3A_538] : memref<8x!tpu.dma_semaphore, #tpu.memory_space<semaphore_mem>> -> memref<1x!tpu.dma_semaphore, #tpu.memory_space<semaphore_mem>>
      %dma_wait3A_550 = tpu.memref_squeeze %dma_wait3A_549 : memref<1x!tpu.dma_semaphore, #tpu.memory_space<semaphore_mem>> -> memref<!tpu.dma_semaphore, #tpu.memory_space<semaphore_mem>>
      tpu.wait_indirect_dma semaphore(%dma_wait3A_550 : memref<!tpu.dma_semaphore, #tpu.memory_space<semaphore_mem>>) src(%dma_wait3A_548 : memref<1000000x64xf32, #tpu.memory_space<hbm>>) dst(%dma_wait3A_542 : memref<128x64xf32, #tpu.memory_space<vmem>>)
      %ge3A_551 = arith.constant 2 : i32
      %ge3A_552 = arith.cmpi sge, %add3A_535, %ge3A_551 : i32
      %convert_element_type3A_553 = arith.extui %ge3A_552 : i1 to i32
      %cond3A_554 = arith.constant 0 : i32
      %cond3A_555 = arith.cmpi ne, %convert_element_type3A_553, %cond3A_554 : i32
      scf.if %cond3A_555 {
        %sub3A = arith.constant 2 : i32
        %sub3A_712 = arith.subi %add3A_535, %sub3A : i32
        %dma_wait3A_713 = arith.constant 1 : i32
        %dma_wait3A_714 = arith.constant 1 : i32
        %dma_wait3A_715 = arith.constant 0 : i32
        %dma_wait3A_716 = arith.constant 0 : i32
        %dma_wait3A_717 = arith.constant 0 : i32
        %dma_wait3A_718 = tpu.memref_slice %arg7[%dma_wait3A_713, %dma_wait3A_715, %dma_wait3A_716, %dma_wait3A_717] : memref<2x8x8x129xf32, #tpu.memory_space<vmem>> -> memref<1x8x8x128xf32, #tpu.memory_space<vmem>>
        %dma_wait3A_719 = tpu.memref_squeeze %dma_wait3A_718 : memref<1x8x8x128xf32, #tpu.memory_space<vmem>> -> memref<8x8x128xf32, #tpu.memory_space<vmem>>
        %dma_wait3A_720 = arith.constant 0 : i32
        %dma_wait3A_721 = arith.constant 0 : i32
        %dma_wait3A_722 = arith.constant 0 : i32
        %dma_wait3A_723 = tpu.memref_slice %arg4[%sub3A_712, %dma_wait3A_720, %add3A, %dma_wait3A_721, %dma_wait3A_722] : memref<200x8x32x8x128xf32, #tpu.memory_space<hbm>> -> memref<1x8x1x8x128xf32, #tpu.memory_space<hbm>>
        %dma_wait3A_724 = tpu.memref_squeeze %dma_wait3A_723 : memref<1x8x1x8x128xf32, #tpu.memory_space<hbm>> -> memref<8x8x128xf32, #tpu.memory_space<hbm>>
        %dma_wait3A_725 = tpu.memref_slice %arg10[%dma_wait3A_714] : memref<2x!tpu.dma_semaphore, #tpu.memory_space<semaphore_mem>> -> memref<1x!tpu.dma_semaphore, #tpu.memory_space<semaphore_mem>>
        %dma_wait3A_726 = tpu.memref_squeeze %dma_wait3A_725 : memref<1x!tpu.dma_semaphore, #tpu.memory_space<semaphore_mem>> -> memref<!tpu.dma_semaphore, #tpu.memory_space<semaphore_mem>>
        %dma_wait3A_727 = arith.constant 0 : i32
        %dma_wait3A_728 = arith.constant 0 : i32
        %dma_wait3A_729 = arith.constant 0 : i32
        %dma_wait3A_730 = tpu.memref_slice %arg4[%sub3A_712, %dma_wait3A_727, %add3A, %dma_wait3A_728, %dma_wait3A_729] : memref<200x8x32x8x128xf32, #tpu.memory_space<hbm>> -> memref<1x8x1x8x128xf32, #tpu.memory_space<hbm>>
        %dma_wait3A_731 = tpu.memref_squeeze %dma_wait3A_730 : memref<1x8x1x8x128xf32, #tpu.memory_space<hbm>> -> memref<8x8x128xf32, #tpu.memory_space<hbm>>
        %dma_wait3A_732 = arith.constant 0 : i32
        %dma_wait3A_733 = arith.constant 0 : i32
        %dma_wait3A_734 = arith.constant 0 : i32
        %dma_wait3A_735 = tpu.memref_slice %arg7[%dma_wait3A_713, %dma_wait3A_732, %dma_wait3A_733, %dma_wait3A_734] : memref<2x8x8x129xf32, #tpu.memory_space<vmem>> -> memref<1x8x8x128xf32, #tpu.memory_space<vmem>>
        %dma_wait3A_736 = tpu.memref_squeeze %dma_wait3A_735 : memref<1x8x8x128xf32, #tpu.memory_space<vmem>> -> memref<8x8x128xf32, #tpu.memory_space<vmem>>
        tpu.wait_dma2 semaphore(%dma_wait3A_726 : memref<!tpu.dma_semaphore, #tpu.memory_space<semaphore_mem>>) src(%dma_wait3A_736 : memref<8x8x128xf32, #tpu.memory_space<vmem>>) dst(%dma_wait3A_731 : memref<8x8x128xf32, #tpu.memory_space<hbm>>)
      } else {
      }
      %scan3A_556 = arith.constant 0 : i32
      %scan3A_557 = arith.constant 128 : i32
      %scan3A_558 = arith.addi %scan3A_556, %scan3A_557 : i32
      %scan3A_559 = arith.constant 1 : i32
      scf.for %scan3A_712 = %scan3A_556 to %scan3A_558 step %scan3A_559  : i32 {
        %broadcast_in_dim3A = vector.broadcast %scan3A_712 : i32 to vector<16xi32>
        %get3A = arith.constant 5 : i32
        %get3A_713 = arith.index_cast %get3A : i32 to index
        %get3A_714 = arith.index_cast %scan3A_712 : i32 to index
        %get3A_715 = arith.constant 0 : index
        %get3A_716 = tpu.vector_load %arg6[%get3A_713, %get3A_714, %get3A_715] {strides = array<i32>} : memref<8x128x64xf32, #tpu.memory_space<vmem>>, vector<16xf32>,
        %get3A_717 = arith.constant 5 : i32
        %get3A_718 = arith.index_cast %get3A_717 : i32 to index
        %get3A_719 = arith.index_cast %scan3A_712 : i32 to index
        %get3A_720 = arith.constant 16 : index
        %get3A_721 = tpu.vector_load %arg6[%get3A_718, %get3A_719, %get3A_720] {strides = array<i32>} : memref<8x128x64xf32, #tpu.memory_space<vmem>>, vector<16xf32>,
        %get3A_722 = arith.constant 5 : i32
        %get3A_723 = arith.index_cast %get3A_722 : i32 to index
        %get3A_724 = arith.index_cast %scan3A_712 : i32 to index
        %get3A_725 = arith.constant 32 : index
        %get3A_726 = tpu.vector_load %arg6[%get3A_723, %get3A_724, %get3A_725] {strides = array<i32>} : memref<8x128x64xf32, #tpu.memory_space<vmem>>, vector<16xf32>,
        %get3A_727 = arith.constant 5 : i32
        %get3A_728 = arith.index_cast %get3A_727 : i32 to index
        %get3A_729 = arith.index_cast %scan3A_712 : i32 to index
        %get3A_730 = arith.constant 48 : index
        %get3A_731 = tpu.vector_load %arg6[%get3A_728, %get3A_729, %get3A_730] {strides = array<i32>} : memref<8x128x64xf32, #tpu.memory_space<vmem>>, vector<16xf32>,
        %add3A_732 = arith.constant 0 : i32
        %add3A_733 = vector.broadcast %add3A_732 : i32 to vector<16xi32>
        %add3A_734 = arith.addi %add3A_733, %div3A_4 : vector<16xi32>
        %scatter3A = arith.constant 1 : i32
        %scatter3A_735 = arith.constant 0 : i32
        %scatter3A_736 = arith.constant 0 : i32
        %scatter3A_737 = arith.constant 0 : i32
        %scatter3A_738 = tpu.memref_slice %arg7[%scatter3A, %scatter3A_735, %scatter3A_736, %scatter3A_737] : memref<2x8x8x129xf32, #tpu.memory_space<vmem>> -> memref<1x8x8x129xf32, #tpu.memory_space<vmem>>
        %scatter3A_739 = tpu.memref_squeeze %scatter3A_738 : memref<1x8x8x129xf32, #tpu.memory_space<vmem>> -> memref<8x8x129xf32, #tpu.memory_space<vmem>>
        tpu.vector_store_idx %scatter3A_739[%add3A_734, %rem3A_6, %broadcast_in_dim3A], %get3A_716 : memref<8x8x129xf32, #tpu.memory_space<vmem>>[vector<16xi32>, vector<16xi32>, vector<16xi32>], vector<16xf32>,
        %add3A_740 = arith.constant 2 : i32
        %add3A_741 = vector.broadcast %add3A_740 : i32 to vector<16xi32>
        %add3A_742 = arith.addi %add3A_741, %div3A_4 : vector<16xi32>
        %scatter3A_743 = arith.constant 1 : i32
        %scatter3A_744 = arith.constant 0 : i32
        %scatter3A_745 = arith.constant 0 : i32
        %scatter3A_746 = arith.constant 0 : i32
        %scatter3A_747 = tpu.memref_slice %arg7[%scatter3A_743, %scatter3A_744, %scatter3A_745, %scatter3A_746] : memref<2x8x8x129xf32, #tpu.memory_space<vmem>> -> memref<1x8x8x129xf32, #tpu.memory_space<vmem>>
        %scatter3A_748 = tpu.memref_squeeze %scatter3A_747 : memref<1x8x8x129xf32, #tpu.memory_space<vmem>> -> memref<8x8x129xf32, #tpu.memory_space<vmem>>
        tpu.vector_store_idx %scatter3A_748[%add3A_742, %rem3A_6, %broadcast_in_dim3A], %get3A_721 : memref<8x8x129xf32, #tpu.memory_space<vmem>>[vector<16xi32>, vector<16xi32>, vector<16xi32>], vector<16xf32>,
        %add3A_749 = arith.constant 4 : i32
        %add3A_750 = vector.broadcast %add3A_749 : i32 to vector<16xi32>
        %add3A_751 = arith.addi %add3A_750, %div3A_4 : vector<16xi32>
        %scatter3A_752 = arith.constant 1 : i32
        %scatter3A_753 = arith.constant 0 : i32
        %scatter3A_754 = arith.constant 0 : i32
        %scatter3A_755 = arith.constant 0 : i32
        %scatter3A_756 = tpu.memref_slice %arg7[%scatter3A_752, %scatter3A_753, %scatter3A_754, %scatter3A_755] : memref<2x8x8x129xf32, #tpu.memory_space<vmem>> -> memref<1x8x8x129xf32, #tpu.memory_space<vmem>>
        %scatter3A_757 = tpu.memref_squeeze %scatter3A_756 : memref<1x8x8x129xf32, #tpu.memory_space<vmem>> -> memref<8x8x129xf32, #tpu.memory_space<vmem>>
        tpu.vector_store_idx %scatter3A_757[%add3A_751, %rem3A_6, %broadcast_in_dim3A], %get3A_726 : memref<8x8x129xf32, #tpu.memory_space<vmem>>[vector<16xi32>, vector<16xi32>, vector<16xi32>], vector<16xf32>,
        %add3A_758 = arith.constant 6 : i32
        %add3A_759 = vector.broadcast %add3A_758 : i32 to vector<16xi32>
        %add3A_760 = arith.addi %add3A_759, %div3A_4 : vector<16xi32>
        %scatter3A_761 = arith.constant 1 : i32
        %scatter3A_762 = arith.constant 0 : i32
        %scatter3A_763 = arith.constant 0 : i32
        %scatter3A_764 = arith.constant 0 : i32
        %scatter3A_765 = tpu.memref_slice %arg7[%scatter3A_761, %scatter3A_762, %scatter3A_763, %scatter3A_764] : memref<2x8x8x129xf32, #tpu.memory_space<vmem>> -> memref<1x8x8x129xf32, #tpu.memory_space<vmem>>
        %scatter3A_766 = tpu.memref_squeeze %scatter3A_765 : memref<1x8x8x129xf32, #tpu.memory_space<vmem>> -> memref<8x8x129xf32, #tpu.memory_space<vmem>>
        tpu.vector_store_idx %scatter3A_766[%add3A_760, %rem3A_6, %broadcast_in_dim3A], %get3A_731 : memref<8x8x129xf32, #tpu.memory_space<vmem>>[vector<16xi32>, vector<16xi32>, vector<16xi32>], vector<16xf32>,
      }
      %scan3A_560 = arith.constant 128 : i32
      %dma_start3A_561 = arith.constant 1 : i32
      %dma_start3A_562 = arith.constant 1 : i32
      %dma_start3A_563 = arith.constant 0 : i32
      %dma_start3A_564 = arith.constant 0 : i32
      %dma_start3A_565 = arith.constant 0 : i32
      %dma_start3A_566 = tpu.memref_slice %arg7[%dma_start3A_561, %dma_start3A_563, %dma_start3A_564, %dma_start3A_565] : memref<2x8x8x129xf32, #tpu.memory_space<vmem>> -> memref<1x8x8x128xf32, #tpu.memory_space<vmem>>
      %dma_start3A_567 = tpu.memref_squeeze %dma_start3A_566 : memref<1x8x8x128xf32, #tpu.memory_space<vmem>> -> memref<8x8x128xf32, #tpu.memory_space<vmem>>
      %dma_start3A_568 = arith.constant 0 : i32
      %dma_start3A_569 = arith.constant 0 : i32
      %dma_start3A_570 = arith.constant 0 : i32
      %dma_start3A_571 = tpu.memref_slice %arg4[%add3A_535, %dma_start3A_568, %add3A, %dma_start3A_569, %dma_start3A_570] : memref<200x8x32x8x128xf32, #tpu.memory_space<hbm>> -> memref<1x8x1x8x128xf32, #tpu.memory_space<hbm>>
      %dma_start3A_572 = tpu.memref_squeeze %dma_start3A_571 : memref<1x8x1x8x128xf32, #tpu.memory_space<hbm>> -> memref<8x8x128xf32, #tpu.memory_space<hbm>>
      %dma_start3A_573 = tpu.memref_slice %arg10[%dma_start3A_562] : memref<2x!tpu.dma_semaphore, #tpu.memory_space<semaphore_mem>> -> memref<1x!tpu.dma_semaphore, #tpu.memory_space<semaphore_mem>>
      %dma_start3A_574 = tpu.memref_squeeze %dma_start3A_573 : memref<1x!tpu.dma_semaphore, #tpu.memory_space<semaphore_mem>> -> memref<!tpu.dma_semaphore, #tpu.memory_space<semaphore_mem>>
      %dma_start3A_575 = arith.constant 0 : i32
      %dma_start3A_576 = arith.constant 0 : i32
      %dma_start3A_577 = arith.constant 0 : i32
      %dma_start3A_578 = tpu.memref_slice %arg4[%add3A_535, %dma_start3A_575, %add3A, %dma_start3A_576, %dma_start3A_577] : memref<200x8x32x8x128xf32, #tpu.memory_space<hbm>> -> memref<1x8x1x8x128xf32, #tpu.memory_space<hbm>>
      %dma_start3A_579 = tpu.memref_squeeze %dma_start3A_578 : memref<1x8x1x8x128xf32, #tpu.memory_space<hbm>> -> memref<8x8x128xf32, #tpu.memory_space<hbm>>
      %dma_start3A_580 = arith.constant 0 : i32
      %dma_start3A_581 = arith.constant 0 : i32
      %dma_start3A_582 = arith.constant 0 : i32
      %dma_start3A_583 = tpu.memref_slice %arg7[%dma_start3A_561, %dma_start3A_580, %dma_start3A_581, %dma_start3A_582] : memref<2x8x8x129xf32, #tpu.memory_space<vmem>> -> memref<1x8x8x128xf32, #tpu.memory_space<vmem>>
      %dma_start3A_584 = tpu.memref_squeeze %dma_start3A_583 : memref<1x8x8x128xf32, #tpu.memory_space<vmem>> -> memref<8x8x128xf32, #tpu.memory_space<vmem>>
      tpu.enqueue_dma source(%dma_start3A_584 : memref<8x8x128xf32, #tpu.memory_space<vmem>>) target(%dma_start3A_579 : memref<8x8x128xf32, #tpu.memory_space<hbm>>) target_semaphore(%dma_start3A_574 : memref<!tpu.dma_semaphore, #tpu.memory_space<semaphore_mem>>)
      %add3A_585 = arith.constant 1 : i32
      %add3A_586 = arith.addi %scan3A_219, %add3A_585 : i32
      %lt3A_587 = arith.constant 25 : i32
      %lt3A_588 = arith.cmpi slt, %add3A_586, %lt3A_587 : i32
      %convert_element_type3A_589 = arith.extui %lt3A_588 : i1 to i32
      %cond3A_590 = arith.constant 0 : i32
      %cond3A_591 = arith.cmpi ne, %convert_element_type3A_589, %cond3A_590 : i32
      scf.if %cond3A_591 {
        %sub3A = arith.constant 1 : i32
        %sub3A_712 = arith.subi %sub3A, %rem3A_221 : i32
        %dma_start3A_713 = arith.constant 5 : i32
        %dma_start3A_714 = arith.constant 5 : i32
        %dma_start3A_715 = arith.constant 5 : i32
        %dma_start3A_716 = arith.constant 0 : i32
        %dma_start3A_717 = arith.constant 0 : i32
        %dma_start3A_718 = tpu.memref_slice %arg6[%dma_start3A_714, %dma_start3A_716, %dma_start3A_717] : memref<8x128x64xf32, #tpu.memory_space<vmem>> -> memref<1x128x64xf32, #tpu.memory_space<vmem>>
        %dma_start3A_719 = tpu.memref_squeeze %dma_start3A_718 : memref<1x128x64xf32, #tpu.memory_space<vmem>> -> memref<128x64xf32, #tpu.memory_space<vmem>>
        %dma_start3A_720 = arith.constant 0 : i32
        %dma_start3A_721 = tpu.memref_slice %arg5[%sub3A_712, %dma_start3A_713, %dma_start3A_720] : memref<2x8x128xi32, #tpu.memory_space<vmem>> -> memref<1x1x128xi32, #tpu.memory_space<vmem>>
        %dma_start3A_722 = tpu.memref_squeeze %dma_start3A_721 : memref<1x1x128xi32, #tpu.memory_space<vmem>> -> memref<128xi32, #tpu.memory_space<vmem>>
        %dma_start3A_723 = arith.constant 0 : i32
        %dma_start3A_724 = arith.constant 0 : i32
        %dma_start3A_725 = tpu.memref_slice %arg3[%dma_start3A_723, %dma_start3A_724] : memref<1000000x64xf32, #tpu.memory_space<hbm>> -> memref<1000000x64xf32, #tpu.memory_space<hbm>>
        %dma_start3A_726 = tpu.memref_slice %arg9[%dma_start3A_715] : memref<8x!tpu.dma_semaphore, #tpu.memory_space<semaphore_mem>> -> memref<1x!tpu.dma_semaphore, #tpu.memory_space<semaphore_mem>>
        %dma_start3A_727 = tpu.memref_squeeze %dma_start3A_726 : memref<1x!tpu.dma_semaphore, #tpu.memory_space<semaphore_mem>> -> memref<!tpu.dma_semaphore, #tpu.memory_space<semaphore_mem>>
        tpu.enqueue_indirect_dma source(%dma_start3A_725 : memref<1000000x64xf32, #tpu.memory_space<hbm>>) target(%dma_start3A_719 : memref<128x64xf32, #tpu.memory_space<vmem>>) offsets(%dma_start3A_722 : memref<128xi32, #tpu.memory_space<vmem>>) semaphore(%dma_start3A_727 : memref<!tpu.dma_semaphore, #tpu.memory_space<semaphore_mem>>)
      } else {
      }
      %mul3A_592 = arith.constant 8 : i32
      %mul3A_593 = arith.muli %mul3A_592, %scan3A_219 : i32
      %add3A_594 = arith.constant 6 : i32
      %add3A_595 = arith.addi %mul3A_593, %add3A_594 : i32
      %dma_wait3A_596 = arith.constant 6 : i32
      %dma_wait3A_597 = arith.constant 6 : i32
      %dma_wait3A_598 = arith.constant 6 : i32
      %dma_wait3A_599 = arith.constant 0 : i32
      %dma_wait3A_600 = arith.constant 0 : i32
      %dma_wait3A_601 = tpu.memref_slice %arg6[%dma_wait3A_597, %dma_wait3A_599, %dma_wait3A_600] : memref<8x128x64xf32, #tpu.memory_space<vmem>> -> memref<1x128x64xf32, #tpu.memory_space<vmem>>
      %dma_wait3A_602 = tpu.memref_squeeze %dma_wait3A_601 : memref<1x128x64xf32, #tpu.memory_space<vmem>> -> memref<128x64xf32, #tpu.memory_space<vmem>>
      %dma_wait3A_603 = arith.constant 0 : i32
      %dma_wait3A_604 = tpu.memref_slice %arg5[%rem3A_221, %dma_wait3A_596, %dma_wait3A_603] : memref<2x8x128xi32, #tpu.memory_space<vmem>> -> memref<1x1x128xi32, #tpu.memory_space<vmem>>
      %dma_wait3A_605 = tpu.memref_squeeze %dma_wait3A_604 : memref<1x1x128xi32, #tpu.memory_space<vmem>> -> memref<128xi32, #tpu.memory_space<vmem>>
      %dma_wait3A_606 = arith.constant 0 : i32
      %dma_wait3A_607 = arith.constant 0 : i32
      %dma_wait3A_608 = tpu.memref_slice %arg3[%dma_wait3A_606, %dma_wait3A_607] : memref<1000000x64xf32, #tpu.memory_space<hbm>> -> memref<1000000x64xf32, #tpu.memory_space<hbm>>
      %dma_wait3A_609 = tpu.memref_slice %arg9[%dma_wait3A_598] : memref<8x!tpu.dma_semaphore, #tpu.memory_space<semaphore_mem>> -> memref<1x!tpu.dma_semaphore, #tpu.memory_space<semaphore_mem>>
      %dma_wait3A_610 = tpu.memref_squeeze %dma_wait3A_609 : memref<1x!tpu.dma_semaphore, #tpu.memory_space<semaphore_mem>> -> memref<!tpu.dma_semaphore, #tpu.memory_space<semaphore_mem>>
      tpu.wait_indirect_dma semaphore(%dma_wait3A_610 : memref<!tpu.dma_semaphore, #tpu.memory_space<semaphore_mem>>) src(%dma_wait3A_608 : memref<1000000x64xf32, #tpu.memory_space<hbm>>) dst(%dma_wait3A_602 : memref<128x64xf32, #tpu.memory_space<vmem>>)
      %ge3A_611 = arith.constant 2 : i32
      %ge3A_612 = arith.cmpi sge, %add3A_595, %ge3A_611 : i32
      %convert_element_type3A_613 = arith.extui %ge3A_612 : i1 to i32
      %cond3A_614 = arith.constant 0 : i32
      %cond3A_615 = arith.cmpi ne, %convert_element_type3A_613, %cond3A_614 : i32
      scf.if %cond3A_615 {
        %sub3A = arith.constant 2 : i32
        %sub3A_712 = arith.subi %add3A_595, %sub3A : i32
        %dma_wait3A_713 = arith.constant 0 : i32
        %dma_wait3A_714 = arith.constant 0 : i32
        %dma_wait3A_715 = arith.constant 0 : i32
        %dma_wait3A_716 = arith.constant 0 : i32
        %dma_wait3A_717 = arith.constant 0 : i32
        %dma_wait3A_718 = tpu.memref_slice %arg7[%dma_wait3A_713, %dma_wait3A_715, %dma_wait3A_716, %dma_wait3A_717] : memref<2x8x8x129xf32, #tpu.memory_space<vmem>> -> memref<1x8x8x128xf32, #tpu.memory_space<vmem>>
        %dma_wait3A_719 = tpu.memref_squeeze %dma_wait3A_718 : memref<1x8x8x128xf32, #tpu.memory_space<vmem>> -> memref<8x8x128xf32, #tpu.memory_space<vmem>>
        %dma_wait3A_720 = arith.constant 0 : i32
        %dma_wait3A_721 = arith.constant 0 : i32
        %dma_wait3A_722 = arith.constant 0 : i32
        %dma_wait3A_723 = tpu.memref_slice %arg4[%sub3A_712, %dma_wait3A_720, %add3A, %dma_wait3A_721, %dma_wait3A_722] : memref<200x8x32x8x128xf32, #tpu.memory_space<hbm>> -> memref<1x8x1x8x128xf32, #tpu.memory_space<hbm>>
        %dma_wait3A_724 = tpu.memref_squeeze %dma_wait3A_723 : memref<1x8x1x8x128xf32, #tpu.memory_space<hbm>> -> memref<8x8x128xf32, #tpu.memory_space<hbm>>
        %dma_wait3A_725 = tpu.memref_slice %arg10[%dma_wait3A_714] : memref<2x!tpu.dma_semaphore, #tpu.memory_space<semaphore_mem>> -> memref<1x!tpu.dma_semaphore, #tpu.memory_space<semaphore_mem>>
        %dma_wait3A_726 = tpu.memref_squeeze %dma_wait3A_725 : memref<1x!tpu.dma_semaphore, #tpu.memory_space<semaphore_mem>> -> memref<!tpu.dma_semaphore, #tpu.memory_space<semaphore_mem>>
        %dma_wait3A_727 = arith.constant 0 : i32
        %dma_wait3A_728 = arith.constant 0 : i32
        %dma_wait3A_729 = arith.constant 0 : i32
        %dma_wait3A_730 = tpu.memref_slice %arg4[%sub3A_712, %dma_wait3A_727, %add3A, %dma_wait3A_728, %dma_wait3A_729] : memref<200x8x32x8x128xf32, #tpu.memory_space<hbm>> -> memref<1x8x1x8x128xf32, #tpu.memory_space<hbm>>
        %dma_wait3A_731 = tpu.memref_squeeze %dma_wait3A_730 : memref<1x8x1x8x128xf32, #tpu.memory_space<hbm>> -> memref<8x8x128xf32, #tpu.memory_space<hbm>>
        %dma_wait3A_732 = arith.constant 0 : i32
        %dma_wait3A_733 = arith.constant 0 : i32
        %dma_wait3A_734 = arith.constant 0 : i32
        %dma_wait3A_735 = tpu.memref_slice %arg7[%dma_wait3A_713, %dma_wait3A_732, %dma_wait3A_733, %dma_wait3A_734] : memref<2x8x8x129xf32, #tpu.memory_space<vmem>> -> memref<1x8x8x128xf32, #tpu.memory_space<vmem>>
        %dma_wait3A_736 = tpu.memref_squeeze %dma_wait3A_735 : memref<1x8x8x128xf32, #tpu.memory_space<vmem>> -> memref<8x8x128xf32, #tpu.memory_space<vmem>>
        tpu.wait_dma2 semaphore(%dma_wait3A_726 : memref<!tpu.dma_semaphore, #tpu.memory_space<semaphore_mem>>) src(%dma_wait3A_736 : memref<8x8x128xf32, #tpu.memory_space<vmem>>) dst(%dma_wait3A_731 : memref<8x8x128xf32, #tpu.memory_space<hbm>>)
      } else {
      }
      %scan3A_616 = arith.constant 0 : i32
      %scan3A_617 = arith.constant 128 : i32
      %scan3A_618 = arith.addi %scan3A_616, %scan3A_617 : i32
      %scan3A_619 = arith.constant 1 : i32
      scf.for %scan3A_712 = %scan3A_616 to %scan3A_618 step %scan3A_619  : i32 {
        %broadcast_in_dim3A = vector.broadcast %scan3A_712 : i32 to vector<16xi32>
        %get3A = arith.constant 6 : i32
        %get3A_713 = arith.index_cast %get3A : i32 to index
        %get3A_714 = arith.index_cast %scan3A_712 : i32 to index
        %get3A_715 = arith.constant 0 : index
        %get3A_716 = tpu.vector_load %arg6[%get3A_713, %get3A_714, %get3A_715] {strides = array<i32>} : memref<8x128x64xf32, #tpu.memory_space<vmem>>, vector<16xf32>,
        %get3A_717 = arith.constant 6 : i32
        %get3A_718 = arith.index_cast %get3A_717 : i32 to index
        %get3A_719 = arith.index_cast %scan3A_712 : i32 to index
        %get3A_720 = arith.constant 16 : index
        %get3A_721 = tpu.vector_load %arg6[%get3A_718, %get3A_719, %get3A_720] {strides = array<i32>} : memref<8x128x64xf32, #tpu.memory_space<vmem>>, vector<16xf32>,
        %get3A_722 = arith.constant 6 : i32
        %get3A_723 = arith.index_cast %get3A_722 : i32 to index
        %get3A_724 = arith.index_cast %scan3A_712 : i32 to index
        %get3A_725 = arith.constant 32 : index
        %get3A_726 = tpu.vector_load %arg6[%get3A_723, %get3A_724, %get3A_725] {strides = array<i32>} : memref<8x128x64xf32, #tpu.memory_space<vmem>>, vector<16xf32>,
        %get3A_727 = arith.constant 6 : i32
        %get3A_728 = arith.index_cast %get3A_727 : i32 to index
        %get3A_729 = arith.index_cast %scan3A_712 : i32 to index
        %get3A_730 = arith.constant 48 : index
        %get3A_731 = tpu.vector_load %arg6[%get3A_728, %get3A_729, %get3A_730] {strides = array<i32>} : memref<8x128x64xf32, #tpu.memory_space<vmem>>, vector<16xf32>,
        %add3A_732 = arith.constant 0 : i32
        %add3A_733 = vector.broadcast %add3A_732 : i32 to vector<16xi32>
        %add3A_734 = arith.addi %add3A_733, %div3A_4 : vector<16xi32>
        %scatter3A = arith.constant 0 : i32
        %scatter3A_735 = arith.constant 0 : i32
        %scatter3A_736 = arith.constant 0 : i32
        %scatter3A_737 = arith.constant 0 : i32
        %scatter3A_738 = tpu.memref_slice %arg7[%scatter3A, %scatter3A_735, %scatter3A_736, %scatter3A_737] : memref<2x8x8x129xf32, #tpu.memory_space<vmem>> -> memref<1x8x8x129xf32, #tpu.memory_space<vmem>>
        %scatter3A_739 = tpu.memref_squeeze %scatter3A_738 : memref<1x8x8x129xf32, #tpu.memory_space<vmem>> -> memref<8x8x129xf32, #tpu.memory_space<vmem>>
        tpu.vector_store_idx %scatter3A_739[%add3A_734, %rem3A_6, %broadcast_in_dim3A], %get3A_716 : memref<8x8x129xf32, #tpu.memory_space<vmem>>[vector<16xi32>, vector<16xi32>, vector<16xi32>], vector<16xf32>,
        %add3A_740 = arith.constant 2 : i32
        %add3A_741 = vector.broadcast %add3A_740 : i32 to vector<16xi32>
        %add3A_742 = arith.addi %add3A_741, %div3A_4 : vector<16xi32>
        %scatter3A_743 = arith.constant 0 : i32
        %scatter3A_744 = arith.constant 0 : i32
        %scatter3A_745 = arith.constant 0 : i32
        %scatter3A_746 = arith.constant 0 : i32
        %scatter3A_747 = tpu.memref_slice %arg7[%scatter3A_743, %scatter3A_744, %scatter3A_745, %scatter3A_746] : memref<2x8x8x129xf32, #tpu.memory_space<vmem>> -> memref<1x8x8x129xf32, #tpu.memory_space<vmem>>
        %scatter3A_748 = tpu.memref_squeeze %scatter3A_747 : memref<1x8x8x129xf32, #tpu.memory_space<vmem>> -> memref<8x8x129xf32, #tpu.memory_space<vmem>>
        tpu.vector_store_idx %scatter3A_748[%add3A_742, %rem3A_6, %broadcast_in_dim3A], %get3A_721 : memref<8x8x129xf32, #tpu.memory_space<vmem>>[vector<16xi32>, vector<16xi32>, vector<16xi32>], vector<16xf32>,
        %add3A_749 = arith.constant 4 : i32
        %add3A_750 = vector.broadcast %add3A_749 : i32 to vector<16xi32>
        %add3A_751 = arith.addi %add3A_750, %div3A_4 : vector<16xi32>
        %scatter3A_752 = arith.constant 0 : i32
        %scatter3A_753 = arith.constant 0 : i32
        %scatter3A_754 = arith.constant 0 : i32
        %scatter3A_755 = arith.constant 0 : i32
        %scatter3A_756 = tpu.memref_slice %arg7[%scatter3A_752, %scatter3A_753, %scatter3A_754, %scatter3A_755] : memref<2x8x8x129xf32, #tpu.memory_space<vmem>> -> memref<1x8x8x129xf32, #tpu.memory_space<vmem>>
        %scatter3A_757 = tpu.memref_squeeze %scatter3A_756 : memref<1x8x8x129xf32, #tpu.memory_space<vmem>> -> memref<8x8x129xf32, #tpu.memory_space<vmem>>
        tpu.vector_store_idx %scatter3A_757[%add3A_751, %rem3A_6, %broadcast_in_dim3A], %get3A_726 : memref<8x8x129xf32, #tpu.memory_space<vmem>>[vector<16xi32>, vector<16xi32>, vector<16xi32>], vector<16xf32>,
        %add3A_758 = arith.constant 6 : i32
        %add3A_759 = vector.broadcast %add3A_758 : i32 to vector<16xi32>
        %add3A_760 = arith.addi %add3A_759, %div3A_4 : vector<16xi32>
        %scatter3A_761 = arith.constant 0 : i32
        %scatter3A_762 = arith.constant 0 : i32
        %scatter3A_763 = arith.constant 0 : i32
        %scatter3A_764 = arith.constant 0 : i32
        %scatter3A_765 = tpu.memref_slice %arg7[%scatter3A_761, %scatter3A_762, %scatter3A_763, %scatter3A_764] : memref<2x8x8x129xf32, #tpu.memory_space<vmem>> -> memref<1x8x8x129xf32, #tpu.memory_space<vmem>>
        %scatter3A_766 = tpu.memref_squeeze %scatter3A_765 : memref<1x8x8x129xf32, #tpu.memory_space<vmem>> -> memref<8x8x129xf32, #tpu.memory_space<vmem>>
        tpu.vector_store_idx %scatter3A_766[%add3A_760, %rem3A_6, %broadcast_in_dim3A], %get3A_731 : memref<8x8x129xf32, #tpu.memory_space<vmem>>[vector<16xi32>, vector<16xi32>, vector<16xi32>], vector<16xf32>,
      }
      %scan3A_620 = arith.constant 128 : i32
      %dma_start3A_621 = arith.constant 0 : i32
      %dma_start3A_622 = arith.constant 0 : i32
      %dma_start3A_623 = arith.constant 0 : i32
      %dma_start3A_624 = arith.constant 0 : i32
      %dma_start3A_625 = arith.constant 0 : i32
      %dma_start3A_626 = tpu.memref_slice %arg7[%dma_start3A_621, %dma_start3A_623, %dma_start3A_624, %dma_start3A_625] : memref<2x8x8x129xf32, #tpu.memory_space<vmem>> -> memref<1x8x8x128xf32, #tpu.memory_space<vmem>>
      %dma_start3A_627 = tpu.memref_squeeze %dma_start3A_626 : memref<1x8x8x128xf32, #tpu.memory_space<vmem>> -> memref<8x8x128xf32, #tpu.memory_space<vmem>>
      %dma_start3A_628 = arith.constant 0 : i32
      %dma_start3A_629 = arith.constant 0 : i32
      %dma_start3A_630 = arith.constant 0 : i32
      %dma_start3A_631 = tpu.memref_slice %arg4[%add3A_595, %dma_start3A_628, %add3A, %dma_start3A_629, %dma_start3A_630] : memref<200x8x32x8x128xf32, #tpu.memory_space<hbm>> -> memref<1x8x1x8x128xf32, #tpu.memory_space<hbm>>
      %dma_start3A_632 = tpu.memref_squeeze %dma_start3A_631 : memref<1x8x1x8x128xf32, #tpu.memory_space<hbm>> -> memref<8x8x128xf32, #tpu.memory_space<hbm>>
      %dma_start3A_633 = tpu.memref_slice %arg10[%dma_start3A_622] : memref<2x!tpu.dma_semaphore, #tpu.memory_space<semaphore_mem>> -> memref<1x!tpu.dma_semaphore, #tpu.memory_space<semaphore_mem>>
      %dma_start3A_634 = tpu.memref_squeeze %dma_start3A_633 : memref<1x!tpu.dma_semaphore, #tpu.memory_space<semaphore_mem>> -> memref<!tpu.dma_semaphore, #tpu.memory_space<semaphore_mem>>
      %dma_start3A_635 = arith.constant 0 : i32
      %dma_start3A_636 = arith.constant 0 : i32
      %dma_start3A_637 = arith.constant 0 : i32
      %dma_start3A_638 = tpu.memref_slice %arg4[%add3A_595, %dma_start3A_635, %add3A, %dma_start3A_636, %dma_start3A_637] : memref<200x8x32x8x128xf32, #tpu.memory_space<hbm>> -> memref<1x8x1x8x128xf32, #tpu.memory_space<hbm>>
      %dma_start3A_639 = tpu.memref_squeeze %dma_start3A_638 : memref<1x8x1x8x128xf32, #tpu.memory_space<hbm>> -> memref<8x8x128xf32, #tpu.memory_space<hbm>>
      %dma_start3A_640 = arith.constant 0 : i32
      %dma_start3A_641 = arith.constant 0 : i32
      %dma_start3A_642 = arith.constant 0 : i32
      %dma_start3A_643 = tpu.memref_slice %arg7[%dma_start3A_621, %dma_start3A_640, %dma_start3A_641, %dma_start3A_642] : memref<2x8x8x129xf32, #tpu.memory_space<vmem>> -> memref<1x8x8x128xf32, #tpu.memory_space<vmem>>
      %dma_start3A_644 = tpu.memref_squeeze %dma_start3A_643 : memref<1x8x8x128xf32, #tpu.memory_space<vmem>> -> memref<8x8x128xf32, #tpu.memory_space<vmem>>
      tpu.enqueue_dma source(%dma_start3A_644 : memref<8x8x128xf32, #tpu.memory_space<vmem>>) target(%dma_start3A_639 : memref<8x8x128xf32, #tpu.memory_space<hbm>>) target_semaphore(%dma_start3A_634 : memref<!tpu.dma_semaphore, #tpu.memory_space<semaphore_mem>>)
      %add3A_645 = arith.constant 1 : i32
      %add3A_646 = arith.addi %scan3A_219, %add3A_645 : i32
      %lt3A_647 = arith.constant 25 : i32
      %lt3A_648 = arith.cmpi slt, %add3A_646, %lt3A_647 : i32
      %convert_element_type3A_649 = arith.extui %lt3A_648 : i1 to i32
      %cond3A_650 = arith.constant 0 : i32
      %cond3A_651 = arith.cmpi ne, %convert_element_type3A_649, %cond3A_650 : i32
      scf.if %cond3A_651 {
        %sub3A = arith.constant 1 : i32
        %sub3A_712 = arith.subi %sub3A, %rem3A_221 : i32
        %dma_start3A_713 = arith.constant 6 : i32
        %dma_start3A_714 = arith.constant 6 : i32
        %dma_start3A_715 = arith.constant 6 : i32
        %dma_start3A_716 = arith.constant 0 : i32
        %dma_start3A_717 = arith.constant 0 : i32
        %dma_start3A_718 = tpu.memref_slice %arg6[%dma_start3A_714, %dma_start3A_716, %dma_start3A_717] : memref<8x128x64xf32, #tpu.memory_space<vmem>> -> memref<1x128x64xf32, #tpu.memory_space<vmem>>
        %dma_start3A_719 = tpu.memref_squeeze %dma_start3A_718 : memref<1x128x64xf32, #tpu.memory_space<vmem>> -> memref<128x64xf32, #tpu.memory_space<vmem>>
        %dma_start3A_720 = arith.constant 0 : i32
        %dma_start3A_721 = tpu.memref_slice %arg5[%sub3A_712, %dma_start3A_713, %dma_start3A_720] : memref<2x8x128xi32, #tpu.memory_space<vmem>> -> memref<1x1x128xi32, #tpu.memory_space<vmem>>
        %dma_start3A_722 = tpu.memref_squeeze %dma_start3A_721 : memref<1x1x128xi32, #tpu.memory_space<vmem>> -> memref<128xi32, #tpu.memory_space<vmem>>
        %dma_start3A_723 = arith.constant 0 : i32
        %dma_start3A_724 = arith.constant 0 : i32
        %dma_start3A_725 = tpu.memref_slice %arg3[%dma_start3A_723, %dma_start3A_724] : memref<1000000x64xf32, #tpu.memory_space<hbm>> -> memref<1000000x64xf32, #tpu.memory_space<hbm>>
        %dma_start3A_726 = tpu.memref_slice %arg9[%dma_start3A_715] : memref<8x!tpu.dma_semaphore, #tpu.memory_space<semaphore_mem>> -> memref<1x!tpu.dma_semaphore, #tpu.memory_space<semaphore_mem>>
        %dma_start3A_727 = tpu.memref_squeeze %dma_start3A_726 : memref<1x!tpu.dma_semaphore, #tpu.memory_space<semaphore_mem>> -> memref<!tpu.dma_semaphore, #tpu.memory_space<semaphore_mem>>
        tpu.enqueue_indirect_dma source(%dma_start3A_725 : memref<1000000x64xf32, #tpu.memory_space<hbm>>) target(%dma_start3A_719 : memref<128x64xf32, #tpu.memory_space<vmem>>) offsets(%dma_start3A_722 : memref<128xi32, #tpu.memory_space<vmem>>) semaphore(%dma_start3A_727 : memref<!tpu.dma_semaphore, #tpu.memory_space<semaphore_mem>>)
      } else {
      }
      %mul3A_652 = arith.constant 8 : i32
      %mul3A_653 = arith.muli %mul3A_652, %scan3A_219 : i32
      %add3A_654 = arith.constant 7 : i32
      %add3A_655 = arith.addi %mul3A_653, %add3A_654 : i32
      %dma_wait3A_656 = arith.constant 7 : i32
      %dma_wait3A_657 = arith.constant 7 : i32
      %dma_wait3A_658 = arith.constant 7 : i32
      %dma_wait3A_659 = arith.constant 0 : i32
      %dma_wait3A_660 = arith.constant 0 : i32
      %dma_wait3A_661 = tpu.memref_slice %arg6[%dma_wait3A_657, %dma_wait3A_659, %dma_wait3A_660] : memref<8x128x64xf32, #tpu.memory_space<vmem>> -> memref<1x128x64xf32, #tpu.memory_space<vmem>>
      %dma_wait3A_662 = tpu.memref_squeeze %dma_wait3A_661 : memref<1x128x64xf32, #tpu.memory_space<vmem>> -> memref<128x64xf32, #tpu.memory_space<vmem>>
      %dma_wait3A_663 = arith.constant 0 : i32
      %dma_wait3A_664 = tpu.memref_slice %arg5[%rem3A_221, %dma_wait3A_656, %dma_wait3A_663] : memref<2x8x128xi32, #tpu.memory_space<vmem>> -> memref<1x1x128xi32, #tpu.memory_space<vmem>>
      %dma_wait3A_665 = tpu.memref_squeeze %dma_wait3A_664 : memref<1x1x128xi32, #tpu.memory_space<vmem>> -> memref<128xi32, #tpu.memory_space<vmem>>
      %dma_wait3A_666 = arith.constant 0 : i32
      %dma_wait3A_667 = arith.constant 0 : i32
      %dma_wait3A_668 = tpu.memref_slice %arg3[%dma_wait3A_666, %dma_wait3A_667] : memref<1000000x64xf32, #tpu.memory_space<hbm>> -> memref<1000000x64xf32, #tpu.memory_space<hbm>>
      %dma_wait3A_669 = tpu.memref_slice %arg9[%dma_wait3A_658] : memref<8x!tpu.dma_semaphore, #tpu.memory_space<semaphore_mem>> -> memref<1x!tpu.dma_semaphore, #tpu.memory_space<semaphore_mem>>
      %dma_wait3A_670 = tpu.memref_squeeze %dma_wait3A_669 : memref<1x!tpu.dma_semaphore, #tpu.memory_space<semaphore_mem>> -> memref<!tpu.dma_semaphore, #tpu.memory_space<semaphore_mem>>
      tpu.wait_indirect_dma semaphore(%dma_wait3A_670 : memref<!tpu.dma_semaphore, #tpu.memory_space<semaphore_mem>>) src(%dma_wait3A_668 : memref<1000000x64xf32, #tpu.memory_space<hbm>>) dst(%dma_wait3A_662 : memref<128x64xf32, #tpu.memory_space<vmem>>)
      %ge3A_671 = arith.constant 2 : i32
      %ge3A_672 = arith.cmpi sge, %add3A_655, %ge3A_671 : i32
      %convert_element_type3A_673 = arith.extui %ge3A_672 : i1 to i32
      %cond3A_674 = arith.constant 0 : i32
      %cond3A_675 = arith.cmpi ne, %convert_element_type3A_673, %cond3A_674 : i32
      scf.if %cond3A_675 {
        %sub3A = arith.constant 2 : i32
        %sub3A_712 = arith.subi %add3A_655, %sub3A : i32
        %dma_wait3A_713 = arith.constant 1 : i32
        %dma_wait3A_714 = arith.constant 1 : i32
        %dma_wait3A_715 = arith.constant 0 : i32
        %dma_wait3A_716 = arith.constant 0 : i32
        %dma_wait3A_717 = arith.constant 0 : i32
        %dma_wait3A_718 = tpu.memref_slice %arg7[%dma_wait3A_713, %dma_wait3A_715, %dma_wait3A_716, %dma_wait3A_717] : memref<2x8x8x129xf32, #tpu.memory_space<vmem>> -> memref<1x8x8x128xf32, #tpu.memory_space<vmem>>
        %dma_wait3A_719 = tpu.memref_squeeze %dma_wait3A_718 : memref<1x8x8x128xf32, #tpu.memory_space<vmem>> -> memref<8x8x128xf32, #tpu.memory_space<vmem>>
        %dma_wait3A_720 = arith.constant 0 : i32
        %dma_wait3A_721 = arith.constant 0 : i32
        %dma_wait3A_722 = arith.constant 0 : i32
        %dma_wait3A_723 = tpu.memref_slice %arg4[%sub3A_712, %dma_wait3A_720, %add3A, %dma_wait3A_721, %dma_wait3A_722] : memref<200x8x32x8x128xf32, #tpu.memory_space<hbm>> -> memref<1x8x1x8x128xf32, #tpu.memory_space<hbm>>
        %dma_wait3A_724 = tpu.memref_squeeze %dma_wait3A_723 : memref<1x8x1x8x128xf32, #tpu.memory_space<hbm>> -> memref<8x8x128xf32, #tpu.memory_space<hbm>>
        %dma_wait3A_725 = tpu.memref_slice %arg10[%dma_wait3A_714] : memref<2x!tpu.dma_semaphore, #tpu.memory_space<semaphore_mem>> -> memref<1x!tpu.dma_semaphore, #tpu.memory_space<semaphore_mem>>
        %dma_wait3A_726 = tpu.memref_squeeze %dma_wait3A_725 : memref<1x!tpu.dma_semaphore, #tpu.memory_space<semaphore_mem>> -> memref<!tpu.dma_semaphore, #tpu.memory_space<semaphore_mem>>
        %dma_wait3A_727 = arith.constant 0 : i32
        %dma_wait3A_728 = arith.constant 0 : i32
        %dma_wait3A_729 = arith.constant 0 : i32
        %dma_wait3A_730 = tpu.memref_slice %arg4[%sub3A_712, %dma_wait3A_727, %add3A, %dma_wait3A_728, %dma_wait3A_729] : memref<200x8x32x8x128xf32, #tpu.memory_space<hbm>> -> memref<1x8x1x8x128xf32, #tpu.memory_space<hbm>>
        %dma_wait3A_731 = tpu.memref_squeeze %dma_wait3A_730 : memref<1x8x1x8x128xf32, #tpu.memory_space<hbm>> -> memref<8x8x128xf32, #tpu.memory_space<hbm>>
        %dma_wait3A_732 = arith.constant 0 : i32
        %dma_wait3A_733 = arith.constant 0 : i32
        %dma_wait3A_734 = arith.constant 0 : i32
        %dma_wait3A_735 = tpu.memref_slice %arg7[%dma_wait3A_713, %dma_wait3A_732, %dma_wait3A_733, %dma_wait3A_734] : memref<2x8x8x129xf32, #tpu.memory_space<vmem>> -> memref<1x8x8x128xf32, #tpu.memory_space<vmem>>
        %dma_wait3A_736 = tpu.memref_squeeze %dma_wait3A_735 : memref<1x8x8x128xf32, #tpu.memory_space<vmem>> -> memref<8x8x128xf32, #tpu.memory_space<vmem>>
        tpu.wait_dma2 semaphore(%dma_wait3A_726 : memref<!tpu.dma_semaphore, #tpu.memory_space<semaphore_mem>>) src(%dma_wait3A_736 : memref<8x8x128xf32, #tpu.memory_space<vmem>>) dst(%dma_wait3A_731 : memref<8x8x128xf32, #tpu.memory_space<hbm>>)
      } else {
      }
      %scan3A_676 = arith.constant 0 : i32
      %scan3A_677 = arith.constant 128 : i32
      %scan3A_678 = arith.addi %scan3A_676, %scan3A_677 : i32
      %scan3A_679 = arith.constant 1 : i32
      scf.for %scan3A_712 = %scan3A_676 to %scan3A_678 step %scan3A_679  : i32 {
        %broadcast_in_dim3A = vector.broadcast %scan3A_712 : i32 to vector<16xi32>
        %get3A = arith.constant 7 : i32
        %get3A_713 = arith.index_cast %get3A : i32 to index
        %get3A_714 = arith.index_cast %scan3A_712 : i32 to index
        %get3A_715 = arith.constant 0 : index
        %get3A_716 = tpu.vector_load %arg6[%get3A_713, %get3A_714, %get3A_715] {strides = array<i32>} : memref<8x128x64xf32, #tpu.memory_space<vmem>>, vector<16xf32>,
        %get3A_717 = arith.constant 7 : i32
        %get3A_718 = arith.index_cast %get3A_717 : i32 to index
        %get3A_719 = arith.index_cast %scan3A_712 : i32 to index
        %get3A_720 = arith.constant 16 : index
        %get3A_721 = tpu.vector_load %arg6[%get3A_718, %get3A_719, %get3A_720] {strides = array<i32>} : memref<8x128x64xf32, #tpu.memory_space<vmem>>, vector<16xf32>,
        %get3A_722 = arith.constant 7 : i32
        %get3A_723 = arith.index_cast %get3A_722 : i32 to index
        %get3A_724 = arith.index_cast %scan3A_712 : i32 to index
        %get3A_725 = arith.constant 32 : index
        %get3A_726 = tpu.vector_load %arg6[%get3A_723, %get3A_724, %get3A_725] {strides = array<i32>} : memref<8x128x64xf32, #tpu.memory_space<vmem>>, vector<16xf32>,
        %get3A_727 = arith.constant 7 : i32
        %get3A_728 = arith.index_cast %get3A_727 : i32 to index
        %get3A_729 = arith.index_cast %scan3A_712 : i32 to index
        %get3A_730 = arith.constant 48 : index
        %get3A_731 = tpu.vector_load %arg6[%get3A_728, %get3A_729, %get3A_730] {strides = array<i32>} : memref<8x128x64xf32, #tpu.memory_space<vmem>>, vector<16xf32>,
        %add3A_732 = arith.constant 0 : i32
        %add3A_733 = vector.broadcast %add3A_732 : i32 to vector<16xi32>
        %add3A_734 = arith.addi %add3A_733, %div3A_4 : vector<16xi32>
        %scatter3A = arith.constant 1 : i32
        %scatter3A_735 = arith.constant 0 : i32
        %scatter3A_736 = arith.constant 0 : i32
        %scatter3A_737 = arith.constant 0 : i32
        %scatter3A_738 = tpu.memref_slice %arg7[%scatter3A, %scatter3A_735, %scatter3A_736, %scatter3A_737] : memref<2x8x8x129xf32, #tpu.memory_space<vmem>> -> memref<1x8x8x129xf32, #tpu.memory_space<vmem>>
        %scatter3A_739 = tpu.memref_squeeze %scatter3A_738 : memref<1x8x8x129xf32, #tpu.memory_space<vmem>> -> memref<8x8x129xf32, #tpu.memory_space<vmem>>
        tpu.vector_store_idx %scatter3A_739[%add3A_734, %rem3A_6, %broadcast_in_dim3A], %get3A_716 : memref<8x8x129xf32, #tpu.memory_space<vmem>>[vector<16xi32>, vector<16xi32>, vector<16xi32>], vector<16xf32>,
        %add3A_740 = arith.constant 2 : i32
        %add3A_741 = vector.broadcast %add3A_740 : i32 to vector<16xi32>
        %add3A_742 = arith.addi %add3A_741, %div3A_4 : vector<16xi32>
        %scatter3A_743 = arith.constant 1 : i32
        %scatter3A_744 = arith.constant 0 : i32
        %scatter3A_745 = arith.constant 0 : i32
        %scatter3A_746 = arith.constant 0 : i32
        %scatter3A_747 = tpu.memref_slice %arg7[%scatter3A_743, %scatter3A_744, %scatter3A_745, %scatter3A_746] : memref<2x8x8x129xf32, #tpu.memory_space<vmem>> -> memref<1x8x8x129xf32, #tpu.memory_space<vmem>>
        %scatter3A_748 = tpu.memref_squeeze %scatter3A_747 : memref<1x8x8x129xf32, #tpu.memory_space<vmem>> -> memref<8x8x129xf32, #tpu.memory_space<vmem>>
        tpu.vector_store_idx %scatter3A_748[%add3A_742, %rem3A_6, %broadcast_in_dim3A], %get3A_721 : memref<8x8x129xf32, #tpu.memory_space<vmem>>[vector<16xi32>, vector<16xi32>, vector<16xi32>], vector<16xf32>,
        %add3A_749 = arith.constant 4 : i32
        %add3A_750 = vector.broadcast %add3A_749 : i32 to vector<16xi32>
        %add3A_751 = arith.addi %add3A_750, %div3A_4 : vector<16xi32>
        %scatter3A_752 = arith.constant 1 : i32
        %scatter3A_753 = arith.constant 0 : i32
        %scatter3A_754 = arith.constant 0 : i32
        %scatter3A_755 = arith.constant 0 : i32
        %scatter3A_756 = tpu.memref_slice %arg7[%scatter3A_752, %scatter3A_753, %scatter3A_754, %scatter3A_755] : memref<2x8x8x129xf32, #tpu.memory_space<vmem>> -> memref<1x8x8x129xf32, #tpu.memory_space<vmem>>
        %scatter3A_757 = tpu.memref_squeeze %scatter3A_756 : memref<1x8x8x129xf32, #tpu.memory_space<vmem>> -> memref<8x8x129xf32, #tpu.memory_space<vmem>>
        tpu.vector_store_idx %scatter3A_757[%add3A_751, %rem3A_6, %broadcast_in_dim3A], %get3A_726 : memref<8x8x129xf32, #tpu.memory_space<vmem>>[vector<16xi32>, vector<16xi32>, vector<16xi32>], vector<16xf32>,
        %add3A_758 = arith.constant 6 : i32
        %add3A_759 = vector.broadcast %add3A_758 : i32 to vector<16xi32>
        %add3A_760 = arith.addi %add3A_759, %div3A_4 : vector<16xi32>
        %scatter3A_761 = arith.constant 1 : i32
        %scatter3A_762 = arith.constant 0 : i32
        %scatter3A_763 = arith.constant 0 : i32
        %scatter3A_764 = arith.constant 0 : i32
        %scatter3A_765 = tpu.memref_slice %arg7[%scatter3A_761, %scatter3A_762, %scatter3A_763, %scatter3A_764] : memref<2x8x8x129xf32, #tpu.memory_space<vmem>> -> memref<1x8x8x129xf32, #tpu.memory_space<vmem>>
        %scatter3A_766 = tpu.memref_squeeze %scatter3A_765 : memref<1x8x8x129xf32, #tpu.memory_space<vmem>> -> memref<8x8x129xf32, #tpu.memory_space<vmem>>
        tpu.vector_store_idx %scatter3A_766[%add3A_760, %rem3A_6, %broadcast_in_dim3A], %get3A_731 : memref<8x8x129xf32, #tpu.memory_space<vmem>>[vector<16xi32>, vector<16xi32>, vector<16xi32>], vector<16xf32>,
      }
      %scan3A_680 = arith.constant 128 : i32
      %dma_start3A_681 = arith.constant 1 : i32
      %dma_start3A_682 = arith.constant 1 : i32
      %dma_start3A_683 = arith.constant 0 : i32
      %dma_start3A_684 = arith.constant 0 : i32
      %dma_start3A_685 = arith.constant 0 : i32
      %dma_start3A_686 = tpu.memref_slice %arg7[%dma_start3A_681, %dma_start3A_683, %dma_start3A_684, %dma_start3A_685] : memref<2x8x8x129xf32, #tpu.memory_space<vmem>> -> memref<1x8x8x128xf32, #tpu.memory_space<vmem>>
      %dma_start3A_687 = tpu.memref_squeeze %dma_start3A_686 : memref<1x8x8x128xf32, #tpu.memory_space<vmem>> -> memref<8x8x128xf32, #tpu.memory_space<vmem>>
      %dma_start3A_688 = arith.constant 0 : i32
      %dma_start3A_689 = arith.constant 0 : i32
      %dma_start3A_690 = arith.constant 0 : i32
      %dma_start3A_691 = tpu.memref_slice %arg4[%add3A_655, %dma_start3A_688, %add3A, %dma_start3A_689, %dma_start3A_690] : memref<200x8x32x8x128xf32, #tpu.memory_space<hbm>> -> memref<1x8x1x8x128xf32, #tpu.memory_space<hbm>>
      %dma_start3A_692 = tpu.memref_squeeze %dma_start3A_691 : memref<1x8x1x8x128xf32, #tpu.memory_space<hbm>> -> memref<8x8x128xf32, #tpu.memory_space<hbm>>
      %dma_start3A_693 = tpu.memref_slice %arg10[%dma_start3A_682] : memref<2x!tpu.dma_semaphore, #tpu.memory_space<semaphore_mem>> -> memref<1x!tpu.dma_semaphore, #tpu.memory_space<semaphore_mem>>
      %dma_start3A_694 = tpu.memref_squeeze %dma_start3A_693 : memref<1x!tpu.dma_semaphore, #tpu.memory_space<semaphore_mem>> -> memref<!tpu.dma_semaphore, #tpu.memory_space<semaphore_mem>>
      %dma_start3A_695 = arith.constant 0 : i32
      %dma_start3A_696 = arith.constant 0 : i32
      %dma_start3A_697 = arith.constant 0 : i32
      %dma_start3A_698 = tpu.memref_slice %arg4[%add3A_655, %dma_start3A_695, %add3A, %dma_start3A_696, %dma_start3A_697] : memref<200x8x32x8x128xf32, #tpu.memory_space<hbm>> -> memref<1x8x1x8x128xf32, #tpu.memory_space<hbm>>
      %dma_start3A_699 = tpu.memref_squeeze %dma_start3A_698 : memref<1x8x1x8x128xf32, #tpu.memory_space<hbm>> -> memref<8x8x128xf32, #tpu.memory_space<hbm>>
      %dma_start3A_700 = arith.constant 0 : i32
      %dma_start3A_701 = arith.constant 0 : i32
      %dma_start3A_702 = arith.constant 0 : i32
      %dma_start3A_703 = tpu.memref_slice %arg7[%dma_start3A_681, %dma_start3A_700, %dma_start3A_701, %dma_start3A_702] : memref<2x8x8x129xf32, #tpu.memory_space<vmem>> -> memref<1x8x8x128xf32, #tpu.memory_space<vmem>>
      %dma_start3A_704 = tpu.memref_squeeze %dma_start3A_703 : memref<1x8x8x128xf32, #tpu.memory_space<vmem>> -> memref<8x8x128xf32, #tpu.memory_space<vmem>>
      tpu.enqueue_dma source(%dma_start3A_704 : memref<8x8x128xf32, #tpu.memory_space<vmem>>) target(%dma_start3A_699 : memref<8x8x128xf32, #tpu.memory_space<hbm>>) target_semaphore(%dma_start3A_694 : memref<!tpu.dma_semaphore, #tpu.memory_space<semaphore_mem>>)
      %add3A_705 = arith.constant 1 : i32
      %add3A_706 = arith.addi %scan3A_219, %add3A_705 : i32
      %lt3A_707 = arith.constant 25 : i32
      %lt3A_708 = arith.cmpi slt, %add3A_706, %lt3A_707 : i32
      %convert_element_type3A_709 = arith.extui %lt3A_708 : i1 to i32
      %cond3A_710 = arith.constant 0 : i32
      %cond3A_711 = arith.cmpi ne, %convert_element_type3A_709, %cond3A_710 : i32
      scf.if %cond3A_711 {
        %sub3A = arith.constant 1 : i32
        %sub3A_712 = arith.subi %sub3A, %rem3A_221 : i32
        %dma_start3A_713 = arith.constant 7 : i32
        %dma_start3A_714 = arith.constant 7 : i32
        %dma_start3A_715 = arith.constant 7 : i32
        %dma_start3A_716 = arith.constant 0 : i32
        %dma_start3A_717 = arith.constant 0 : i32
        %dma_start3A_718 = tpu.memref_slice %arg6[%dma_start3A_714, %dma_start3A_716, %dma_start3A_717] : memref<8x128x64xf32, #tpu.memory_space<vmem>> -> memref<1x128x64xf32, #tpu.memory_space<vmem>>
        %dma_start3A_719 = tpu.memref_squeeze %dma_start3A_718 : memref<1x128x64xf32, #tpu.memory_space<vmem>> -> memref<128x64xf32, #tpu.memory_space<vmem>>
        %dma_start3A_720 = arith.constant 0 : i32
        %dma_start3A_721 = tpu.memref_slice %arg5[%sub3A_712, %dma_start3A_713, %dma_start3A_720] : memref<2x8x128xi32, #tpu.memory_space<vmem>> -> memref<1x1x128xi32, #tpu.memory_space<vmem>>
        %dma_start3A_722 = tpu.memref_squeeze %dma_start3A_721 : memref<1x1x128xi32, #tpu.memory_space<vmem>> -> memref<128xi32, #tpu.memory_space<vmem>>
        %dma_start3A_723 = arith.constant 0 : i32
        %dma_start3A_724 = arith.constant 0 : i32
        %dma_start3A_725 = tpu.memref_slice %arg3[%dma_start3A_723, %dma_start3A_724] : memref<1000000x64xf32, #tpu.memory_space<hbm>> -> memref<1000000x64xf32, #tpu.memory_space<hbm>>
        %dma_start3A_726 = tpu.memref_slice %arg9[%dma_start3A_715] : memref<8x!tpu.dma_semaphore, #tpu.memory_space<semaphore_mem>> -> memref<1x!tpu.dma_semaphore, #tpu.memory_space<semaphore_mem>>
        %dma_start3A_727 = tpu.memref_squeeze %dma_start3A_726 : memref<1x!tpu.dma_semaphore, #tpu.memory_space<semaphore_mem>> -> memref<!tpu.dma_semaphore, #tpu.memory_space<semaphore_mem>>
        tpu.enqueue_indirect_dma source(%dma_start3A_725 : memref<1000000x64xf32, #tpu.memory_space<hbm>>) target(%dma_start3A_719 : memref<128x64xf32, #tpu.memory_space<vmem>>) offsets(%dma_start3A_722 : memref<128xi32, #tpu.memory_space<vmem>>) semaphore(%dma_start3A_727 : memref<!tpu.dma_semaphore, #tpu.memory_space<semaphore_mem>>)
      } else {
      }
    }
    %scan3A_168 = arith.constant 25 : i32
    %dma_wait3A_169 = arith.constant 0 : i32
    %dma_wait3A_170 = arith.constant 198 : i32
    %dma_wait3A_171 = arith.constant 0 : i32
    %dma_wait3A_172 = arith.constant 0 : i32
    %dma_wait3A_173 = arith.constant 0 : i32
    %dma_wait3A_174 = arith.constant 0 : i32
    %dma_wait3A_175 = tpu.memref_slice %arg7[%dma_wait3A_169, %dma_wait3A_172, %dma_wait3A_173, %dma_wait3A_174] : memref<2x8x8x129xf32, #tpu.memory_space<vmem>> -> memref<1x8x8x128xf32, #tpu.memory_space<vmem>>
    %dma_wait3A_176 = tpu.memref_squeeze %dma_wait3A_175 : memref<1x8x8x128xf32, #tpu.memory_space<vmem>> -> memref<8x8x128xf32, #tpu.memory_space<vmem>>
    %dma_wait3A_177 = arith.constant 0 : i32
    %dma_wait3A_178 = arith.constant 0 : i32
    %dma_wait3A_179 = arith.constant 0 : i32
    %dma_wait3A_180 = tpu.memref_slice %arg4[%dma_wait3A_170, %dma_wait3A_177, %add3A, %dma_wait3A_178, %dma_wait3A_179] : memref<200x8x32x8x128xf32, #tpu.memory_space<hbm>> -> memref<1x8x1x8x128xf32, #tpu.memory_space<hbm>>
    %dma_wait3A_181 = tpu.memref_squeeze %dma_wait3A_180 : memref<1x8x1x8x128xf32, #tpu.memory_space<hbm>> -> memref<8x8x128xf32, #tpu.memory_space<hbm>>
    %dma_wait3A_182 = tpu.memref_slice %arg10[%dma_wait3A_171] : memref<2x!tpu.dma_semaphore, #tpu.memory_space<semaphore_mem>> -> memref<1x!tpu.dma_semaphore, #tpu.memory_space<semaphore_mem>>
    %dma_wait3A_183 = tpu.memref_squeeze %dma_wait3A_182 : memref<1x!tpu.dma_semaphore, #tpu.memory_space<semaphore_mem>> -> memref<!tpu.dma_semaphore, #tpu.memory_space<semaphore_mem>>
    %dma_wait3A_184 = arith.constant 0 : i32
    %dma_wait3A_185 = arith.constant 0 : i32
    %dma_wait3A_186 = arith.constant 0 : i32
    %dma_wait3A_187 = tpu.memref_slice %arg4[%dma_wait3A_170, %dma_wait3A_184, %add3A, %dma_wait3A_185, %dma_wait3A_186] : memref<200x8x32x8x128xf32, #tpu.memory_space<hbm>> -> memref<1x8x1x8x128xf32, #tpu.memory_space<hbm>>
    %dma_wait3A_188 = tpu.memref_squeeze %dma_wait3A_187 : memref<1x8x1x8x128xf32, #tpu.memory_space<hbm>> -> memref<8x8x128xf32, #tpu.memory_space<hbm>>
    %dma_wait3A_189 = arith.constant 0 : i32
    %dma_wait3A_190 = arith.constant 0 : i32
    %dma_wait3A_191 = arith.constant 0 : i32
    %dma_wait3A_192 = tpu.memref_slice %arg7[%dma_wait3A_169, %dma_wait3A_189, %dma_wait3A_190, %dma_wait3A_191] : memref<2x8x8x129xf32, #tpu.memory_space<vmem>> -> memref<1x8x8x128xf32, #tpu.memory_space<vmem>>
    %dma_wait3A_193 = tpu.memref_squeeze %dma_wait3A_192 : memref<1x8x8x128xf32, #tpu.memory_space<vmem>> -> memref<8x8x128xf32, #tpu.memory_space<vmem>>
    tpu.wait_dma2 semaphore(%dma_wait3A_183 : memref<!tpu.dma_semaphore, #tpu.memory_space<semaphore_mem>>) src(%dma_wait3A_193 : memref<8x8x128xf32, #tpu.memory_space<vmem>>) dst(%dma_wait3A_188 : memref<8x8x128xf32, #tpu.memory_space<hbm>>)
    %dma_wait3A_194 = arith.constant 1 : i32
    %dma_wait3A_195 = arith.constant 199 : i32
    %dma_wait3A_196 = arith.constant 1 : i32
    %dma_wait3A_197 = arith.constant 0 : i32
    %dma_wait3A_198 = arith.constant 0 : i32
    %dma_wait3A_199 = arith.constant 0 : i32
    %dma_wait3A_200 = tpu.memref_slice %arg7[%dma_wait3A_194, %dma_wait3A_197, %dma_wait3A_198, %dma_wait3A_199] : memref<2x8x8x129xf32, #tpu.memory_space<vmem>> -> memref<1x8x8x128xf32, #tpu.memory_space<vmem>>
    %dma_wait3A_201 = tpu.memref_squeeze %dma_wait3A_200 : memref<1x8x8x128xf32, #tpu.memory_space<vmem>> -> memref<8x8x128xf32, #tpu.memory_space<vmem>>
    %dma_wait3A_202 = arith.constant 0 : i32
    %dma_wait3A_203 = arith.constant 0 : i32
    %dma_wait3A_204 = arith.constant 0 : i32
    %dma_wait3A_205 = tpu.memref_slice %arg4[%dma_wait3A_195, %dma_wait3A_202, %add3A, %dma_wait3A_203, %dma_wait3A_204] : memref<200x8x32x8x128xf32, #tpu.memory_space<hbm>> -> memref<1x8x1x8x128xf32, #tpu.memory_space<hbm>>
    %dma_wait3A_206 = tpu.memref_squeeze %dma_wait3A_205 : memref<1x8x1x8x128xf32, #tpu.memory_space<hbm>> -> memref<8x8x128xf32, #tpu.memory_space<hbm>>
    %dma_wait3A_207 = tpu.memref_slice %arg10[%dma_wait3A_196] : memref<2x!tpu.dma_semaphore, #tpu.memory_space<semaphore_mem>> -> memref<1x!tpu.dma_semaphore, #tpu.memory_space<semaphore_mem>>
    %dma_wait3A_208 = tpu.memref_squeeze %dma_wait3A_207 : memref<1x!tpu.dma_semaphore, #tpu.memory_space<semaphore_mem>> -> memref<!tpu.dma_semaphore, #tpu.memory_space<semaphore_mem>>
    %dma_wait3A_209 = arith.constant 0 : i32
    %dma_wait3A_210 = arith.constant 0 : i32
    %dma_wait3A_211 = arith.constant 0 : i32
    %dma_wait3A_212 = tpu.memref_slice %arg4[%dma_wait3A_195, %dma_wait3A_209, %add3A, %dma_wait3A_210, %dma_wait3A_211] : memref<200x8x32x8x128xf32, #tpu.memory_space<hbm>> -> memref<1x8x1x8x128xf32, #tpu.memory_space<hbm>>
    %dma_wait3A_213 = tpu.memref_squeeze %dma_wait3A_212 : memref<1x8x1x8x128xf32, #tpu.memory_space<hbm>> -> memref<8x8x128xf32, #tpu.memory_space<hbm>>
    %dma_wait3A_214 = arith.constant 0 : i32
    %dma_wait3A_215 = arith.constant 0 : i32
    %dma_wait3A_216 = arith.constant 0 : i32
    %dma_wait3A_217 = tpu.memref_slice %arg7[%dma_wait3A_194, %dma_wait3A_214, %dma_wait3A_215, %dma_wait3A_216] : memref<2x8x8x129xf32, #tpu.memory_space<vmem>> -> memref<1x8x8x128xf32, #tpu.memory_space<vmem>>
    %dma_wait3A_218 = tpu.memref_squeeze %dma_wait3A_217 : memref<1x8x8x128xf32, #tpu.memory_space<vmem>> -> memref<8x8x128xf32, #tpu.memory_space<vmem>>
    tpu.wait_dma2 semaphore(%dma_wait3A_208 : memref<!tpu.dma_semaphore, #tpu.memory_space<semaphore_mem>>) src(%dma_wait3A_218 : memref<8x8x128xf32, #tpu.memory_space<vmem>>) dst(%dma_wait3A_213 : memref<8x8x128xf32, #tpu.memory_space<hbm>>)
    return
  }
}

</mosaic_0001>

<sc_bundles>
// kernel: kernel.3.cloned.1.call-start
scs
__scs_entry_jumppad:
0x0: {  	(pc) =	sbr.rel $0x88, $3  }
0x1: {  	(tag) =	ssettag $0x0;
	lr =	simm.s32 $0x1  }
0x2: {  	[smem:$0x3F9F] =	sst lr;
	_ =	strace $0xD0000000  }
0x3: {  	_ = 	snop  }
0x4: {  	_ = 	snop  }
0x5: {  	_ = 	snop  }
0x6: {  	_ = 	snop  }
0x7: {  	_ = 	snop  }
__scs_overlays_trampoline_lowered:
0x8: {  	[smem:$0x3FAE] =	sst s0  }
0x9: {  	[smem:$0x3FAF] =	sst s1  }
0xa: {  	[smem:$0x3FB0] =	sst s2  }
0xb: {  	[smem:$0x3FB1] =	sst s3  }
0xc: {  	[smem:$0x3FB2] =	sst s4  }
0xd: {  	[smem:$0x3FB3] =	sst s5  }
0xe: {  	[smem:$0x3FB4] =	sst s6  }
0xf: {  	[smem:$0x3FB5] =	sst s7  }
0x10: {  	[smem:$0x3FB6] =	sst s8  }
0x11: {  	[smem:$0x3FB7] =	sst s9;
	s0 =	simm.s32 @!p0 $0x0  }
0x12: {  	s1 =	sld [smem:$0x3F9D];
	s0 =	simm.s32 @p0 $0x1  }
0x13: {  	[smem:$0x3FB8] =	sst s0;
	s0 =	simm.s32 @!p1 $0x0  }
0x14: {  	s2 =	sld [smem:$0x3F9C];
	s0 =	simm.s32 @p1 $0x1  }
0x15: {  	[smem:$0x3FB9] =	sst s0;
	s0 =	simm.s32 @!p2 $0x0  }
0x16: {  	s3 =	sld [smem:$0x3FDB];
	s0 =	simm.s32 @p2 $0x1  }
0x17: {  	s4 =	simm.s32 $0x1BF5;
	[smem:$0x3FBB] =	sst s0  }
0x18: {  	s0 =	sld [smem:$0x3F9E];
	_ =	swait.ge [sflag:s4], $0x0  }
0x19: {  	s7 =	sld [smem:$0x3F9F]  }
0x1a: {  	s8 =	sadd.s32 $0xFFFFE003, lr  }
0x1b: {  	s9 =	sadd.s32 $0xFFFFFEF7, lr;
	s5 =	simm.s32 $0xFFFFFFFF;
	p2 =	slt.u32 s8, $0xFFFFF086  }
0x1c: {  	p1 =	slt.u32 s9, $0xF7A;
	s5 =	simm.s32 @!p2 $0x0  }
0x1d: {  	s5 =	simm.s32 @p1 $0x1;
	p0 =	seq.s32 s7, s2  }
0x1e: {  	s7 =	smul.u32 @!p0 $0xF7A, s2;
	p2 =	seq.s32 @!p0 s5, $0x0  }
0x1f: {  	s9 =	smul.u32 $0xF7A, s1;
	s8 =	simm.s32 @!p0 $0x1BF5;
	p2 =	por !p2, p0  }
0x20: {  	[sflag:s8] =	ssyncset.s32 @!p0 $0xFFFFF086;
	s6 =	sadd.s32 @!p0 s3, s7;
	s7 =	simm.s32 @!p0 $0x108  }
0x21: {  	s3 =	sadd.s32 s3, s9;
	s6 =	sadd.s32 @!p0 $0x88, s6;
	s7 =	simm.s32 @p2 $0x1082  }
0x22: {  	[simem:s7], [sflag:s8] =	dma.local @!p0 [hbm:s6], $0xF7A  }
0x23: {  	s9 =	sor.u32 $0xD0000000, s2;
	s6 =	simm.s32 $0x108;
	_ =	swait.ge @!p0 [sflag:s8], $0x0  }
0x24: {  	s3 =	sadd.s32 $0x88, s3;
	s6 =	simm.s32 @!p1 $0x1082;
	[sflag:s4] =	ssyncset.s32 $0xFFFFF086  }
0x25: {  	[simem:s6], [sflag:s4] =	dma.local [hbm:s3], $0xF7A  }
0x26: {  	[smem:$0x3F9F] =	sst s1;
	(tag) =	ssettag s2;
	_ =	strace s9  }
0x27: {  	s1 =	sld [smem:$0x3FAF]  }
0x28: {  	s2 =	sld [smem:$0x3FB0]  }
0x29: {  	s4 =	sld [smem:$0x3FB2]  }
0x2a: {  	p0 =	seq.s32 s5, $0x0;
	s5 =	sld [smem:$0x3FB3]  }
0x2b: {  	s6 =	sld [smem:$0x3FB4]  }
0x2c: {  	s7 =	sld [smem:$0x3FB5]  }
0x2d: {  	s3 =	simm.s32 $0x108;
	s8 =	sld [smem:$0x3FB6]  }
0x2e: {  	s3 =	simm.s32 @!p0 $0x1082;
	s9 =	sld [smem:$0x3FB7]  }
0x2f: {  	lr =	sadd.s32 s0, s3;
	s0 =	sld [smem:$0x3FAE]  }
0x30: {  	s3 =	sld [smem:$0x3FB1]  }
0x31: {  	[smem:$0x3FBA] =	sst s10  }
0x32: {  	s10 =	sld [smem:$0x3FB8];
	_ =	sdelay $0x3  }
0x33: {  	p0 =	seq.s32 s10, $0x1;
	s10 =	sld [smem:$0x3FBA];
	_ =	sdelay $0x3  }
0x34: {  	[smem:$0x3FBA] =	sst s10  }
0x35: {  	s10 =	sld [smem:$0x3FB9];
	_ =	sdelay $0x3  }
0x36: {  	p1 =	seq.s32 s10, $0x1;
	s10 =	sld [smem:$0x3FBA];
	_ =	sdelay $0x3  }
0x37: {  	[smem:$0x3FBA] =	sst s10  }
0x38: {  	s10 =	sld [smem:$0x3FBB]  }
0x39: {  	_ = 	snop;
	(pc) =	sbr.ind lr, $3  }
0x3a: {  	_ = 	snop  }
0x3b: {  	_ = 	snop  }
0x3c: {  	p2 =	seq.s32 s10, $0x1;
	s10 =	sld [smem:$0x3FBA]  }
0x3d: {  	_ =	shalt  }
0x3e: {  	_ =	shalt  }
0x3f: {  	_ =	shalt  }
0x40: {  	_ =	shalt  }
0x41: {  	_ =	shalt  }
0x42: {  	_ =	shalt  }
0x43: {  	_ =	shalt  }
0x44: {  	_ =	shalt  }
0x45: {  	_ =	shalt  }
0x46: {  	_ =	shalt  }
0x47: {  	_ =	shalt  }
0x48: {  	_ =	shalt  }
0x49: {  	_ =	shalt  }
0x4a: {  	_ =	shalt  }
0x4b: {  	_ =	shalt  }
0x4c: {  	_ =	shalt  }
0x4d: {  	_ =	shalt  }
0x4e: {  	_ =	shalt  }
0x4f: {  	_ =	shalt  }
0x50: {  	_ =	shalt  }
0x51: {  	_ =	shalt  }
0x52: {  	_ =	shalt  }
0x53: {  	_ =	shalt  }
0x54: {  	_ =	shalt  }
0x55: {  	_ =	shalt  }
0x56: {  	_ =	shalt  }
0x57: {  	_ =	shalt  }
0x58: {  	_ =	shalt  }
0x59: {  	_ =	shalt  }
0x5a: {  	_ =	shalt  }
0x5b: {  	_ =	shalt  }
0x5c: {  	_ =	shalt  }
0x5d: {  	_ =	shalt  }
0x5e: {  	_ =	shalt  }
0x5f: {  	_ =	shalt  }
0x60: {  	_ =	shalt  }
0x61: {  	_ =	shalt  }
0x62: {  	_ =	shalt  }
0x63: {  	_ =	shalt  }
0x64: {  	_ =	shalt  }
0x65: {  	_ =	shalt  }
0x66: {  	_ =	shalt  }
0x67: {  	_ =	shalt  }
0x68: {  	_ =	shalt  }
0x69: {  	_ =	shalt  }
0x6a: {  	_ =	shalt  }
0x6b: {  	_ =	shalt  }
0x6c: {  	_ =	shalt  }
0x6d: {  	_ =	shalt  }
0x6e: {  	_ =	shalt  }
0x6f: {  	_ =	shalt  }
0x70: {  	_ =	shalt  }
0x71: {  	_ =	shalt  }
0x72: {  	_ =	shalt  }
0x73: {  	_ =	shalt  }
0x74: {  	_ =	shalt  }
0x75: {  	_ =	shalt  }
0x76: {  	_ =	shalt  }
0x77: {  	_ =	shalt  }
0x78: {  	_ =	shalt  }
0x79: {  	_ =	shalt  }
0x7a: {  	_ =	shalt  }
0x7b: {  	_ =	shalt  }
0x7c: {  	_ =	shalt  }
0x7d: {  	_ =	shalt  }
0x7e: {  	_ =	shalt  }
0x7f: {  	_ =	shalt  }
0x80: {  	_ =	shalt  }
0x81: {  	_ =	shalt  }
0x82: {  	_ =	shalt  }
0x83: {  	_ =	shalt  }
0x84: {  	_ =	shalt  }
0x85: {  	_ =	shalt  }
0x86: {  	_ =	shalt  }
0x87: {  	_ =	shalt  }
.Lfunc_end0:
.L_simem_size_0:
called_computation_lowered:
.L_overlay_start_0:
0x88: {  	s2 =	sld [smem:$0x3FD9]  }
0x89: {  	s3 =	sld [smem:$0x3FFE];
	_ =	sdelay $0x1  }
0x8a: {  	s1 =	srdreg.scid  }
0x8b: {  	s0 =	sand.u32 $0x1, s1  }
0x8c: {  	s17 =	sshll.u32 s0, $0xA;
	s2 =	sadd.s32 s3, s2  }
0x8d: {  	s2 =	sadd.s32 s2, s17  }
0x8e: {  	[smem:$0x3FC6] =	sst s2  }
0x8f: {  	_ = 	snop  }
0x90: {  	s2 =	sld [smem:$0x3FD0];
	(tm) =	ssettm $0x1  }
0x91: {  	s18 =	sld [smem:$0x3FFB];
	_ =	sdelay $0x3  }
0x92: {  	_ =	strace s18  }
0x93: {  	s3 =	sld [smem:$0x3FFC];
	_ =	sdelay $0x3  }
0x94: {  	_ =	strace s3  }
0x95: {  	s3 =	sld [smem:$0x3FFD];
	_ =	sdelay $0x3  }
0x96: {  	_ =	strace s3  }
0x97: {  	_ =	strace $0x8FFFFFFF  }
0x98: {  	s19 =	sld [smem:$0x3FDB];
	_ =	sdelay $0x1  }
0x99: {  	s4 =	simm.s32 $_scs_section_size  }
0x9a: {  	s5 =	simm.s32 $_size__tile_overlayer_lowered;
	s6 =	simm.s32 $_tile_overlayer_lowered  }
0x9b: {  	s22 =	simm.s32 $0x1BFF;
	s21 =	sshll.u32 s6, $0x1;
	s3 =	sadd.s32 s4, s19  }
0x9c: {  	s7 =	simm.s32 $0x0;
	s20 =	sshll.u32 s5, $0x1;
	s5 =	sadd.s32 s21, s3  }
0x9d: {  	[timem:s7], [sflag:s22] =	dma.local [hbm:s5], s20  }
0x9e: {  	_ =	swait.ge [sflag:s22], s20  }
0x9f: {  	s4 =	ssub.s32 $0x0, s20;
	[sflag:s22] =	ssyncset.done $0x0  }
0xa0: {  	[sflag:s22] =	ssyncadd.s32 s4;
	_ =	sdelay $0x1  }
0xa1: {  	s23 =	simm.s32 $0x1B8B  }
0xa2: {  	_ =	swait.ge [sflag:s23], $0x1  }
0xa3: {  	[sflag:s23] =	ssyncset.done $0x0  }
0xa4: {  	s25 =	simm.s32 $0x1B8E;
	s24 =	sld [smem:$0x3FFE];
	[sflag:s23] =	ssyncadd.s32 $0xFFFFFFFF  }
0xa5: {  	s26 =	simm.s32 $execute0_lowered;
	[smem:$0x3FD2] =	sst s25  }
0xa6: {  	s5 =	sshll.u32 s26, $0x1;
	_ =	strace $0x80000046;
	[dreg:$0x1] =	wrdreg $0xFFFFFFFF  }
0xa7: {  	s28 =	simm.s32 $_size_execute0_lowered;
	s3 =	sadd.s32 s3, s5;
	[dreg:$0x0] =	wrdreg $0x0  }
0xa8: {  	s5 =	sshll.u32 s28, $0x1;
	[dreg:$0x2] =	wrdreg s3  }
0xa9: {  	[dreg:$0x3] =	wrdreg s5  }
0xaa: {  	[dreg:$0x4] =	wrdreg $0xC0  }
0xab: {  	_ =	task [dreg:s7], $0x5FFFF  }
0xac: {  	[dreg:$0x1] =	wrdreg $0xFFFFFFFF  }
0xad: {  	[dreg:$0x0] =	wrdreg $0x60  }
0xae: {  	[dreg:$0x2] =	wrdreg s24  }
0xaf: {  	[dreg:$0x3] =	wrdreg s2  }
0xb0: {  	[dreg:$0x4] =	wrdreg $0x9  }
0xb1: {  	_ =	task.clear_ibuf [dreg:s7], $0x5FFFF;
	_ =	strace $0x90000046  }
0xb2: {  	s29 =	simm.s32 $0x9;
	_ =	strace $0x80000048  }
0xb3: {  	_ =	swait.ge [sflag:s29], $0x1  }
0xb4: {  	[sflag:s29] =	ssyncadd.s32 $0xFFFFFFFF  }
0xb5: {  	_ =	strace $0x90000048  }
0xb6: {  	_ =	sfence  }
0xb7: {  	s30 =	sld [smem:$0x0];
	_ =	sdelay $0x2  }
0xb8: {  	s31 =	sshll.u32 s1, $0xD;
	s1 =	sshrl.u32 s1, $0x2  }
0xb9: {  	s3 =	sand.u32 $0x4000, s31;
	s1 =	sadd.s32 s1, s30  }
0xba: {  	s0 =	sor.u32 s3, s0;
	s1 =	sshll.u32 s1, $0x11  }
0xbb: {  	s0 =	sor.u32 s1, s0  }
0xbc: {  	s0 =	sadd.s32 $0x8F2B, s0  }
0xbd: {  	[sflag:s0] =	ssyncadd.remote.s32 $0x1  }
0xbe: {  	_ =	sfence.sel $0xFFFF  }
0xbf: {  	[dreg:$0x0] =	wrdreg $0xFFFFFFFF;
	(pc) =	sbr.abs _section_cstart, $3  }
0xc0: {  	[dreg:$0x1] =	wrdreg $0xFFFFFFFF  }
0xc1: {  	_ =	task.clear_ibuf [dreg:s7], $0x2FFFF;
	_ =	strace $0x9FFFFFFF  }
0xc2: {  	(tm) =	ssettm $0x7FFFFFFF  }
0xc3: {  	_ =	shalt  }
tec
execute0_lowered:
.L_overlay_start_1:
0x0: {  	(tag) =	ssettag $0x1  }
0x1: {  	s0 =	rddreg [dreg:$0x0]  }
0x2: {  	s1 =	srdreg.scid;
	s2 =	stileid.u32  }
0x3: {  	s7 =	rddreg [dreg:$0x1];
	s3 =	simm.s32 $0x0;
	s16 =	simm.s32 $0x10800  }
0x4: {  	s19 =	simm.s32 $0x4;
	s20 =	simm.s32 $0xC;
	s21 =	simm.s32 $0x12A00  }
0x5: {  	s22 =	simm.s32 $0x5;
	s23 =	simm.s32 $0xB;
	s24 =	simm.s32 $0x6  }
0x6: {  	s25 =	simm.s32 $0x7;
	s28 =	simm.s32 $0x9;
	s29 =	simm.s32 $0xA  }
0x7: {  	s1 =	sand.u32 $0x1, s1;
	s2 =	sshll.u32 s2, $0x1;
	[smem:$0x7FF] =	sst s3  }
0x8: {  	s31 =	sadd.s32 $0x8000, s7;
	s8 =	sadd.s32 $0x10000, s7;
	s9 =	sadd.s32 $0x18000, s7  }
0x9: {  	s10 =	sadd.s32 $0x20000, s7;
	s11 =	sadd.s32 $0x28000, s7;
	s12 =	sadd.s32 $0x30000, s7  }
0xa: {  	s13 =	sadd.s32 $0x38000, s7;
	s2 =	sor.u32 s1, s2;
	s1 =	ssub.s32 $0x2, s1  }
0xb: {  	_ =	strace $0x80000047;
	[dreg:$0x4] =	wrdreg s31;
	s4 =	sshll.u32 s2, $0x4  }
0xc: {  	v0 =	vlaneseq.u32;
	s6 =	sshrl.u32 s1, $0x1;
	s30 =	sshll.u32 s2, $0x7;
	s2 =	simm.s32 $0x0  }
0xd: {  	v0 =	vmul.u32 $0x88, v0;
	s5 =	sadd.s32 s4, s0;
	s4 =	sadd.s32 $0xF42A00, s0;
	s26 =	ssub.s32 s1, s6  }
0xe: {  	[dreg:$0x3] =	wrdreg s30;
	s5 =	sadd.s32 $0x600, s5;
	s0 =	smax.u32 s26, $0x1  }
0xf: {  	v1 =	vadd.s32 $0x880, v0;
	v2 =	vadd.s32 $0x1100, v0;
	v3 =	vadd.s32 $0x1980, v0;
	s26 =	simm.s32 $0x8;
	[dreg:$0x5] =	wrdreg s0;
	s0 =	simm.s32 $0x3  }
.LBB2_1:
0x10: {  	[dreg:$0x6] =	wrdreg s2  }
0x11: {  	s1 =	simm.s32 $0x80;
	s18 =	simm.s32 $0x1000;
	s30 =	simm.s32 $0x1  }
0x12: {  	[tilespmem:s3], [sflag:$0x1] =	stream.strided.gather [hbm4b:s5+s1], $0x400, s18, s1, $0x38;
	[tilespmem:$0x14C00] =	vst v63  }
0x13: {  	_ =	swait.ge [sflag:s30], $0x400  }
0x14: {  	[sflag:s30] =	ssyncset.done $0x0  }
0x15: {  	s6 =	simm.s32 $0x800;
	[sflag:s30] =	ssyncadd.s32 $0xFFFFFC00  }
0x16: {  	[tilespmem:s6], [sflag:$0x3] =	stream.indirect.gather [hbm4b:s4+s1], $0x40, s3, s1, $0xb8;
	[tilespmem:$0x14C00] =	vst v63  }
0x17: {  	s7 =	simm.s32 $0x2800  }
0x18: {  	[tilespmem:s7], [sflag:$0x4] =	stream.indirect.gather [hbm4b:s4+s1], $0x40, s1, s1, $0xb8;
	[tilespmem:$0x14C00] =	vst v63  }
0x19: {  	s14 =	simm.s32 $0x100;
	s6 =	simm.s32 $0x4800  }
0x1a: {  	[tilespmem:s6], [sflag:$0x5] =	stream.indirect.gather [hbm4b:s4+s1], $0x40, s14, s1, $0xb8;
	[tilespmem:$0x14C00] =	vst v63  }
0x1b: {  	s15 =	simm.s32 $0x180;
	s17 =	simm.s32 $0x6800  }
0x1c: {  	[tilespmem:s17], [sflag:$0x6] =	stream.indirect.gather [hbm4b:s4+s1], $0x40, s15, s1, $0xb8;
	[tilespmem:$0x14C00] =	vst v63  }
0x1d: {  	s18 =	simm.s32 $0x200;
	s30 =	simm.s32 $0x8800  }
0x1e: {  	[tilespmem:s30], [sflag:$0x7] =	stream.indirect.gather [hbm4b:s4+s1], $0x40, s18, s1, $0xb8;
	[tilespmem:$0x14C00] =	vst v63  }
0x1f: {  	s7 =	simm.s32 $0x280;
	s14 =	simm.s32 $0xA800  }
0x20: {  	[tilespmem:s14], [sflag:$0x8] =	stream.indirect.gather [hbm4b:s4+s1], $0x40, s7, s1, $0xb8;
	[tilespmem:$0x14C00] =	vst v63  }
0x21: {  	s15 =	simm.s32 $0x300;
	s17 =	simm.s32 $0xC800  }
0x22: {  	[tilespmem:s17], [sflag:$0x9] =	stream.indirect.gather [hbm4b:s4+s1], $0x40, s15, s1, $0xb8;
	[tilespmem:$0x14C00] =	vst v63  }
0x23: {  	s31 =	simm.s32 $0x0;
	s18 =	simm.s32 $0x380;
	s30 =	simm.s32 $0xE800  }
0x24: {  	[tilespmem:s30], [sflag:$0xA] =	stream.indirect.gather [hbm4b:s4+s1], $0x40, s18, s1, $0xb8;
	[tilespmem:$0x14C00] =	vst v63  }
.LBB2_2:
0x25: {  	s14 =	sand.u32 $0x1, s31;
	p0 =	seq.s32 s31, $0x18  }
0x26: {  	s17 =	sadd.s32 $0x1, s31;
	s1 =	sxor.u32 @!p0 $0x1, s14  }
0x27: {  	s2 =	sshll.u32 @!p0 s17, $0xC;
	s15 =	simm.s32 @!p0 $0x80;
	s18 =	simm.s32 @!p0 $0x1000  }
0x28: {  	s6 =	sshll.u32 @!p0 s1, $0xA;
	s1 =	sadd.s32 @!p0 $0x1, s1;
	s2 =	sadd.s32 @!p0 s2, s5  }
0x29: {  	[tilespmem:s6], [sflag:s1] =	stream.strided.gather @!p0 [hbm4b:s2+s15], $0x400, s18, s15, $0x38;
	[tilespmem:$0x14C00] =	vst v63  }
0x2a: {  	_ =	swait.ge [sflag:s0], $0x2000  }
0x2b: {  	p1 =	seq.s32 s31, $0x0;
	[sflag:s0] =	ssyncset.done $0x0  }
0x2c: {  	s1 =	simm.s32 @!p1 $0xB;
	[sflag:s0] =	ssyncadd.s32 $0xFFFFE000  }
0x2d: {  	s18 =	simm.s32 $0x0;
	_ =	swait.ge @!p1 [sflag:s1], $0x2000  }
0x2e: {  	v4 =	vmov s18;
	[sflag:s1] =	ssyncset.done @!p1 $0x0  }
0x2f: {  	v5 =	vand.u32 $0x7F, v4;
	[sflag:s1] =	ssyncadd.s32 @!p1 $0xFFFFE000;
	s1 =	simm.s32 $0x820  }
0x30: {  	v7 =	vadd.s32 v0, v5;
	v6 =	vld [tilespmem:s1+$0xFFFFFFE0]  }
0x31: {  	v9 =	vadd.s32 v1, v5;
	v8 =	vld [tilespmem:s1+$0xFFFFFFF0]  }
0x32: {  	v11 =	vadd.s32 v2, v5;
	v10 =	vld [tilespmem:s1+$0x0];
	_ =	sdelay $0x1  }
0x33: {  	v5 =	vadd.s32 v3, v5;
	v4 =	vld [tilespmem:s1+$0x10]  }
0x34: {  	[tilespmem:v7+s16+$0x0] =	vst.idx.msk $0xffff, v6  }
0x35: {  	s30 =	simm.s32 $0x1;
	[tilespmem:v9+s16+$0x0] =	vst.idx.msk $0xffff, v8  }
0x36: {  	s18 =	simm.s32 $0x2;
	v6 =	vmov s30;
	[tilespmem:v11+s16+$0x0] =	vst.idx.msk $0xffff, v10  }
.LBB2_3:
0x37: {  	p2 =	sne.s32 s18, $0x7F  }
0x38: {  	v6 =	vand.u32 $0x7F, v6;
	[tilespmem:v5+s16+$0x0] =	vst.idx.msk $0xffff, v4;
	s1 =	sadd.s32 $0x40, s1;
	s2 =	smov.u32 s18;
	s18 =	sadd.s32 $0x1, s18  }
0x39: {  	v7 =	vld [tilespmem:s1+$0xFFFFFFE0];
	v8 =	vadd.s32 v0, v6  }
0x3a: {  	v10 =	vadd.s32 v1, v6;
	v9 =	vld [tilespmem:s1+$0xFFFFFFF0]  }
0x3b: {  	v12 =	vadd.s32 v2, v6;
	v11 =	vld [tilespmem:s1+$0x0]  }
.Ltmp0:
0x3c: {  	v5 =	vadd.s32 v3, v6;
	v4 =	vld [tilespmem:s1+$0x10];
	(pc) =	sbr.rel @p2 .LBB2_3-.Ltmp0, $4  }
0x3d: {  	_ = 	snop  }
0x3e: {  	[tilespmem:v8+s16+$0x0] =	vst.idx.msk $0xffff, v7  }
0x3f: {  	[tilespmem:v10+s16+$0x0] =	vst.idx.msk $0xffff, v9  }
0x40: {  	v6 =	vmov s2;
	[tilespmem:v12+s16+$0x0] =	vst.idx.msk $0xffff, v11  }
0x41: {  	_ =	sdelay $0x3  }
0x42: {  	v6 =	vand.u32 $0x7F, v6;
	[tilespmem:v5+s16+$0x0] =	vst.idx.msk $0xffff, v4;
	s1 =	sadd.s32 $0x40, s1  }
0x43: {  	v4 =	vld [tilespmem:s1+$0xFFFFFFE0];
	v5 =	vadd.s32 v0, v6  }
0x44: {  	v7 =	vld [tilespmem:s1+$0xFFFFFFF0];
	v8 =	vadd.s32 v1, v6  }
0x45: {  	v9 =	vld [tilespmem:s1+$0x0];
	v10 =	vadd.s32 v2, v6  }
0x46: {  	v11 =	vld [tilespmem:s1+$0x10];
	v6 =	vadd.s32 v3, v6;
	_ =	sdelay $0x1  }
0x47: {  	[tilespmem:v5+s16+$0x0] =	vst.idx.msk $0xffff, v4  }
0x48: {  	s18 =	sshll.u32 s31, $0x12;
	s2 =	rddreg [dreg:$0x3];
	[tilespmem:v8+s16+$0x0] =	vst.idx.msk $0xffff, v7  }
0x49: {  	s6 =	rddreg [dreg:$0x1];
	s1 =	sor.u32 s2, s18;
	[tilespmem:v10+s16+$0x0] =	vst.idx.msk $0xffff, v9  }
0x4a: {  	s7 =	simm.s32 $0x10800;
	s18 =	sadd.s32 s6, s1;
	[tilespmem:v6+s16+$0x0] =	vst.idx.msk $0xffff, v11  }
0x4b: {  	[hbm4b:s18+s3] =	stream.linear.scatter [tilespmem:s7], [sflag:$0xB], $0x80, $0x38;
	[tilespmem:$0x14C00] =	vst v63  }
0x4c: {  	s15 =	simm.s32 $0x10888;
	s6 =	sadd.s32 $0x10, s18  }
0x4d: {  	[hbm4b:s6+s3] =	stream.linear.scatter [tilespmem:s15], [sflag:$0xB], $0x80, $0x38;
	[tilespmem:$0x14C00] =	vst v63  }
0x4e: {  	s7 =	simm.s32 $0x10910;
	s15 =	sadd.s32 $0x20, s18  }
0x4f: {  	[hbm4b:s15+s3] =	stream.linear.scatter [tilespmem:s7], [sflag:$0xB], $0x80, $0x38;
	[tilespmem:$0x14C00] =	vst v63  }
0x50: {  	s7 =	simm.s32 $0x10998;
	s15 =	sadd.s32 $0x30, s18  }
0x51: {  	[hbm4b:s15+s3] =	stream.linear.scatter [tilespmem:s7], [sflag:$0xB], $0x80, $0x38;
	[tilespmem:$0x14C00] =	vst v63  }
0x52: {  	s7 =	simm.s32 $0x10A20;
	s15 =	sadd.s32 $0x40, s18  }
0x53: {  	[hbm4b:s15+s3] =	stream.linear.scatter [tilespmem:s7], [sflag:$0xB], $0x80, $0x38;
	[tilespmem:$0x14C00] =	vst v63  }
0x54: {  	s30 =	simm.s32 $0x440;
	s7 =	simm.s32 $0x10AA8;
	s15 =	sadd.s32 $0x50, s18  }
0x55: {  	[hbm4b:s15+s3] =	stream.linear.scatter [tilespmem:s7], [sflag:$0xB], $0x80, $0x38;
	[tilespmem:$0x14C00] =	vst v63  }
0x56: {  	s2 =	simm.s32 $0x10BB8;
	s7 =	simm.s32 $0x10B30;
	s15 =	sadd.s32 $0x60, s18  }
0x57: {  	[hbm4b:s15+s3] =	stream.linear.scatter [tilespmem:s7], [sflag:$0xB], $0x80, $0x38;
	[tilespmem:$0x14C00] =	vst v63  }
0x58: {  	s6 =	sadd.s32 $0x70, s18;
	s18 =	sadd.s32 $0x1000, s18;
	s15 =	simm.s32 $0x2200  }
.LBB2_5:
0x59: {  	[hbm4b:s6+s3] =	stream.linear.scatter [tilespmem:s2], [sflag:$0xB], $0x80, $0x38;
	[tilespmem:$0x14C00] =	vst v63  }
0x5a: {  	s2 =	smov.u32 s30;
	s6 =	smov.u32 s15  }
0x5b: {  	s7 =	sadd.s32 $0x1100, s15;
	s30 =	sshra.s32 s6, $0x2;
	s6 =	sadd.s32 $0x10800, s2  }
0x5c: {  	[hbm4b:s18+s3] =	stream.linear.scatter [tilespmem:s6], [sflag:$0xB], $0x80, $0x38;
	[tilespmem:$0x14C00] =	vst v63  }
0x5d: {  	p2 =	sne.s32 s15, $0x7700;
	s15 =	sadd.s32 $0x10, s18;
	s6 =	sadd.s32 $0x10888, s2  }
0x5e: {  	[hbm4b:s15+s3] =	stream.linear.scatter [tilespmem:s6], [sflag:$0xB], $0x80, $0x38;
	[tilespmem:$0x14C00] =	vst v63  }
0x5f: {  	s6 =	sadd.s32 $0x10910, s2;
	s15 =	sadd.s32 $0x20, s18  }
0x60: {  	[hbm4b:s15+s3] =	stream.linear.scatter [tilespmem:s6], [sflag:$0xB], $0x80, $0x38;
	[tilespmem:$0x14C00] =	vst v63  }
0x61: {  	s6 =	sadd.s32 $0x10998, s2;
	s15 =	sadd.s32 $0x30, s18  }
0x62: {  	[hbm4b:s15+s3] =	stream.linear.scatter [tilespmem:s6], [sflag:$0xB], $0x80, $0x38;
	[tilespmem:$0x14C00] =	vst v63  }
0x63: {  	s6 =	sadd.s32 $0x10A20, s2;
	s15 =	sadd.s32 $0x40, s18  }
0x64: {  	[hbm4b:s15+s3] =	stream.linear.scatter [tilespmem:s6], [sflag:$0xB], $0x80, $0x38;
	[tilespmem:$0x14C00] =	vst v63  }
.Ltmp1:
0x65: {  	s6 =	sadd.s32 $0x10AA8, s2;
	s15 =	sadd.s32 $0x50, s18;
	(pc) =	sbr.rel @p2 .LBB2_5-.Ltmp1, $4  }
0x66: {  	[hbm4b:s15+s3] =	stream.linear.scatter [tilespmem:s6], [sflag:$0xB], $0x80, $0x38;
	[tilespmem:$0x14C00] =	vst v63  }
0x67: {  	s6 =	sadd.s32 $0x10B30, s2;
	s15 =	sadd.s32 $0x60, s18;
	s2 =	sadd.s32 $0x10BB8, s2  }
0x68: {  	[hbm4b:s15+s3] =	stream.linear.scatter [tilespmem:s6], [sflag:$0xB], $0x80, $0x38;
	[tilespmem:$0x14C00] =	vst v63  }
0x69: {  	s6 =	sadd.s32 $0x70, s18;
	s18 =	sadd.s32 $0x1000, s18;
	s15 =	smov.u32 s7  }
0x6a: {  	[hbm4b:s6+s3] =	stream.linear.scatter [tilespmem:s2], [sflag:$0xB], $0x80, $0x38;
	[tilespmem:$0x14C00] =	vst v63  }
0x6b: {  	s6 =	sadd.s32 $0x10800, s30  }
0x6c: {  	[hbm4b:s18+s3] =	stream.linear.scatter [tilespmem:s6], [sflag:$0xB], $0x80, $0x38;
	[tilespmem:$0x14C00] =	vst v63  }
0x6d: {  	s7 =	sadd.s32 $0x10888, s30;
	s15 =	sadd.s32 $0x10, s18  }
0x6e: {  	[hbm4b:s15+s3] =	stream.linear.scatter [tilespmem:s7], [sflag:$0xB], $0x80, $0x38;
	[tilespmem:$0x14C00] =	vst v63  }
0x6f: {  	s7 =	sadd.s32 $0x10910, s30;
	s15 =	sadd.s32 $0x20, s18  }
0x70: {  	[hbm4b:s15+s3] =	stream.linear.scatter [tilespmem:s7], [sflag:$0xB], $0x80, $0x38;
	[tilespmem:$0x14C00] =	vst v63  }
0x71: {  	s7 =	sadd.s32 $0x10998, s30;
	s15 =	sadd.s32 $0x30, s18  }
0x72: {  	[hbm4b:s15+s3] =	stream.linear.scatter [tilespmem:s7], [sflag:$0xB], $0x80, $0x38;
	[tilespmem:$0x14C00] =	vst v63  }
0x73: {  	s7 =	sadd.s32 $0x10A20, s30;
	s15 =	sadd.s32 $0x40, s18  }
0x74: {  	[hbm4b:s15+s3] =	stream.linear.scatter [tilespmem:s7], [sflag:$0xB], $0x80, $0x38;
	[tilespmem:$0x14C00] =	vst v63  }
0x75: {  	p2 =	sne.s32 s31, $0x18;
	s7 =	sadd.s32 $0x10AA8, s30;
	s15 =	sadd.s32 $0x50, s18  }
0x76: {  	[hbm4b:s15+s3] =	stream.linear.scatter [tilespmem:s7], [sflag:$0xB], $0x80, $0x38;
	[tilespmem:$0x14C00] =	vst v63  }
.Ltmp2:
0x77: {  	_ = 	snop;
	(pc) =	sbr.rel @p2 .LBB2_8-.Ltmp2, $4  }
0x78: {  	s6 =	sadd.s32 $0x10B30, s30;
	s7 =	sadd.s32 $0x60, s18  }
0x79: {  	[hbm4b:s7+s3] =	stream.linear.scatter [tilespmem:s6], [sflag:$0xB], $0x80, $0x38;
	[tilespmem:$0x14C00] =	vst v63  }
0x7a: {  	s15 =	sadd.s32 $0x10BB8, s30;
	s30 =	sadd.s32 $0x70, s18  }
0x7b: {  	[hbm4b:s30+s3] =	stream.linear.scatter [tilespmem:s15], [sflag:$0xB], $0x80, $0x38;
	[tilespmem:$0x14C00] =	vst v63  }
.Ltmp3:
0x7c: {  	(pc) =	sbr.rel .LBB2_9-.Ltmp3, $4  }
0x7d: {  	_ = 	snop  }
0x7e: {  	_ =	swait.ge [sflag:s19], $0x2000  }
0x7f: {  	[sflag:s19] =	ssyncset.done $0x0  }
0x80: {  	[sflag:s19] =	ssyncadd.s32 $0xFFFFE000  }
.LBB2_8:
0x81: {  	s2 =	sxor.u32 $0x1, s14  }
0x82: {  	s6 =	sadd.s32 $0x1, s2  }
0x83: {  	_ =	swait.ge [sflag:s6], $0x400  }
0x84: {  	s31 =	simm.s32 $0x80;
	s7 =	simm.s32 $0x800;
	[sflag:s6] =	ssyncset.done $0x0  }
.Ltmp4:
0x85: {  	s2 =	sshll.u32 s2, $0xA;
	[sflag:s6] =	ssyncadd.s32 $0xFFFFFC00;
	(pc) =	sbr.rel @p1 .LBB2_10-.Ltmp4, $4  }
0x86: {  	[tilespmem:s7], [sflag:$0x3] =	stream.indirect.gather [hbm4b:s4+s31], $0x40, s2, s31, $0xb8;
	[tilespmem:$0x14C00] =	vst v63  }
0x87: {  	_ =	swait.ge [sflag:s19], $0x2000  }
0x88: {  	[sflag:s19] =	ssyncset.done $0x0  }
0x89: {  	[sflag:s19] =	ssyncadd.s32 $0xFFFFE000  }
.LBB2_9:
0x8a: {  	_ =	swait.ge [sflag:s20], $0x2000  }
0x8b: {  	[sflag:s20] =	ssyncset.done $0x0  }
0x8c: {  	[sflag:s20] =	ssyncadd.s32 $0xFFFFE000  }
.LBB2_10:
0x8d: {  	s2 =	simm.s32 $0x0  }
0x8e: {  	v4 =	vmov s2  }
0x8f: {  	s18 =	simm.s32 $0x2830;
	v5 =	vand.u32 $0x7F, v4  }
0x90: {  	v6 =	vld [tilespmem:s18+$0xFFFFFFD0];
	v7 =	vadd.s32 v0, v5  }
0x91: {  	v8 =	vld [tilespmem:s18+$0xFFFFFFE0];
	v9 =	vadd.s32 v1, v5  }
0x92: {  	v10 =	vld [tilespmem:s18+$0xFFFFFFF0];
	v11 =	vadd.s32 v2, v5;
	_ =	sdelay $0x1  }
0x93: {  	v4 =	vld [tilespmem:s18+$0x0];
	v5 =	vadd.s32 v3, v5  }
0x94: {  	[tilespmem:v7+s21+$0x0] =	vst.idx.msk $0xffff, v6  }
0x95: {  	s31 =	simm.s32 $0x1;
	[tilespmem:v9+s21+$0x0] =	vst.idx.msk $0xffff, v8  }
0x96: {  	s30 =	simm.s32 $0x2;
	v6 =	vmov s31;
	[tilespmem:v11+s21+$0x0] =	vst.idx.msk $0xffff, v10  }
.LBB2_11:
0x97: {  	p1 =	sne.s32 s30, $0x7F  }
0x98: {  	v6 =	vand.u32 $0x7F, v6;
	[tilespmem:v5+s21+$0x0] =	vst.idx.msk $0xffff, v4;
	s18 =	sadd.s32 $0x40, s18;
	s2 =	smov.u32 s30;
	s30 =	sadd.s32 $0x1, s30  }
0x99: {  	v7 =	vld [tilespmem:s18+$0xFFFFFFD0];
	v8 =	vadd.s32 v0, v6  }
0x9a: {  	v10 =	vadd.s32 v1, v6;
	v9 =	vld [tilespmem:s18+$0xFFFFFFE0]  }
0x9b: {  	v12 =	vadd.s32 v2, v6;
	v11 =	vld [tilespmem:s18+$0xFFFFFFF0]  }
.Ltmp5:
0x9c: {  	v5 =	vadd.s32 v3, v6;
	v4 =	vld [tilespmem:s18+$0x0];
	(pc) =	sbr.rel @p1 .LBB2_11-.Ltmp5, $4  }
0x9d: {  	_ = 	snop  }
0x9e: {  	[tilespmem:v8+s21+$0x0] =	vst.idx.msk $0xffff, v7  }
0x9f: {  	[tilespmem:v10+s21+$0x0] =	vst.idx.msk $0xffff, v9  }
0xa0: {  	v6 =	vmov s2;
	[tilespmem:v12+s21+$0x0] =	vst.idx.msk $0xffff, v11  }
0xa1: {  	_ =	sdelay $0x3  }
0xa2: {  	v6 =	vand.u32 $0x7F, v6;
	[tilespmem:v5+s21+$0x0] =	vst.idx.msk $0xffff, v4;
	s2 =	sadd.s32 $0x40, s18  }
0xa3: {  	v4 =	vld [tilespmem:s2+$0xFFFFFFD0];
	v5 =	vadd.s32 v0, v6  }
0xa4: {  	v7 =	vld [tilespmem:s2+$0xFFFFFFE0];
	v8 =	vadd.s32 v1, v6  }
0xa5: {  	v9 =	vld [tilespmem:s2+$0xFFFFFFF0];
	v10 =	vadd.s32 v2, v6  }
0xa6: {  	v11 =	vld [tilespmem:s2+$0x0];
	v6 =	vadd.s32 v3, v6;
	_ =	sdelay $0x1  }
0xa7: {  	[tilespmem:v5+s21+$0x0] =	vst.idx.msk $0xffff, v4  }
0xa8: {  	[tilespmem:v8+s21+$0x0] =	vst.idx.msk $0xffff, v7  }
0xa9: {  	s31 =	rddreg [dreg:$0x4];
	[tilespmem:v10+s21+$0x0] =	vst.idx.msk $0xffff, v9  }
0xaa: {  	s6 =	simm.s32 $0x12A00;
	s7 =	sadd.s32 s1, s31;
	[tilespmem:v6+s21+$0x0] =	vst.idx.msk $0xffff, v11  }
0xab: {  	[hbm4b:s7+s3] =	stream.linear.scatter [tilespmem:s6], [sflag:$0xC], $0x80, $0x38;
	[tilespmem:$0x14C00] =	vst v63  }
0xac: {  	s15 =	simm.s32 $0x12A88;
	s6 =	sadd.s32 $0x10, s7  }
0xad: {  	[hbm4b:s6+s3] =	stream.linear.scatter [tilespmem:s15], [sflag:$0xC], $0x80, $0x38;
	[tilespmem:$0x14C00] =	vst v63  }
0xae: {  	s18 =	simm.s32 $0x12B10;
	s31 =	sadd.s32 $0x20, s7  }
0xaf: {  	[hbm4b:s31+s3] =	stream.linear.scatter [tilespmem:s18], [sflag:$0xC], $0x80, $0x38;
	[tilespmem:$0x14C00] =	vst v63  }
0xb0: {  	s6 =	simm.s32 $0x12B98;
	s15 =	sadd.s32 $0x30, s7  }
0xb1: {  	[hbm4b:s15+s3] =	stream.linear.scatter [tilespmem:s6], [sflag:$0xC], $0x80, $0x38;
	[tilespmem:$0x14C00] =	vst v63  }
0xb2: {  	s18 =	simm.s32 $0x12C20;
	s31 =	sadd.s32 $0x40, s7  }
0xb3: {  	[hbm4b:s31+s3] =	stream.linear.scatter [tilespmem:s18], [sflag:$0xC], $0x80, $0x38;
	[tilespmem:$0x14C00] =	vst v63  }
0xb4: {  	s2 =	simm.s32 $0x12DB8;
	s6 =	simm.s32 $0x12CA8;
	s15 =	sadd.s32 $0x50, s7  }
0xb5: {  	[hbm4b:s15+s3] =	stream.linear.scatter [tilespmem:s6], [sflag:$0xC], $0x80, $0x38;
	[tilespmem:$0x14C00] =	vst v63  }
0xb6: {  	s30 =	sadd.s32 $0x1000, s7;
	s18 =	simm.s32 $0x12D30;
	s31 =	sadd.s32 $0x60, s7  }
0xb7: {  	[hbm4b:s31+s3] =	stream.linear.scatter [tilespmem:s18], [sflag:$0xC], $0x80, $0x38;
	[tilespmem:$0x14C00] =	vst v63  }
0xb8: {  	s15 =	simm.s32 $0x2200;
	s6 =	sadd.s32 $0x70, s7;
	s18 =	simm.s32 $0x440  }
.LBB2_13:
0xb9: {  	[hbm4b:s6+s3] =	stream.linear.scatter [tilespmem:s2], [sflag:$0xC], $0x80, $0x38;
	[tilespmem:$0x14C00] =	vst v63  }
0xba: {  	s2 =	smov.u32 s18;
	s6 =	smov.u32 s15  }
0xbb: {  	s7 =	sadd.s32 $0x1100, s15;
	s18 =	sshra.s32 s6, $0x2;
	s6 =	sadd.s32 $0x12A00, s2  }
0xbc: {  	[hbm4b:s30+s3] =	stream.linear.scatter [tilespmem:s6], [sflag:$0xC], $0x80, $0x38;
	[tilespmem:$0x14C00] =	vst v63  }
0xbd: {  	p1 =	sne.s32 s15, $0x7700;
	s15 =	sadd.s32 $0x10, s30;
	s6 =	sadd.s32 $0x12A88, s2  }
0xbe: {  	[hbm4b:s15+s3] =	stream.linear.scatter [tilespmem:s6], [sflag:$0xC], $0x80, $0x38;
	[tilespmem:$0x14C00] =	vst v63  }
0xbf: {  	s6 =	sadd.s32 $0x12B10, s2;
	s15 =	sadd.s32 $0x20, s30  }
0xc0: {  	[hbm4b:s15+s3] =	stream.linear.scatter [tilespmem:s6], [sflag:$0xC], $0x80, $0x38;
	[tilespmem:$0x14C00] =	vst v63  }
0xc1: {  	s6 =	sadd.s32 $0x12B98, s2;
	s15 =	sadd.s32 $0x30, s30  }
0xc2: {  	[hbm4b:s15+s3] =	stream.linear.scatter [tilespmem:s6], [sflag:$0xC], $0x80, $0x38;
	[tilespmem:$0x14C00] =	vst v63  }
0xc3: {  	s6 =	sadd.s32 $0x12C20, s2;
	s15 =	sadd.s32 $0x40, s30  }
0xc4: {  	[hbm4b:s15+s3] =	stream.linear.scatter [tilespmem:s6], [sflag:$0xC], $0x80, $0x38;
	[tilespmem:$0x14C00] =	vst v63  }
.Ltmp6:
0xc5: {  	s6 =	sadd.s32 $0x12CA8, s2;
	s15 =	sadd.s32 $0x50, s30;
	(pc) =	sbr.rel @p1 .LBB2_13-.Ltmp6, $4  }
0xc6: {  	[hbm4b:s15+s3] =	stream.linear.scatter [tilespmem:s6], [sflag:$0xC], $0x80, $0x38;
	[tilespmem:$0x14C00] =	vst v63  }
0xc7: {  	s6 =	sadd.s32 $0x12D30, s2;
	s15 =	sadd.s32 $0x60, s30;
	s2 =	sadd.s32 $0x12DB8, s2  }
0xc8: {  	[hbm4b:s15+s3] =	stream.linear.scatter [tilespmem:s6], [sflag:$0xC], $0x80, $0x38;
	[tilespmem:$0x14C00] =	vst v63  }
0xc9: {  	s6 =	sadd.s32 $0x70, s30;
	s30 =	sadd.s32 $0x1000, s30;
	s15 =	smov.u32 s7  }
0xca: {  	[hbm4b:s6+s3] =	stream.linear.scatter [tilespmem:s2], [sflag:$0xC], $0x80, $0x38;
	[tilespmem:$0x14C00] =	vst v63  }
0xcb: {  	s31 =	sadd.s32 $0x12A00, s18  }
0xcc: {  	[hbm4b:s30+s3] =	stream.linear.scatter [tilespmem:s31], [sflag:$0xC], $0x80, $0x38;
	[tilespmem:$0x14C00] =	vst v63  }
0xcd: {  	s6 =	sadd.s32 $0x12A88, s18;
	s7 =	sadd.s32 $0x10, s30  }
0xce: {  	[hbm4b:s7+s3] =	stream.linear.scatter [tilespmem:s6], [sflag:$0xC], $0x80, $0x38;
	[tilespmem:$0x14C00] =	vst v63  }
0xcf: {  	s15 =	sadd.s32 $0x12B10, s18;
	s31 =	sadd.s32 $0x20, s30  }
0xd0: {  	[hbm4b:s31+s3] =	stream.linear.scatter [tilespmem:s15], [sflag:$0xC], $0x80, $0x38;
	[tilespmem:$0x14C00] =	vst v63  }
0xd1: {  	s6 =	sadd.s32 $0x12B98, s18;
	s7 =	sadd.s32 $0x30, s30  }
0xd2: {  	[hbm4b:s7+s3] =	stream.linear.scatter [tilespmem:s6], [sflag:$0xC], $0x80, $0x38;
	[tilespmem:$0x14C00] =	vst v63  }
0xd3: {  	s15 =	sadd.s32 $0x12C20, s18;
	s31 =	sadd.s32 $0x40, s30  }
0xd4: {  	[hbm4b:s31+s3] =	stream.linear.scatter [tilespmem:s15], [sflag:$0xC], $0x80, $0x38;
	[tilespmem:$0x14C00] =	vst v63  }
0xd5: {  	s6 =	sadd.s32 $0x12CA8, s18;
	s7 =	sadd.s32 $0x50, s30  }
0xd6: {  	[hbm4b:s7+s3] =	stream.linear.scatter [tilespmem:s6], [sflag:$0xC], $0x80, $0x38;
	[tilespmem:$0x14C00] =	vst v63  }
0xd7: {  	s15 =	sadd.s32 $0x12D30, s18;
	s31 =	sadd.s32 $0x60, s30  }
0xd8: {  	[hbm4b:s31+s3] =	stream.linear.scatter [tilespmem:s15], [sflag:$0xC], $0x80, $0x38;
	[tilespmem:$0x14C00] =	vst v63  }
0xd9: {  	s14 =	sshll.u32 @!p0 s14, $0xA;
	s7 =	sadd.s32 $0x12DB8, s18;
	s15 =	sadd.s32 $0x70, s30  }
0xda: {  	[hbm4b:s15+s3] =	stream.linear.scatter [tilespmem:s7], [sflag:$0xC], $0x80, $0x38;
	[tilespmem:$0x14C00] =	vst v63  }
0xdb: {  	s2 =	sxor.u32 @!p0 $0x480, s14;
	s6 =	simm.s32 @!p0 $0x80;
	s7 =	simm.s32 @!p0 $0x2800  }
0xdc: {  	[tilespmem:s7], [sflag:$0x4] =	stream.indirect.gather @!p0 [hbm4b:s4+s6], $0x40, s2, s6, $0xb8;
	[tilespmem:$0x14C00] =	vst v63  }
0xdd: {  	_ =	swait.ge [sflag:s22], $0x2000  }
0xde: {  	[sflag:s22] =	ssyncset.done $0x0  }
0xdf: {  	[sflag:s22] =	ssyncadd.s32 $0xFFFFE000  }
0xe0: {  	s18 =	simm.s32 $0x0;
	_ =	swait.ge [sflag:s23], $0x2000  }
0xe1: {  	v4 =	vmov s18;
	[sflag:s23] =	ssyncset.done $0x0  }
0xe2: {  	s18 =	simm.s32 $0x4800;
	v5 =	vand.u32 $0x7F, v4;
	[sflag:s23] =	ssyncadd.s32 $0xFFFFE000  }
0xe3: {  	v7 =	vadd.s32 v0, v5;
	v6 =	vld [tilespmem:s18+$0x0]  }
0xe4: {  	v9 =	vadd.s32 v1, v5;
	v8 =	vld [tilespmem:s18+$0x10]  }
0xe5: {  	v11 =	vadd.s32 v2, v5;
	v10 =	vld [tilespmem:s18+$0x20];
	_ =	sdelay $0x1  }
0xe6: {  	v5 =	vadd.s32 v3, v5;
	v4 =	vld [tilespmem:s18+$0x30]  }
0xe7: {  	[tilespmem:v7+s16+$0x0] =	vst.idx.msk $0xffff, v6  }
0xe8: {  	s31 =	simm.s32 $0x1;
	[tilespmem:v9+s16+$0x0] =	vst.idx.msk $0xffff, v8  }
0xe9: {  	s30 =	simm.s32 $0x2;
	v6 =	vmov s31;
	[tilespmem:v11+s16+$0x0] =	vst.idx.msk $0xffff, v10  }
.LBB2_15:
0xea: {  	p1 =	sne.s32 s30, $0x7F  }
0xeb: {  	v6 =	vand.u32 $0x7F, v6;
	[tilespmem:v5+s16+$0x0] =	vst.idx.msk $0xffff, v4;
	s18 =	sadd.s32 $0x40, s18;
	s2 =	smov.u32 s30;
	s30 =	sadd.s32 $0x1, s30  }
0xec: {  	v7 =	vld [tilespmem:s18+$0x0];
	v8 =	vadd.s32 v0, v6  }
0xed: {  	v10 =	vadd.s32 v1, v6;
	v9 =	vld [tilespmem:s18+$0x10]  }
0xee: {  	v12 =	vadd.s32 v2, v6;
	v11 =	vld [tilespmem:s18+$0x20]  }
.Ltmp7:
0xef: {  	v5 =	vadd.s32 v3, v6;
	v4 =	vld [tilespmem:s18+$0x30];
	(pc) =	sbr.rel @p1 .LBB2_15-.Ltmp7, $4  }
0xf0: {  	_ = 	snop  }
0xf1: {  	[tilespmem:v8+s16+$0x0] =	vst.idx.msk $0xffff, v7  }
0xf2: {  	[tilespmem:v10+s16+$0x0] =	vst.idx.msk $0xffff, v9  }
0xf3: {  	v6 =	vmov s2;
	[tilespmem:v12+s16+$0x0] =	vst.idx.msk $0xffff, v11  }
0xf4: {  	_ =	sdelay $0x3  }
0xf5: {  	v6 =	vand.u32 $0x7F, v6;
	[tilespmem:v5+s16+$0x0] =	vst.idx.msk $0xffff, v4;
	s2 =	sadd.s32 $0x40, s18  }
0xf6: {  	v4 =	vld [tilespmem:s2+$0x0];
	v5 =	vadd.s32 v0, v6  }
0xf7: {  	v7 =	vld [tilespmem:s2+$0x10];
	v8 =	vadd.s32 v1, v6  }
0xf8: {  	v9 =	vld [tilespmem:s2+$0x20];
	v10 =	vadd.s32 v2, v6  }
0xf9: {  	v11 =	vld [tilespmem:s2+$0x30];
	v6 =	vadd.s32 v3, v6;
	_ =	sdelay $0x1  }
0xfa: {  	[tilespmem:v5+s16+$0x0] =	vst.idx.msk $0xffff, v4  }
0xfb: {  	[tilespmem:v8+s16+$0x0] =	vst.idx.msk $0xffff, v7  }
0xfc: {  	[tilespmem:v10+s16+$0x0] =	vst.idx.msk $0xffff, v9  }
0xfd: {  	s7 =	sadd.s32 s1, s8;
	s6 =	simm.s32 $0x10800;
	[tilespmem:v6+s16+$0x0] =	vst.idx.msk $0xffff, v11  }
0xfe: {  	[hbm4b:s7+s3] =	stream.linear.scatter [tilespmem:s6], [sflag:$0xB], $0x80, $0x38;
	[tilespmem:$0x14C00] =	vst v63  }
0xff: {  	s15 =	simm.s32 $0x10888;
	s6 =	sadd.s32 $0x10, s7  }
0x100: {  	[hbm4b:s6+s3] =	stream.linear.scatter [tilespmem:s15], [sflag:$0xB], $0x80, $0x38;
	[tilespmem:$0x14C00] =	vst v63  }
0x101: {  	s18 =	simm.s32 $0x10910;
	s31 =	sadd.s32 $0x20, s7  }
0x102: {  	[hbm4b:s31+s3] =	stream.linear.scatter [tilespmem:s18], [sflag:$0xB], $0x80, $0x38;
	[tilespmem:$0x14C00] =	vst v63  }
0x103: {  	s6 =	simm.s32 $0x10998;
	s15 =	sadd.s32 $0x30, s7  }
0x104: {  	[hbm4b:s15+s3] =	stream.linear.scatter [tilespmem:s6], [sflag:$0xB], $0x80, $0x38;
	[tilespmem:$0x14C00] =	vst v63  }
0x105: {  	s18 =	simm.s32 $0x10A20;
	s31 =	sadd.s32 $0x40, s7  }
0x106: {  	[hbm4b:s31+s3] =	stream.linear.scatter [tilespmem:s18], [sflag:$0xB], $0x80, $0x38;
	[tilespmem:$0x14C00] =	vst v63  }
0x107: {  	s2 =	simm.s32 $0x10BB8;
	s6 =	simm.s32 $0x10AA8;
	s15 =	sadd.s32 $0x50, s7  }
0x108: {  	[hbm4b:s15+s3] =	stream.linear.scatter [tilespmem:s6], [sflag:$0xB], $0x80, $0x38;
	[tilespmem:$0x14C00] =	vst v63  }
0x109: {  	s30 =	sadd.s32 $0x1000, s7;
	s18 =	simm.s32 $0x10B30;
	s31 =	sadd.s32 $0x60, s7  }
0x10a: {  	[hbm4b:s31+s3] =	stream.linear.scatter [tilespmem:s18], [sflag:$0xB], $0x80, $0x38;
	[tilespmem:$0x14C00] =	vst v63  }
0x10b: {  	s15 =	simm.s32 $0x2200;
	s6 =	sadd.s32 $0x70, s7;
	s18 =	simm.s32 $0x440  }
.LBB2_17:
0x10c: {  	[hbm4b:s6+s3] =	stream.linear.scatter [tilespmem:s2], [sflag:$0xB], $0x80, $0x38;
	[tilespmem:$0x14C00] =	vst v63  }
0x10d: {  	s2 =	smov.u32 s18;
	s6 =	smov.u32 s15  }
0x10e: {  	s7 =	sadd.s32 $0x1100, s15;
	s18 =	sshra.s32 s6, $0x2;
	s6 =	sadd.s32 $0x10800, s2  }
0x10f: {  	[hbm4b:s30+s3] =	stream.linear.scatter [tilespmem:s6], [sflag:$0xB], $0x80, $0x38;
	[tilespmem:$0x14C00] =	vst v63  }
0x110: {  	p1 =	sne.s32 s15, $0x7700;
	s15 =	sadd.s32 $0x10, s30;
	s6 =	sadd.s32 $0x10888, s2  }
0x111: {  	[hbm4b:s15+s3] =	stream.linear.scatter [tilespmem:s6], [sflag:$0xB], $0x80, $0x38;
	[tilespmem:$0x14C00] =	vst v63  }
0x112: {  	s6 =	sadd.s32 $0x10910, s2;
	s15 =	sadd.s32 $0x20, s30  }
0x113: {  	[hbm4b:s15+s3] =	stream.linear.scatter [tilespmem:s6], [sflag:$0xB], $0x80, $0x38;
	[tilespmem:$0x14C00] =	vst v63  }
0x114: {  	s6 =	sadd.s32 $0x10998, s2;
	s15 =	sadd.s32 $0x30, s30  }
0x115: {  	[hbm4b:s15+s3] =	stream.linear.scatter [tilespmem:s6], [sflag:$0xB], $0x80, $0x38;
	[tilespmem:$0x14C00] =	vst v63  }
0x116: {  	s6 =	sadd.s32 $0x10A20, s2;
	s15 =	sadd.s32 $0x40, s30  }
0x117: {  	[hbm4b:s15+s3] =	stream.linear.scatter [tilespmem:s6], [sflag:$0xB], $0x80, $0x38;
	[tilespmem:$0x14C00] =	vst v63  }
.Ltmp8:
0x118: {  	s6 =	sadd.s32 $0x10AA8, s2;
	s15 =	sadd.s32 $0x50, s30;
	(pc) =	sbr.rel @p1 .LBB2_17-.Ltmp8, $4  }
0x119: {  	[hbm4b:s15+s3] =	stream.linear.scatter [tilespmem:s6], [sflag:$0xB], $0x80, $0x38;
	[tilespmem:$0x14C00] =	vst v63  }
0x11a: {  	s6 =	sadd.s32 $0x10B30, s2;
	s15 =	sadd.s32 $0x60, s30;
	s2 =	sadd.s32 $0x10BB8, s2  }
0x11b: {  	[hbm4b:s15+s3] =	stream.linear.scatter [tilespmem:s6], [sflag:$0xB], $0x80, $0x38;
	[tilespmem:$0x14C00] =	vst v63  }
0x11c: {  	s6 =	sadd.s32 $0x70, s30;
	s30 =	sadd.s32 $0x1000, s30;
	s15 =	smov.u32 s7  }
0x11d: {  	[hbm4b:s6+s3] =	stream.linear.scatter [tilespmem:s2], [sflag:$0xB], $0x80, $0x38;
	[tilespmem:$0x14C00] =	vst v63  }
0x11e: {  	s31 =	sadd.s32 $0x10800, s18  }
0x11f: {  	[hbm4b:s30+s3] =	stream.linear.scatter [tilespmem:s31], [sflag:$0xB], $0x80, $0x38;
	[tilespmem:$0x14C00] =	vst v63  }
0x120: {  	s6 =	sadd.s32 $0x10888, s18;
	s7 =	sadd.s32 $0x10, s30  }
0x121: {  	[hbm4b:s7+s3] =	stream.linear.scatter [tilespmem:s6], [sflag:$0xB], $0x80, $0x38;
	[tilespmem:$0x14C00] =	vst v63  }
0x122: {  	s15 =	sadd.s32 $0x10910, s18;
	s31 =	sadd.s32 $0x20, s30  }
0x123: {  	[hbm4b:s31+s3] =	stream.linear.scatter [tilespmem:s15], [sflag:$0xB], $0x80, $0x38;
	[tilespmem:$0x14C00] =	vst v63  }
0x124: {  	s6 =	sadd.s32 $0x10998, s18;
	s7 =	sadd.s32 $0x30, s30  }
0x125: {  	[hbm4b:s7+s3] =	stream.linear.scatter [tilespmem:s6], [sflag:$0xB], $0x80, $0x38;
	[tilespmem:$0x14C00] =	vst v63  }
0x126: {  	s15 =	sadd.s32 $0x10A20, s18;
	s31 =	sadd.s32 $0x40, s30  }
0x127: {  	[hbm4b:s31+s3] =	stream.linear.scatter [tilespmem:s15], [sflag:$0xB], $0x80, $0x38;
	[tilespmem:$0x14C00] =	vst v63  }
0x128: {  	s6 =	sadd.s32 $0x10AA8, s18;
	s7 =	sadd.s32 $0x50, s30  }
0x129: {  	[hbm4b:s7+s3] =	stream.linear.scatter [tilespmem:s6], [sflag:$0xB], $0x80, $0x38;
	[tilespmem:$0x14C00] =	vst v63  }
0x12a: {  	s15 =	sadd.s32 $0x10B30, s18;
	s31 =	sadd.s32 $0x60, s30  }
0x12b: {  	[hbm4b:s31+s3] =	stream.linear.scatter [tilespmem:s15], [sflag:$0xB], $0x80, $0x38;
	[tilespmem:$0x14C00] =	vst v63  }
0x12c: {  	s7 =	sadd.s32 $0x10BB8, s18;
	s15 =	sadd.s32 $0x70, s30  }
0x12d: {  	[hbm4b:s15+s3] =	stream.linear.scatter [tilespmem:s7], [sflag:$0xB], $0x80, $0x38;
	[tilespmem:$0x14C00] =	vst v63  }
0x12e: {  	s2 =	sxor.u32 @!p0 $0x500, s14;
	s6 =	simm.s32 @!p0 $0x80;
	s7 =	simm.s32 @!p0 $0x4800  }
0x12f: {  	[tilespmem:s7], [sflag:$0x5] =	stream.indirect.gather @!p0 [hbm4b:s4+s6], $0x40, s2, s6, $0xb8;
	[tilespmem:$0x14C00] =	vst v63  }
0x130: {  	_ =	swait.ge [sflag:s24], $0x2000  }
0x131: {  	[sflag:s24] =	ssyncset.done $0x0  }
0x132: {  	[sflag:s24] =	ssyncadd.s32 $0xFFFFE000  }
0x133: {  	s18 =	simm.s32 $0x0;
	_ =	swait.ge [sflag:s20], $0x2000  }
0x134: {  	v4 =	vmov s18;
	[sflag:s20] =	ssyncset.done $0x0  }
0x135: {  	s18 =	simm.s32 $0x6800;
	v5 =	vand.u32 $0x7F, v4;
	[sflag:s20] =	ssyncadd.s32 $0xFFFFE000  }
0x136: {  	v7 =	vadd.s32 v0, v5;
	v6 =	vld [tilespmem:s18+$0x0]  }
0x137: {  	v9 =	vadd.s32 v1, v5;
	v8 =	vld [tilespmem:s18+$0x10]  }
0x138: {  	v11 =	vadd.s32 v2, v5;
	v10 =	vld [tilespmem:s18+$0x20];
	_ =	sdelay $0x1  }
0x139: {  	v5 =	vadd.s32 v3, v5;
	v4 =	vld [tilespmem:s18+$0x30]  }
0x13a: {  	[tilespmem:v7+s21+$0x0] =	vst.idx.msk $0xffff, v6  }
0x13b: {  	s31 =	simm.s32 $0x1;
	[tilespmem:v9+s21+$0x0] =	vst.idx.msk $0xffff, v8  }
0x13c: {  	s30 =	simm.s32 $0x2;
	v6 =	vmov s31;
	[tilespmem:v11+s21+$0x0] =	vst.idx.msk $0xffff, v10  }
.LBB2_19:
0x13d: {  	p1 =	sne.s32 s30, $0x7F  }
0x13e: {  	v6 =	vand.u32 $0x7F, v6;
	[tilespmem:v5+s21+$0x0] =	vst.idx.msk $0xffff, v4;
	s18 =	sadd.s32 $0x40, s18;
	s2 =	smov.u32 s30;
	s30 =	sadd.s32 $0x1, s30  }
0x13f: {  	v7 =	vld [tilespmem:s18+$0x0];
	v8 =	vadd.s32 v0, v6  }
0x140: {  	v10 =	vadd.s32 v1, v6;
	v9 =	vld [tilespmem:s18+$0x10]  }
0x141: {  	v12 =	vadd.s32 v2, v6;
	v11 =	vld [tilespmem:s18+$0x20]  }
.Ltmp9:
0x142: {  	v5 =	vadd.s32 v3, v6;
	v4 =	vld [tilespmem:s18+$0x30];
	(pc) =	sbr.rel @p1 .LBB2_19-.Ltmp9, $4  }
0x143: {  	_ = 	snop  }
0x144: {  	[tilespmem:v8+s21+$0x0] =	vst.idx.msk $0xffff, v7  }
0x145: {  	[tilespmem:v10+s21+$0x0] =	vst.idx.msk $0xffff, v9  }
0x146: {  	v6 =	vmov s2;
	[tilespmem:v12+s21+$0x0] =	vst.idx.msk $0xffff, v11  }
0x147: {  	_ =	sdelay $0x3  }
0x148: {  	v6 =	vand.u32 $0x7F, v6;
	[tilespmem:v5+s21+$0x0] =	vst.idx.msk $0xffff, v4;
	s2 =	sadd.s32 $0x40, s18  }
0x149: {  	v4 =	vld [tilespmem:s2+$0x0];
	v5 =	vadd.s32 v0, v6  }
0x14a: {  	v7 =	vld [tilespmem:s2+$0x10];
	v8 =	vadd.s32 v1, v6  }
0x14b: {  	v9 =	vld [tilespmem:s2+$0x20];
	v10 =	vadd.s32 v2, v6  }
0x14c: {  	v11 =	vld [tilespmem:s2+$0x30];
	v6 =	vadd.s32 v3, v6;
	_ =	sdelay $0x1  }
0x14d: {  	[tilespmem:v5+s21+$0x0] =	vst.idx.msk $0xffff, v4  }
0x14e: {  	[tilespmem:v8+s21+$0x0] =	vst.idx.msk $0xffff, v7  }
0x14f: {  	[tilespmem:v10+s21+$0x0] =	vst.idx.msk $0xffff, v9  }
0x150: {  	s7 =	sadd.s32 s1, s9;
	s6 =	simm.s32 $0x12A00;
	[tilespmem:v6+s21+$0x0] =	vst.idx.msk $0xffff, v11  }
0x151: {  	[hbm4b:s7+s3] =	stream.linear.scatter [tilespmem:s6], [sflag:$0xC], $0x80, $0x38;
	[tilespmem:$0x14C00] =	vst v63  }
0x152: {  	s15 =	simm.s32 $0x12A88;
	s6 =	sadd.s32 $0x10, s7  }
0x153: {  	[hbm4b:s6+s3] =	stream.linear.scatter [tilespmem:s15], [sflag:$0xC], $0x80, $0x38;
	[tilespmem:$0x14C00] =	vst v63  }
0x154: {  	s18 =	simm.s32 $0x12B10;
	s31 =	sadd.s32 $0x20, s7  }
0x155: {  	[hbm4b:s31+s3] =	stream.linear.scatter [tilespmem:s18], [sflag:$0xC], $0x80, $0x38;
	[tilespmem:$0x14C00] =	vst v63  }
0x156: {  	s6 =	simm.s32 $0x12B98;
	s15 =	sadd.s32 $0x30, s7  }
0x157: {  	[hbm4b:s15+s3] =	stream.linear.scatter [tilespmem:s6], [sflag:$0xC], $0x80, $0x38;
	[tilespmem:$0x14C00] =	vst v63  }
0x158: {  	s18 =	simm.s32 $0x12C20;
	s31 =	sadd.s32 $0x40, s7  }
0x159: {  	[hbm4b:s31+s3] =	stream.linear.scatter [tilespmem:s18], [sflag:$0xC], $0x80, $0x38;
	[tilespmem:$0x14C00] =	vst v63  }
0x15a: {  	s2 =	simm.s32 $0x12DB8;
	s6 =	simm.s32 $0x12CA8;
	s15 =	sadd.s32 $0x50, s7  }
0x15b: {  	[hbm4b:s15+s3] =	stream.linear.scatter [tilespmem:s6], [sflag:$0xC], $0x80, $0x38;
	[tilespmem:$0x14C00] =	vst v63  }
0x15c: {  	s30 =	sadd.s32 $0x1000, s7;
	s18 =	simm.s32 $0x12D30;
	s31 =	sadd.s32 $0x60, s7  }
0x15d: {  	[hbm4b:s31+s3] =	stream.linear.scatter [tilespmem:s18], [sflag:$0xC], $0x80, $0x38;
	[tilespmem:$0x14C00] =	vst v63  }
0x15e: {  	s15 =	simm.s32 $0x2200;
	s6 =	sadd.s32 $0x70, s7;
	s18 =	simm.s32 $0x440  }
.LBB2_21:
0x15f: {  	[hbm4b:s6+s3] =	stream.linear.scatter [tilespmem:s2], [sflag:$0xC], $0x80, $0x38;
	[tilespmem:$0x14C00] =	vst v63  }
0x160: {  	s2 =	smov.u32 s18;
	s6 =	smov.u32 s15  }
0x161: {  	s7 =	sadd.s32 $0x1100, s15;
	s18 =	sshra.s32 s6, $0x2;
	s6 =	sadd.s32 $0x12A00, s2  }
0x162: {  	[hbm4b:s30+s3] =	stream.linear.scatter [tilespmem:s6], [sflag:$0xC], $0x80, $0x38;
	[tilespmem:$0x14C00] =	vst v63  }
0x163: {  	p1 =	sne.s32 s15, $0x7700;
	s15 =	sadd.s32 $0x10, s30;
	s6 =	sadd.s32 $0x12A88, s2  }
0x164: {  	[hbm4b:s15+s3] =	stream.linear.scatter [tilespmem:s6], [sflag:$0xC], $0x80, $0x38;
	[tilespmem:$0x14C00] =	vst v63  }
0x165: {  	s6 =	sadd.s32 $0x12B10, s2;
	s15 =	sadd.s32 $0x20, s30  }
0x166: {  	[hbm4b:s15+s3] =	stream.linear.scatter [tilespmem:s6], [sflag:$0xC], $0x80, $0x38;
	[tilespmem:$0x14C00] =	vst v63  }
0x167: {  	s6 =	sadd.s32 $0x12B98, s2;
	s15 =	sadd.s32 $0x30, s30  }
0x168: {  	[hbm4b:s15+s3] =	stream.linear.scatter [tilespmem:s6], [sflag:$0xC], $0x80, $0x38;
	[tilespmem:$0x14C00] =	vst v63  }
0x169: {  	s6 =	sadd.s32 $0x12C20, s2;
	s15 =	sadd.s32 $0x40, s30  }
0x16a: {  	[hbm4b:s15+s3] =	stream.linear.scatter [tilespmem:s6], [sflag:$0xC], $0x80, $0x38;
	[tilespmem:$0x14C00] =	vst v63  }
.Ltmp10:
0x16b: {  	s6 =	sadd.s32 $0x12CA8, s2;
	s15 =	sadd.s32 $0x50, s30;
	(pc) =	sbr.rel @p1 .LBB2_21-.Ltmp10, $4  }
0x16c: {  	[hbm4b:s15+s3] =	stream.linear.scatter [tilespmem:s6], [sflag:$0xC], $0x80, $0x38;
	[tilespmem:$0x14C00] =	vst v63  }
0x16d: {  	s6 =	sadd.s32 $0x12D30, s2;
	s15 =	sadd.s32 $0x60, s30;
	s2 =	sadd.s32 $0x12DB8, s2  }
0x16e: {  	[hbm4b:s15+s3] =	stream.linear.scatter [tilespmem:s6], [sflag:$0xC], $0x80, $0x38;
	[tilespmem:$0x14C00] =	vst v63  }
0x16f: {  	s6 =	sadd.s32 $0x70, s30;
	s30 =	sadd.s32 $0x1000, s30;
	s15 =	smov.u32 s7  }
0x170: {  	[hbm4b:s6+s3] =	stream.linear.scatter [tilespmem:s2], [sflag:$0xC], $0x80, $0x38;
	[tilespmem:$0x14C00] =	vst v63  }
0x171: {  	s31 =	sadd.s32 $0x12A00, s18  }
0x172: {  	[hbm4b:s30+s3] =	stream.linear.scatter [tilespmem:s31], [sflag:$0xC], $0x80, $0x38;
	[tilespmem:$0x14C00] =	vst v63  }
0x173: {  	s6 =	sadd.s32 $0x12A88, s18;
	s7 =	sadd.s32 $0x10, s30  }
0x174: {  	[hbm4b:s7+s3] =	stream.linear.scatter [tilespmem:s6], [sflag:$0xC], $0x80, $0x38;
	[tilespmem:$0x14C00] =	vst v63  }
0x175: {  	s15 =	sadd.s32 $0x12B10, s18;
	s31 =	sadd.s32 $0x20, s30  }
0x176: {  	[hbm4b:s31+s3] =	stream.linear.scatter [tilespmem:s15], [sflag:$0xC], $0x80, $0x38;
	[tilespmem:$0x14C00] =	vst v63  }
0x177: {  	s6 =	sadd.s32 $0x12B98, s18;
	s7 =	sadd.s32 $0x30, s30  }
0x178: {  	[hbm4b:s7+s3] =	stream.linear.scatter [tilespmem:s6], [sflag:$0xC], $0x80, $0x38;
	[tilespmem:$0x14C00] =	vst v63  }
0x179: {  	s15 =	sadd.s32 $0x12C20, s18;
	s31 =	sadd.s32 $0x40, s30  }
0x17a: {  	[hbm4b:s31+s3] =	stream.linear.scatter [tilespmem:s15], [sflag:$0xC], $0x80, $0x38;
	[tilespmem:$0x14C00] =	vst v63  }
0x17b: {  	s6 =	sadd.s32 $0x12CA8, s18;
	s7 =	sadd.s32 $0x50, s30  }
0x17c: {  	[hbm4b:s7+s3] =	stream.linear.scatter [tilespmem:s6], [sflag:$0xC], $0x80, $0x38;
	[tilespmem:$0x14C00] =	vst v63  }
0x17d: {  	s15 =	sadd.s32 $0x12D30, s18;
	s31 =	sadd.s32 $0x60, s30  }
0x17e: {  	[hbm4b:s31+s3] =	stream.linear.scatter [tilespmem:s15], [sflag:$0xC], $0x80, $0x38;
	[tilespmem:$0x14C00] =	vst v63  }
0x17f: {  	s7 =	sadd.s32 $0x12DB8, s18;
	s15 =	sadd.s32 $0x70, s30  }
0x180: {  	[hbm4b:s15+s3] =	stream.linear.scatter [tilespmem:s7], [sflag:$0xC], $0x80, $0x38;
	[tilespmem:$0x14C00] =	vst v63  }
0x181: {  	s2 =	sxor.u32 @!p0 $0x580, s14;
	s6 =	simm.s32 @!p0 $0x80;
	s7 =	simm.s32 @!p0 $0x6800  }
0x182: {  	[tilespmem:s7], [sflag:$0x6] =	stream.indirect.gather @!p0 [hbm4b:s4+s6], $0x40, s2, s6, $0xb8;
	[tilespmem:$0x14C00] =	vst v63  }
0x183: {  	_ =	swait.ge [sflag:s25], $0x2000  }
0x184: {  	[sflag:s25] =	ssyncset.done $0x0  }
0x185: {  	[sflag:s25] =	ssyncadd.s32 $0xFFFFE000  }
0x186: {  	s18 =	simm.s32 $0x0;
	_ =	swait.ge [sflag:s23], $0x2000  }
0x187: {  	v4 =	vmov s18;
	[sflag:s23] =	ssyncset.done $0x0  }
0x188: {  	s18 =	simm.s32 $0x8800;
	v5 =	vand.u32 $0x7F, v4;
	[sflag:s23] =	ssyncadd.s32 $0xFFFFE000  }
0x189: {  	v7 =	vadd.s32 v0, v5;
	v6 =	vld [tilespmem:s18+$0x0]  }
0x18a: {  	v9 =	vadd.s32 v1, v5;
	v8 =	vld [tilespmem:s18+$0x10]  }
0x18b: {  	v11 =	vadd.s32 v2, v5;
	v10 =	vld [tilespmem:s18+$0x20];
	_ =	sdelay $0x1  }
0x18c: {  	v5 =	vadd.s32 v3, v5;
	v4 =	vld [tilespmem:s18+$0x30]  }
0x18d: {  	[tilespmem:v7+s16+$0x0] =	vst.idx.msk $0xffff, v6  }
0x18e: {  	s31 =	simm.s32 $0x1;
	[tilespmem:v9+s16+$0x0] =	vst.idx.msk $0xffff, v8  }
0x18f: {  	s30 =	simm.s32 $0x2;
	v6 =	vmov s31;
	[tilespmem:v11+s16+$0x0] =	vst.idx.msk $0xffff, v10  }
.LBB2_23:
0x190: {  	p1 =	sne.s32 s30, $0x7F  }
0x191: {  	v6 =	vand.u32 $0x7F, v6;
	[tilespmem:v5+s16+$0x0] =	vst.idx.msk $0xffff, v4;
	s18 =	sadd.s32 $0x40, s18;
	s2 =	smov.u32 s30;
	s30 =	sadd.s32 $0x1, s30  }
0x192: {  	v7 =	vld [tilespmem:s18+$0x0];
	v8 =	vadd.s32 v0, v6  }
0x193: {  	v10 =	vadd.s32 v1, v6;
	v9 =	vld [tilespmem:s18+$0x10]  }
0x194: {  	v12 =	vadd.s32 v2, v6;
	v11 =	vld [tilespmem:s18+$0x20]  }
.Ltmp11:
0x195: {  	v5 =	vadd.s32 v3, v6;
	v4 =	vld [tilespmem:s18+$0x30];
	(pc) =	sbr.rel @p1 .LBB2_23-.Ltmp11, $4  }
0x196: {  	_ = 	snop  }
0x197: {  	[tilespmem:v8+s16+$0x0] =	vst.idx.msk $0xffff, v7  }
0x198: {  	[tilespmem:v10+s16+$0x0] =	vst.idx.msk $0xffff, v9  }
0x199: {  	v6 =	vmov s2;
	[tilespmem:v12+s16+$0x0] =	vst.idx.msk $0xffff, v11  }
0x19a: {  	_ =	sdelay $0x3  }
0x19b: {  	v6 =	vand.u32 $0x7F, v6;
	[tilespmem:v5+s16+$0x0] =	vst.idx.msk $0xffff, v4;
	s2 =	sadd.s32 $0x40, s18  }
0x19c: {  	v4 =	vld [tilespmem:s2+$0x0];
	v5 =	vadd.s32 v0, v6  }
0x19d: {  	v7 =	vld [tilespmem:s2+$0x10];
	v8 =	vadd.s32 v1, v6  }
0x19e: {  	v9 =	vld [tilespmem:s2+$0x20];
	v10 =	vadd.s32 v2, v6  }
0x19f: {  	v11 =	vld [tilespmem:s2+$0x30];
	v6 =	vadd.s32 v3, v6;
	_ =	sdelay $0x1  }
0x1a0: {  	[tilespmem:v5+s16+$0x0] =	vst.idx.msk $0xffff, v4  }
0x1a1: {  	[tilespmem:v8+s16+$0x0] =	vst.idx.msk $0xffff, v7  }
0x1a2: {  	[tilespmem:v10+s16+$0x0] =	vst.idx.msk $0xffff, v9  }
0x1a3: {  	s7 =	sadd.s32 s1, s10;
	s6 =	simm.s32 $0x10800;
	[tilespmem:v6+s16+$0x0] =	vst.idx.msk $0xffff, v11  }
0x1a4: {  	[hbm4b:s7+s3] =	stream.linear.scatter [tilespmem:s6], [sflag:$0xB], $0x80, $0x38;
	[tilespmem:$0x14C00] =	vst v63  }
0x1a5: {  	s15 =	simm.s32 $0x10888;
	s6 =	sadd.s32 $0x10, s7  }
0x1a6: {  	[hbm4b:s6+s3] =	stream.linear.scatter [tilespmem:s15], [sflag:$0xB], $0x80, $0x38;
	[tilespmem:$0x14C00] =	vst v63  }
0x1a7: {  	s18 =	simm.s32 $0x10910;
	s31 =	sadd.s32 $0x20, s7  }
0x1a8: {  	[hbm4b:s31+s3] =	stream.linear.scatter [tilespmem:s18], [sflag:$0xB], $0x80, $0x38;
	[tilespmem:$0x14C00] =	vst v63  }
0x1a9: {  	s6 =	simm.s32 $0x10998;
	s15 =	sadd.s32 $0x30, s7  }
0x1aa: {  	[hbm4b:s15+s3] =	stream.linear.scatter [tilespmem:s6], [sflag:$0xB], $0x80, $0x38;
	[tilespmem:$0x14C00] =	vst v63  }
0x1ab: {  	s18 =	simm.s32 $0x10A20;
	s31 =	sadd.s32 $0x40, s7  }
0x1ac: {  	[hbm4b:s31+s3] =	stream.linear.scatter [tilespmem:s18], [sflag:$0xB], $0x80, $0x38;
	[tilespmem:$0x14C00] =	vst v63  }
0x1ad: {  	s2 =	simm.s32 $0x10BB8;
	s6 =	simm.s32 $0x10AA8;
	s15 =	sadd.s32 $0x50, s7  }
0x1ae: {  	[hbm4b:s15+s3] =	stream.linear.scatter [tilespmem:s6], [sflag:$0xB], $0x80, $0x38;
	[tilespmem:$0x14C00] =	vst v63  }
0x1af: {  	s30 =	sadd.s32 $0x1000, s7;
	s18 =	simm.s32 $0x10B30;
	s31 =	sadd.s32 $0x60, s7  }
0x1b0: {  	[hbm4b:s31+s3] =	stream.linear.scatter [tilespmem:s18], [sflag:$0xB], $0x80, $0x38;
	[tilespmem:$0x14C00] =	vst v63  }
0x1b1: {  	s15 =	simm.s32 $0x2200;
	s6 =	sadd.s32 $0x70, s7;
	s18 =	simm.s32 $0x440  }
.LBB2_25:
0x1b2: {  	[hbm4b:s6+s3] =	stream.linear.scatter [tilespmem:s2], [sflag:$0xB], $0x80, $0x38;
	[tilespmem:$0x14C00] =	vst v63  }
0x1b3: {  	s2 =	smov.u32 s18;
	s6 =	smov.u32 s15  }
0x1b4: {  	s7 =	sadd.s32 $0x1100, s15;
	s18 =	sshra.s32 s6, $0x2;
	s6 =	sadd.s32 $0x10800, s2  }
0x1b5: {  	[hbm4b:s30+s3] =	stream.linear.scatter [tilespmem:s6], [sflag:$0xB], $0x80, $0x38;
	[tilespmem:$0x14C00] =	vst v63  }
0x1b6: {  	p1 =	sne.s32 s15, $0x7700;
	s15 =	sadd.s32 $0x10, s30;
	s6 =	sadd.s32 $0x10888, s2  }
0x1b7: {  	[hbm4b:s15+s3] =	stream.linear.scatter [tilespmem:s6], [sflag:$0xB], $0x80, $0x38;
	[tilespmem:$0x14C00] =	vst v63  }
0x1b8: {  	s6 =	sadd.s32 $0x10910, s2;
	s15 =	sadd.s32 $0x20, s30  }
0x1b9: {  	[hbm4b:s15+s3] =	stream.linear.scatter [tilespmem:s6], [sflag:$0xB], $0x80, $0x38;
	[tilespmem:$0x14C00] =	vst v63  }
0x1ba: {  	s6 =	sadd.s32 $0x10998, s2;
	s15 =	sadd.s32 $0x30, s30  }
0x1bb: {  	[hbm4b:s15+s3] =	stream.linear.scatter [tilespmem:s6], [sflag:$0xB], $0x80, $0x38;
	[tilespmem:$0x14C00] =	vst v63  }
0x1bc: {  	s6 =	sadd.s32 $0x10A20, s2;
	s15 =	sadd.s32 $0x40, s30  }
0x1bd: {  	[hbm4b:s15+s3] =	stream.linear.scatter [tilespmem:s6], [sflag:$0xB], $0x80, $0x38;
	[tilespmem:$0x14C00] =	vst v63  }
.Ltmp12:
0x1be: {  	s6 =	sadd.s32 $0x10AA8, s2;
	s15 =	sadd.s32 $0x50, s30;
	(pc) =	sbr.rel @p1 .LBB2_25-.Ltmp12, $4  }
0x1bf: {  	[hbm4b:s15+s3] =	stream.linear.scatter [tilespmem:s6], [sflag:$0xB], $0x80, $0x38;
	[tilespmem:$0x14C00] =	vst v63  }
0x1c0: {  	s6 =	sadd.s32 $0x10B30, s2;
	s15 =	sadd.s32 $0x60, s30;
	s2 =	sadd.s32 $0x10BB8, s2  }
0x1c1: {  	[hbm4b:s15+s3] =	stream.linear.scatter [tilespmem:s6], [sflag:$0xB], $0x80, $0x38;
	[tilespmem:$0x14C00] =	vst v63  }
0x1c2: {  	s6 =	sadd.s32 $0x70, s30;
	s30 =	sadd.s32 $0x1000, s30;
	s15 =	smov.u32 s7  }
0x1c3: {  	[hbm4b:s6+s3] =	stream.linear.scatter [tilespmem:s2], [sflag:$0xB], $0x80, $0x38;
	[tilespmem:$0x14C00] =	vst v63  }
0x1c4: {  	s31 =	sadd.s32 $0x10800, s18  }
0x1c5: {  	[hbm4b:s30+s3] =	stream.linear.scatter [tilespmem:s31], [sflag:$0xB], $0x80, $0x38;
	[tilespmem:$0x14C00] =	vst v63  }
0x1c6: {  	s6 =	sadd.s32 $0x10888, s18;
	s7 =	sadd.s32 $0x10, s30  }
0x1c7: {  	[hbm4b:s7+s3] =	stream.linear.scatter [tilespmem:s6], [sflag:$0xB], $0x80, $0x38;
	[tilespmem:$0x14C00] =	vst v63  }
0x1c8: {  	s15 =	sadd.s32 $0x10910, s18;
	s31 =	sadd.s32 $0x20, s30  }
0x1c9: {  	[hbm4b:s31+s3] =	stream.linear.scatter [tilespmem:s15], [sflag:$0xB], $0x80, $0x38;
	[tilespmem:$0x14C00] =	vst v63  }
0x1ca: {  	s6 =	sadd.s32 $0x10998, s18;
	s7 =	sadd.s32 $0x30, s30  }
0x1cb: {  	[hbm4b:s7+s3] =	stream.linear.scatter [tilespmem:s6], [sflag:$0xB], $0x80, $0x38;
	[tilespmem:$0x14C00] =	vst v63  }
0x1cc: {  	s15 =	sadd.s32 $0x10A20, s18;
	s31 =	sadd.s32 $0x40, s30  }
0x1cd: {  	[hbm4b:s31+s3] =	stream.linear.scatter [tilespmem:s15], [sflag:$0xB], $0x80, $0x38;
	[tilespmem:$0x14C00] =	vst v63  }
0x1ce: {  	s6 =	sadd.s32 $0x10AA8, s18;
	s7 =	sadd.s32 $0x50, s30  }
0x1cf: {  	[hbm4b:s7+s3] =	stream.linear.scatter [tilespmem:s6], [sflag:$0xB], $0x80, $0x38;
	[tilespmem:$0x14C00] =	vst v63  }
0x1d0: {  	s15 =	sadd.s32 $0x10B30, s18;
	s31 =	sadd.s32 $0x60, s30  }
0x1d1: {  	[hbm4b:s31+s3] =	stream.linear.scatter [tilespmem:s15], [sflag:$0xB], $0x80, $0x38;
	[tilespmem:$0x14C00] =	vst v63  }
0x1d2: {  	s7 =	sadd.s32 $0x10BB8, s18;
	s15 =	sadd.s32 $0x70, s30  }
0x1d3: {  	[hbm4b:s15+s3] =	stream.linear.scatter [tilespmem:s7], [sflag:$0xB], $0x80, $0x38;
	[tilespmem:$0x14C00] =	vst v63  }
0x1d4: {  	s2 =	sxor.u32 @!p0 $0x600, s14;
	s6 =	simm.s32 @!p0 $0x80;
	s7 =	simm.s32 @!p0 $0x8800  }
0x1d5: {  	[tilespmem:s7], [sflag:$0x7] =	stream.indirect.gather @!p0 [hbm4b:s4+s6], $0x40, s2, s6, $0xb8;
	[tilespmem:$0x14C00] =	vst v63  }
0x1d6: {  	_ =	swait.ge [sflag:s26], $0x2000  }
0x1d7: {  	[sflag:s26] =	ssyncset.done $0x0  }
0x1d8: {  	[sflag:s26] =	ssyncadd.s32 $0xFFFFE000  }
0x1d9: {  	s18 =	simm.s32 $0x0;
	_ =	swait.ge [sflag:s20], $0x2000  }
0x1da: {  	v4 =	vmov s18;
	[sflag:s20] =	ssyncset.done $0x0  }
0x1db: {  	s18 =	simm.s32 $0xA800;
	v5 =	vand.u32 $0x7F, v4;
	[sflag:s20] =	ssyncadd.s32 $0xFFFFE000  }
0x1dc: {  	v7 =	vadd.s32 v0, v5;
	v6 =	vld [tilespmem:s18+$0x0]  }
0x1dd: {  	v9 =	vadd.s32 v1, v5;
	v8 =	vld [tilespmem:s18+$0x10]  }
0x1de: {  	v11 =	vadd.s32 v2, v5;
	v10 =	vld [tilespmem:s18+$0x20];
	_ =	sdelay $0x1  }
0x1df: {  	v5 =	vadd.s32 v3, v5;
	v4 =	vld [tilespmem:s18+$0x30]  }
0x1e0: {  	[tilespmem:v7+s21+$0x0] =	vst.idx.msk $0xffff, v6  }
0x1e1: {  	s31 =	simm.s32 $0x1;
	[tilespmem:v9+s21+$0x0] =	vst.idx.msk $0xffff, v8  }
0x1e2: {  	s30 =	simm.s32 $0x2;
	v6 =	vmov s31;
	[tilespmem:v11+s21+$0x0] =	vst.idx.msk $0xffff, v10  }
.LBB2_27:
0x1e3: {  	p1 =	sne.s32 s30, $0x7F  }
0x1e4: {  	v6 =	vand.u32 $0x7F, v6;
	[tilespmem:v5+s21+$0x0] =	vst.idx.msk $0xffff, v4;
	s18 =	sadd.s32 $0x40, s18;
	s2 =	smov.u32 s30;
	s30 =	sadd.s32 $0x1, s30  }
0x1e5: {  	v7 =	vld [tilespmem:s18+$0x0];
	v8 =	vadd.s32 v0, v6  }
0x1e6: {  	v10 =	vadd.s32 v1, v6;
	v9 =	vld [tilespmem:s18+$0x10]  }
0x1e7: {  	v12 =	vadd.s32 v2, v6;
	v11 =	vld [tilespmem:s18+$0x20]  }
.Ltmp13:
0x1e8: {  	v5 =	vadd.s32 v3, v6;
	v4 =	vld [tilespmem:s18+$0x30];
	(pc) =	sbr.rel @p1 .LBB2_27-.Ltmp13, $4  }
0x1e9: {  	_ = 	snop  }
0x1ea: {  	[tilespmem:v8+s21+$0x0] =	vst.idx.msk $0xffff, v7  }
0x1eb: {  	[tilespmem:v10+s21+$0x0] =	vst.idx.msk $0xffff, v9  }
0x1ec: {  	v6 =	vmov s2;
	[tilespmem:v12+s21+$0x0] =	vst.idx.msk $0xffff, v11  }
0x1ed: {  	_ =	sdelay $0x3  }
0x1ee: {  	v6 =	vand.u32 $0x7F, v6;
	[tilespmem:v5+s21+$0x0] =	vst.idx.msk $0xffff, v4;
	s2 =	sadd.s32 $0x40, s18  }
0x1ef: {  	v4 =	vld [tilespmem:s2+$0x0];
	v5 =	vadd.s32 v0, v6  }
0x1f0: {  	v7 =	vld [tilespmem:s2+$0x10];
	v8 =	vadd.s32 v1, v6  }
0x1f1: {  	v9 =	vld [tilespmem:s2+$0x20];
	v10 =	vadd.s32 v2, v6  }
0x1f2: {  	v11 =	vld [tilespmem:s2+$0x30];
	v6 =	vadd.s32 v3, v6;
	_ =	sdelay $0x1  }
0x1f3: {  	[tilespmem:v5+s21+$0x0] =	vst.idx.msk $0xffff, v4  }
0x1f4: {  	[tilespmem:v8+s21+$0x0] =	vst.idx.msk $0xffff, v7  }
0x1f5: {  	[tilespmem:v10+s21+$0x0] =	vst.idx.msk $0xffff, v9  }
0x1f6: {  	s7 =	sadd.s32 s1, s11;
	s6 =	simm.s32 $0x12A00;
	[tilespmem:v6+s21+$0x0] =	vst.idx.msk $0xffff, v11  }
0x1f7: {  	[hbm4b:s7+s3] =	stream.linear.scatter [tilespmem:s6], [sflag:$0xC], $0x80, $0x38;
	[tilespmem:$0x14C00] =	vst v63  }
0x1f8: {  	s15 =	simm.s32 $0x12A88;
	s6 =	sadd.s32 $0x10, s7  }
0x1f9: {  	[hbm4b:s6+s3] =	stream.linear.scatter [tilespmem:s15], [sflag:$0xC], $0x80, $0x38;
	[tilespmem:$0x14C00] =	vst v63  }
0x1fa: {  	s18 =	simm.s32 $0x12B10;
	s31 =	sadd.s32 $0x20, s7  }
0x1fb: {  	[hbm4b:s31+s3] =	stream.linear.scatter [tilespmem:s18], [sflag:$0xC], $0x80, $0x38;
	[tilespmem:$0x14C00] =	vst v63  }
0x1fc: {  	s6 =	simm.s32 $0x12B98;
	s15 =	sadd.s32 $0x30, s7  }
0x1fd: {  	[hbm4b:s15+s3] =	stream.linear.scatter [tilespmem:s6], [sflag:$0xC], $0x80, $0x38;
	[tilespmem:$0x14C00] =	vst v63  }
0x1fe: {  	s18 =	simm.s32 $0x12C20;
	s31 =	sadd.s32 $0x40, s7  }
0x1ff: {  	[hbm4b:s31+s3] =	stream.linear.scatter [tilespmem:s18], [sflag:$0xC], $0x80, $0x38;
	[tilespmem:$0x14C00] =	vst v63  }
0x200: {  	s2 =	simm.s32 $0x12DB8;
	s6 =	simm.s32 $0x12CA8;
	s15 =	sadd.s32 $0x50, s7  }
0x201: {  	[hbm4b:s15+s3] =	stream.linear.scatter [tilespmem:s6], [sflag:$0xC], $0x80, $0x38;
	[tilespmem:$0x14C00] =	vst v63  }
0x202: {  	s30 =	sadd.s32 $0x1000, s7;
	s18 =	simm.s32 $0x12D30;
	s31 =	sadd.s32 $0x60, s7  }
0x203: {  	[hbm4b:s31+s3] =	stream.linear.scatter [tilespmem:s18], [sflag:$0xC], $0x80, $0x38;
	[tilespmem:$0x14C00] =	vst v63  }
0x204: {  	s15 =	simm.s32 $0x2200;
	s6 =	sadd.s32 $0x70, s7;
	s18 =	simm.s32 $0x440  }
.LBB2_29:
0x205: {  	[hbm4b:s6+s3] =	stream.linear.scatter [tilespmem:s2], [sflag:$0xC], $0x80, $0x38;
	[tilespmem:$0x14C00] =	vst v63  }
0x206: {  	s2 =	smov.u32 s18;
	s6 =	smov.u32 s15  }
0x207: {  	s7 =	sadd.s32 $0x1100, s15;
	s18 =	sshra.s32 s6, $0x2;
	s6 =	sadd.s32 $0x12A00, s2  }
0x208: {  	[hbm4b:s30+s3] =	stream.linear.scatter [tilespmem:s6], [sflag:$0xC], $0x80, $0x38;
	[tilespmem:$0x14C00] =	vst v63  }
0x209: {  	p1 =	sne.s32 s15, $0x7700;
	s15 =	sadd.s32 $0x10, s30;
	s6 =	sadd.s32 $0x12A88, s2  }
0x20a: {  	[hbm4b:s15+s3] =	stream.linear.scatter [tilespmem:s6], [sflag:$0xC], $0x80, $0x38;
	[tilespmem:$0x14C00] =	vst v63  }
0x20b: {  	s6 =	sadd.s32 $0x12B10, s2;
	s15 =	sadd.s32 $0x20, s30  }
0x20c: {  	[hbm4b:s15+s3] =	stream.linear.scatter [tilespmem:s6], [sflag:$0xC], $0x80, $0x38;
	[tilespmem:$0x14C00] =	vst v63  }
0x20d: {  	s6 =	sadd.s32 $0x12B98, s2;
	s15 =	sadd.s32 $0x30, s30  }
0x20e: {  	[hbm4b:s15+s3] =	stream.linear.scatter [tilespmem:s6], [sflag:$0xC], $0x80, $0x38;
	[tilespmem:$0x14C00] =	vst v63  }
0x20f: {  	s6 =	sadd.s32 $0x12C20, s2;
	s15 =	sadd.s32 $0x40, s30  }
0x210: {  	[hbm4b:s15+s3] =	stream.linear.scatter [tilespmem:s6], [sflag:$0xC], $0x80, $0x38;
	[tilespmem:$0x14C00] =	vst v63  }
.Ltmp14:
0x211: {  	s6 =	sadd.s32 $0x12CA8, s2;
	s15 =	sadd.s32 $0x50, s30;
	(pc) =	sbr.rel @p1 .LBB2_29-.Ltmp14, $4  }
0x212: {  	[hbm4b:s15+s3] =	stream.linear.scatter [tilespmem:s6], [sflag:$0xC], $0x80, $0x38;
	[tilespmem:$0x14C00] =	vst v63  }
0x213: {  	s6 =	sadd.s32 $0x12D30, s2;
	s15 =	sadd.s32 $0x60, s30;
	s2 =	sadd.s32 $0x12DB8, s2  }
0x214: {  	[hbm4b:s15+s3] =	stream.linear.scatter [tilespmem:s6], [sflag:$0xC], $0x80, $0x38;
	[tilespmem:$0x14C00] =	vst v63  }
0x215: {  	s6 =	sadd.s32 $0x70, s30;
	s30 =	sadd.s32 $0x1000, s30;
	s15 =	smov.u32 s7  }
0x216: {  	[hbm4b:s6+s3] =	stream.linear.scatter [tilespmem:s2], [sflag:$0xC], $0x80, $0x38;
	[tilespmem:$0x14C00] =	vst v63  }
0x217: {  	s31 =	sadd.s32 $0x12A00, s18  }
0x218: {  	[hbm4b:s30+s3] =	stream.linear.scatter [tilespmem:s31], [sflag:$0xC], $0x80, $0x38;
	[tilespmem:$0x14C00] =	vst v63  }
0x219: {  	s6 =	sadd.s32 $0x12A88, s18;
	s7 =	sadd.s32 $0x10, s30  }
0x21a: {  	[hbm4b:s7+s3] =	stream.linear.scatter [tilespmem:s6], [sflag:$0xC], $0x80, $0x38;
	[tilespmem:$0x14C00] =	vst v63  }
0x21b: {  	s15 =	sadd.s32 $0x12B10, s18;
	s31 =	sadd.s32 $0x20, s30  }
0x21c: {  	[hbm4b:s31+s3] =	stream.linear.scatter [tilespmem:s15], [sflag:$0xC], $0x80, $0x38;
	[tilespmem:$0x14C00] =	vst v63  }
0x21d: {  	s6 =	sadd.s32 $0x12B98, s18;
	s7 =	sadd.s32 $0x30, s30  }
0x21e: {  	[hbm4b:s7+s3] =	stream.linear.scatter [tilespmem:s6], [sflag:$0xC], $0x80, $0x38;
	[tilespmem:$0x14C00] =	vst v63  }
0x21f: {  	s15 =	sadd.s32 $0x12C20, s18;
	s31 =	sadd.s32 $0x40, s30  }
0x220: {  	[hbm4b:s31+s3] =	stream.linear.scatter [tilespmem:s15], [sflag:$0xC], $0x80, $0x38;
	[tilespmem:$0x14C00] =	vst v63  }
0x221: {  	s6 =	sadd.s32 $0x12CA8, s18;
	s7 =	sadd.s32 $0x50, s30  }
0x222: {  	[hbm4b:s7+s3] =	stream.linear.scatter [tilespmem:s6], [sflag:$0xC], $0x80, $0x38;
	[tilespmem:$0x14C00] =	vst v63  }
0x223: {  	s15 =	sadd.s32 $0x12D30, s18;
	s31 =	sadd.s32 $0x60, s30  }
0x224: {  	[hbm4b:s31+s3] =	stream.linear.scatter [tilespmem:s15], [sflag:$0xC], $0x80, $0x38;
	[tilespmem:$0x14C00] =	vst v63  }
0x225: {  	s7 =	sadd.s32 $0x12DB8, s18;
	s15 =	sadd.s32 $0x70, s30  }
0x226: {  	[hbm4b:s15+s3] =	stream.linear.scatter [tilespmem:s7], [sflag:$0xC], $0x80, $0x38;
	[tilespmem:$0x14C00] =	vst v63  }
0x227: {  	s2 =	sxor.u32 @!p0 $0x680, s14;
	s6 =	simm.s32 @!p0 $0x80;
	s7 =	simm.s32 @!p0 $0xA800  }
0x228: {  	[tilespmem:s7], [sflag:$0x8] =	stream.indirect.gather @!p0 [hbm4b:s4+s6], $0x40, s2, s6, $0xb8;
	[tilespmem:$0x14C00] =	vst v63  }
0x229: {  	_ =	swait.ge [sflag:s28], $0x2000  }
0x22a: {  	[sflag:s28] =	ssyncset.done $0x0  }
0x22b: {  	[sflag:s28] =	ssyncadd.s32 $0xFFFFE000  }
0x22c: {  	s18 =	simm.s32 $0x0;
	_ =	swait.ge [sflag:s23], $0x2000  }
0x22d: {  	v4 =	vmov s18;
	[sflag:s23] =	ssyncset.done $0x0  }
0x22e: {  	s18 =	simm.s32 $0xC800;
	v5 =	vand.u32 $0x7F, v4;
	[sflag:s23] =	ssyncadd.s32 $0xFFFFE000  }
0x22f: {  	v7 =	vadd.s32 v0, v5;
	v6 =	vld [tilespmem:s18+$0x0]  }
0x230: {  	v9 =	vadd.s32 v1, v5;
	v8 =	vld [tilespmem:s18+$0x10]  }
0x231: {  	v11 =	vadd.s32 v2, v5;
	v10 =	vld [tilespmem:s18+$0x20];
	_ =	sdelay $0x1  }
0x232: {  	v5 =	vadd.s32 v3, v5;
	v4 =	vld [tilespmem:s18+$0x30]  }
0x233: {  	[tilespmem:v7+s16+$0x0] =	vst.idx.msk $0xffff, v6  }
0x234: {  	s31 =	simm.s32 $0x1;
	[tilespmem:v9+s16+$0x0] =	vst.idx.msk $0xffff, v8  }
0x235: {  	s30 =	simm.s32 $0x2;
	v6 =	vmov s31;
	[tilespmem:v11+s16+$0x0] =	vst.idx.msk $0xffff, v10  }
.LBB2_31:
0x236: {  	p1 =	sne.s32 s30, $0x7F  }
0x237: {  	v6 =	vand.u32 $0x7F, v6;
	[tilespmem:v5+s16+$0x0] =	vst.idx.msk $0xffff, v4;
	s18 =	sadd.s32 $0x40, s18;
	s2 =	smov.u32 s30;
	s30 =	sadd.s32 $0x1, s30  }
0x238: {  	v7 =	vld [tilespmem:s18+$0x0];
	v8 =	vadd.s32 v0, v6  }
0x239: {  	v10 =	vadd.s32 v1, v6;
	v9 =	vld [tilespmem:s18+$0x10]  }
0x23a: {  	v12 =	vadd.s32 v2, v6;
	v11 =	vld [tilespmem:s18+$0x20]  }
.Ltmp15:
0x23b: {  	v5 =	vadd.s32 v3, v6;
	v4 =	vld [tilespmem:s18+$0x30];
	(pc) =	sbr.rel @p1 .LBB2_31-.Ltmp15, $4  }
0x23c: {  	_ = 	snop  }
0x23d: {  	[tilespmem:v8+s16+$0x0] =	vst.idx.msk $0xffff, v7  }
0x23e: {  	[tilespmem:v10+s16+$0x0] =	vst.idx.msk $0xffff, v9  }
0x23f: {  	v6 =	vmov s2;
	[tilespmem:v12+s16+$0x0] =	vst.idx.msk $0xffff, v11  }
0x240: {  	_ =	sdelay $0x3  }
0x241: {  	v6 =	vand.u32 $0x7F, v6;
	[tilespmem:v5+s16+$0x0] =	vst.idx.msk $0xffff, v4;
	s2 =	sadd.s32 $0x40, s18  }
0x242: {  	v4 =	vld [tilespmem:s2+$0x0];
	v5 =	vadd.s32 v0, v6  }
0x243: {  	v7 =	vld [tilespmem:s2+$0x10];
	v8 =	vadd.s32 v1, v6  }
0x244: {  	v9 =	vld [tilespmem:s2+$0x20];
	v10 =	vadd.s32 v2, v6  }
0x245: {  	v11 =	vld [tilespmem:s2+$0x30];
	v6 =	vadd.s32 v3, v6;
	_ =	sdelay $0x1  }
0x246: {  	[tilespmem:v5+s16+$0x0] =	vst.idx.msk $0xffff, v4  }
0x247: {  	[tilespmem:v8+s16+$0x0] =	vst.idx.msk $0xffff, v7  }
0x248: {  	[tilespmem:v10+s16+$0x0] =	vst.idx.msk $0xffff, v9  }
0x249: {  	s7 =	sadd.s32 s1, s12;
	s6 =	simm.s32 $0x10800;
	[tilespmem:v6+s16+$0x0] =	vst.idx.msk $0xffff, v11  }
0x24a: {  	[hbm4b:s7+s3] =	stream.linear.scatter [tilespmem:s6], [sflag:$0xB], $0x80, $0x38;
	[tilespmem:$0x14C00] =	vst v63  }
0x24b: {  	s15 =	simm.s32 $0x10888;
	s6 =	sadd.s32 $0x10, s7  }
0x24c: {  	[hbm4b:s6+s3] =	stream.linear.scatter [tilespmem:s15], [sflag:$0xB], $0x80, $0x38;
	[tilespmem:$0x14C00] =	vst v63  }
0x24d: {  	s18 =	simm.s32 $0x10910;
	s31 =	sadd.s32 $0x20, s7  }
0x24e: {  	[hbm4b:s31+s3] =	stream.linear.scatter [tilespmem:s18], [sflag:$0xB], $0x80, $0x38;
	[tilespmem:$0x14C00] =	vst v63  }
0x24f: {  	s6 =	simm.s32 $0x10998;
	s15 =	sadd.s32 $0x30, s7  }
0x250: {  	[hbm4b:s15+s3] =	stream.linear.scatter [tilespmem:s6], [sflag:$0xB], $0x80, $0x38;
	[tilespmem:$0x14C00] =	vst v63  }
0x251: {  	s18 =	simm.s32 $0x10A20;
	s31 =	sadd.s32 $0x40, s7  }
0x252: {  	[hbm4b:s31+s3] =	stream.linear.scatter [tilespmem:s18], [sflag:$0xB], $0x80, $0x38;
	[tilespmem:$0x14C00] =	vst v63  }
0x253: {  	s2 =	simm.s32 $0x10BB8;
	s6 =	simm.s32 $0x10AA8;
	s15 =	sadd.s32 $0x50, s7  }
0x254: {  	[hbm4b:s15+s3] =	stream.linear.scatter [tilespmem:s6], [sflag:$0xB], $0x80, $0x38;
	[tilespmem:$0x14C00] =	vst v63  }
0x255: {  	s30 =	sadd.s32 $0x1000, s7;
	s18 =	simm.s32 $0x10B30;
	s31 =	sadd.s32 $0x60, s7  }
0x256: {  	[hbm4b:s31+s3] =	stream.linear.scatter [tilespmem:s18], [sflag:$0xB], $0x80, $0x38;
	[tilespmem:$0x14C00] =	vst v63  }
0x257: {  	s15 =	simm.s32 $0x2200;
	s6 =	sadd.s32 $0x70, s7;
	s18 =	simm.s32 $0x440  }
.LBB2_33:
0x258: {  	[hbm4b:s6+s3] =	stream.linear.scatter [tilespmem:s2], [sflag:$0xB], $0x80, $0x38;
	[tilespmem:$0x14C00] =	vst v63  }
0x259: {  	s2 =	smov.u32 s18;
	s6 =	smov.u32 s15  }
0x25a: {  	s7 =	sadd.s32 $0x1100, s15;
	s18 =	sshra.s32 s6, $0x2;
	s6 =	sadd.s32 $0x10800, s2  }
0x25b: {  	[hbm4b:s30+s3] =	stream.linear.scatter [tilespmem:s6], [sflag:$0xB], $0x80, $0x38;
	[tilespmem:$0x14C00] =	vst v63  }
0x25c: {  	p1 =	sne.s32 s15, $0x7700;
	s15 =	sadd.s32 $0x10, s30;
	s6 =	sadd.s32 $0x10888, s2  }
0x25d: {  	[hbm4b:s15+s3] =	stream.linear.scatter [tilespmem:s6], [sflag:$0xB], $0x80, $0x38;
	[tilespmem:$0x14C00] =	vst v63  }
0x25e: {  	s6 =	sadd.s32 $0x10910, s2;
	s15 =	sadd.s32 $0x20, s30  }
0x25f: {  	[hbm4b:s15+s3] =	stream.linear.scatter [tilespmem:s6], [sflag:$0xB], $0x80, $0x38;
	[tilespmem:$0x14C00] =	vst v63  }
0x260: {  	s6 =	sadd.s32 $0x10998, s2;
	s15 =	sadd.s32 $0x30, s30  }
0x261: {  	[hbm4b:s15+s3] =	stream.linear.scatter [tilespmem:s6], [sflag:$0xB], $0x80, $0x38;
	[tilespmem:$0x14C00] =	vst v63  }
0x262: {  	s6 =	sadd.s32 $0x10A20, s2;
	s15 =	sadd.s32 $0x40, s30  }
0x263: {  	[hbm4b:s15+s3] =	stream.linear.scatter [tilespmem:s6], [sflag:$0xB], $0x80, $0x38;
	[tilespmem:$0x14C00] =	vst v63  }
.Ltmp16:
0x264: {  	s6 =	sadd.s32 $0x10AA8, s2;
	s15 =	sadd.s32 $0x50, s30;
	(pc) =	sbr.rel @p1 .LBB2_33-.Ltmp16, $4  }
0x265: {  	[hbm4b:s15+s3] =	stream.linear.scatter [tilespmem:s6], [sflag:$0xB], $0x80, $0x38;
	[tilespmem:$0x14C00] =	vst v63  }
0x266: {  	s6 =	sadd.s32 $0x10B30, s2;
	s15 =	sadd.s32 $0x60, s30;
	s2 =	sadd.s32 $0x10BB8, s2  }
0x267: {  	[hbm4b:s15+s3] =	stream.linear.scatter [tilespmem:s6], [sflag:$0xB], $0x80, $0x38;
	[tilespmem:$0x14C00] =	vst v63  }
0x268: {  	s6 =	sadd.s32 $0x70, s30;
	s30 =	sadd.s32 $0x1000, s30;
	s15 =	smov.u32 s7  }
0x269: {  	[hbm4b:s6+s3] =	stream.linear.scatter [tilespmem:s2], [sflag:$0xB], $0x80, $0x38;
	[tilespmem:$0x14C00] =	vst v63  }
0x26a: {  	s31 =	sadd.s32 $0x10800, s18  }
0x26b: {  	[hbm4b:s30+s3] =	stream.linear.scatter [tilespmem:s31], [sflag:$0xB], $0x80, $0x38;
	[tilespmem:$0x14C00] =	vst v63  }
0x26c: {  	s6 =	sadd.s32 $0x10888, s18;
	s7 =	sadd.s32 $0x10, s30  }
0x26d: {  	[hbm4b:s7+s3] =	stream.linear.scatter [tilespmem:s6], [sflag:$0xB], $0x80, $0x38;
	[tilespmem:$0x14C00] =	vst v63  }
0x26e: {  	s15 =	sadd.s32 $0x10910, s18;
	s31 =	sadd.s32 $0x20, s30  }
0x26f: {  	[hbm4b:s31+s3] =	stream.linear.scatter [tilespmem:s15], [sflag:$0xB], $0x80, $0x38;
	[tilespmem:$0x14C00] =	vst v63  }
0x270: {  	s6 =	sadd.s32 $0x10998, s18;
	s7 =	sadd.s32 $0x30, s30  }
0x271: {  	[hbm4b:s7+s3] =	stream.linear.scatter [tilespmem:s6], [sflag:$0xB], $0x80, $0x38;
	[tilespmem:$0x14C00] =	vst v63  }
0x272: {  	s15 =	sadd.s32 $0x10A20, s18;
	s31 =	sadd.s32 $0x40, s30  }
0x273: {  	[hbm4b:s31+s3] =	stream.linear.scatter [tilespmem:s15], [sflag:$0xB], $0x80, $0x38;
	[tilespmem:$0x14C00] =	vst v63  }
0x274: {  	s6 =	sadd.s32 $0x10AA8, s18;
	s7 =	sadd.s32 $0x50, s30  }
0x275: {  	[hbm4b:s7+s3] =	stream.linear.scatter [tilespmem:s6], [sflag:$0xB], $0x80, $0x38;
	[tilespmem:$0x14C00] =	vst v63  }
0x276: {  	s15 =	sadd.s32 $0x10B30, s18;
	s31 =	sadd.s32 $0x60, s30  }
0x277: {  	[hbm4b:s31+s3] =	stream.linear.scatter [tilespmem:s15], [sflag:$0xB], $0x80, $0x38;
	[tilespmem:$0x14C00] =	vst v63  }
0x278: {  	s7 =	sadd.s32 $0x10BB8, s18;
	s15 =	sadd.s32 $0x70, s30  }
0x279: {  	[hbm4b:s15+s3] =	stream.linear.scatter [tilespmem:s7], [sflag:$0xB], $0x80, $0x38;
	[tilespmem:$0x14C00] =	vst v63  }
0x27a: {  	s2 =	sxor.u32 @!p0 $0x700, s14;
	s6 =	simm.s32 @!p0 $0x80;
	s7 =	simm.s32 @!p0 $0xC800  }
0x27b: {  	[tilespmem:s7], [sflag:$0x9] =	stream.indirect.gather @!p0 [hbm4b:s4+s6], $0x40, s2, s6, $0xb8;
	[tilespmem:$0x14C00] =	vst v63  }
0x27c: {  	_ =	swait.ge [sflag:s29], $0x2000  }
0x27d: {  	[sflag:s29] =	ssyncset.done $0x0  }
0x27e: {  	[sflag:s29] =	ssyncadd.s32 $0xFFFFE000  }
0x27f: {  	s18 =	simm.s32 $0x0;
	_ =	swait.ge [sflag:s20], $0x2000  }
0x280: {  	v4 =	vmov s18;
	[sflag:s20] =	ssyncset.done $0x0  }
0x281: {  	s18 =	simm.s32 $0xE800;
	v5 =	vand.u32 $0x7F, v4;
	[sflag:s20] =	ssyncadd.s32 $0xFFFFE000  }
0x282: {  	v7 =	vadd.s32 v0, v5;
	v6 =	vld [tilespmem:s18+$0x0]  }
0x283: {  	v9 =	vadd.s32 v1, v5;
	v8 =	vld [tilespmem:s18+$0x10]  }
0x284: {  	v11 =	vadd.s32 v2, v5;
	v10 =	vld [tilespmem:s18+$0x20];
	_ =	sdelay $0x1  }
0x285: {  	v5 =	vadd.s32 v3, v5;
	v4 =	vld [tilespmem:s18+$0x30]  }
0x286: {  	[tilespmem:v7+s21+$0x0] =	vst.idx.msk $0xffff, v6  }
0x287: {  	s31 =	simm.s32 $0x1;
	[tilespmem:v9+s21+$0x0] =	vst.idx.msk $0xffff, v8  }
0x288: {  	s30 =	simm.s32 $0x2;
	v6 =	vmov s31;
	[tilespmem:v11+s21+$0x0] =	vst.idx.msk $0xffff, v10  }
.LBB2_35:
0x289: {  	p1 =	sne.s32 s30, $0x7F  }
0x28a: {  	v6 =	vand.u32 $0x7F, v6;
	[tilespmem:v5+s21+$0x0] =	vst.idx.msk $0xffff, v4;
	s18 =	sadd.s32 $0x40, s18;
	s2 =	smov.u32 s30;
	s30 =	sadd.s32 $0x1, s30  }
0x28b: {  	v7 =	vld [tilespmem:s18+$0x0];
	v8 =	vadd.s32 v0, v6  }
0x28c: {  	v10 =	vadd.s32 v1, v6;
	v9 =	vld [tilespmem:s18+$0x10]  }
0x28d: {  	v12 =	vadd.s32 v2, v6;
	v11 =	vld [tilespmem:s18+$0x20]  }
.Ltmp17:
0x28e: {  	v5 =	vadd.s32 v3, v6;
	v4 =	vld [tilespmem:s18+$0x30];
	(pc) =	sbr.rel @p1 .LBB2_35-.Ltmp17, $4  }
0x28f: {  	_ = 	snop  }
0x290: {  	[tilespmem:v8+s21+$0x0] =	vst.idx.msk $0xffff, v7  }
0x291: {  	[tilespmem:v10+s21+$0x0] =	vst.idx.msk $0xffff, v9  }
0x292: {  	v6 =	vmov s2;
	[tilespmem:v12+s21+$0x0] =	vst.idx.msk $0xffff, v11  }
0x293: {  	_ =	sdelay $0x3  }
0x294: {  	v6 =	vand.u32 $0x7F, v6;
	[tilespmem:v5+s21+$0x0] =	vst.idx.msk $0xffff, v4;
	s2 =	sadd.s32 $0x40, s18  }
0x295: {  	v4 =	vld [tilespmem:s2+$0x0];
	v5 =	vadd.s32 v0, v6  }
0x296: {  	v7 =	vld [tilespmem:s2+$0x10];
	v8 =	vadd.s32 v1, v6  }
0x297: {  	v9 =	vld [tilespmem:s2+$0x20];
	v10 =	vadd.s32 v2, v6  }
0x298: {  	v11 =	vld [tilespmem:s2+$0x30];
	v6 =	vadd.s32 v3, v6;
	_ =	sdelay $0x1  }
0x299: {  	[tilespmem:v5+s21+$0x0] =	vst.idx.msk $0xffff, v4  }
0x29a: {  	[tilespmem:v8+s21+$0x0] =	vst.idx.msk $0xffff, v7  }
0x29b: {  	[tilespmem:v10+s21+$0x0] =	vst.idx.msk $0xffff, v9  }
0x29c: {  	s7 =	sadd.s32 s1, s13;
	s31 =	simm.s32 $0x12A00;
	[tilespmem:v6+s21+$0x0] =	vst.idx.msk $0xffff, v11  }
0x29d: {  	[hbm4b:s7+s3] =	stream.linear.scatter [tilespmem:s31], [sflag:$0xC], $0x80, $0x38;
	[tilespmem:$0x14C00] =	vst v63  }
0x29e: {  	s2 =	simm.s32 $0x12A88;
	s6 =	sadd.s32 $0x10, s7  }
0x29f: {  	[hbm4b:s6+s3] =	stream.linear.scatter [tilespmem:s2], [sflag:$0xC], $0x80, $0x38;
	[tilespmem:$0x14C00] =	vst v63  }
0x2a0: {  	s15 =	simm.s32 $0x12B10;
	s30 =	simm.s32 $0x12B98;
	s18 =	sadd.s32 $0x20, s7  }
0x2a1: {  	[hbm4b:s18+s3] =	stream.linear.scatter [tilespmem:s15], [sflag:$0xC], $0x80, $0x38;
	[tilespmem:$0x14C00] =	vst v63  }
0x2a2: {  	s1 =	simm.s32 $0x440;
	s31 =	sadd.s32 $0x30, s7;
	s2 =	simm.s32 $0x12C20  }
0x2a3: {  	[hbm4b:s31+s3] =	stream.linear.scatter [tilespmem:s30], [sflag:$0xC], $0x80, $0x38;
	[tilespmem:$0x14C00] =	vst v63  }
0x2a4: {  	s6 =	sadd.s32 $0x40, s7;
	s15 =	simm.s32 $0x12CA8;
	s18 =	sadd.s32 $0x50, s7  }
0x2a5: {  	[hbm4b:s6+s3] =	stream.linear.scatter [tilespmem:s2], [sflag:$0xC], $0x80, $0x38;
	[tilespmem:$0x14C00] =	vst v63  }
0x2a6: {  	s30 =	simm.s32 $0x12D30;
	s31 =	sadd.s32 $0x60, s7;
	s2 =	simm.s32 $0x12DB8  }
0x2a7: {  	[hbm4b:s18+s3] =	stream.linear.scatter [tilespmem:s15], [sflag:$0xC], $0x80, $0x38;
	[tilespmem:$0x14C00] =	vst v63  }
0x2a8: {  	s6 =	sadd.s32 $0x70, s7;
	s15 =	simm.s32 $0x2200;
	s18 =	sadd.s32 $0x1000, s7  }
0x2a9: {  	[hbm4b:s31+s3] =	stream.linear.scatter [tilespmem:s30], [sflag:$0xC], $0x80, $0x38;
	[tilespmem:$0x14C00] =	vst v63  }
.LBB2_37:
0x2aa: {  	[hbm4b:s6+s3] =	stream.linear.scatter [tilespmem:s2], [sflag:$0xC], $0x80, $0x38;
	[tilespmem:$0x14C00] =	vst v63  }
0x2ab: {  	s2 =	smov.u32 s1;
	s1 =	smov.u32 s15  }
0x2ac: {  	s7 =	sadd.s32 $0x1100, s15;
	s1 =	sshra.s32 s1, $0x2;
	s6 =	sadd.s32 $0x12A00, s2  }
0x2ad: {  	[hbm4b:s18+s3] =	stream.linear.scatter [tilespmem:s6], [sflag:$0xC], $0x80, $0x38;
	[tilespmem:$0x14C00] =	vst v63  }
0x2ae: {  	p1 =	sne.s32 s15, $0x7700;
	s15 =	sadd.s32 $0x10, s18;
	s6 =	sadd.s32 $0x12A88, s2  }
0x2af: {  	[hbm4b:s15+s3] =	stream.linear.scatter [tilespmem:s6], [sflag:$0xC], $0x80, $0x38;
	[tilespmem:$0x14C00] =	vst v63  }
0x2b0: {  	s6 =	sadd.s32 $0x12B10, s2;
	s15 =	sadd.s32 $0x20, s18  }
0x2b1: {  	[hbm4b:s15+s3] =	stream.linear.scatter [tilespmem:s6], [sflag:$0xC], $0x80, $0x38;
	[tilespmem:$0x14C00] =	vst v63  }
0x2b2: {  	s6 =	sadd.s32 $0x12B98, s2;
	s15 =	sadd.s32 $0x30, s18  }
0x2b3: {  	[hbm4b:s15+s3] =	stream.linear.scatter [tilespmem:s6], [sflag:$0xC], $0x80, $0x38;
	[tilespmem:$0x14C00] =	vst v63  }
0x2b4: {  	s6 =	sadd.s32 $0x12C20, s2;
	s15 =	sadd.s32 $0x40, s18  }
0x2b5: {  	[hbm4b:s15+s3] =	stream.linear.scatter [tilespmem:s6], [sflag:$0xC], $0x80, $0x38;
	[tilespmem:$0x14C00] =	vst v63  }
.Ltmp18:
0x2b6: {  	s6 =	sadd.s32 $0x12CA8, s2;
	s15 =	sadd.s32 $0x50, s18;
	(pc) =	sbr.rel @p1 .LBB2_37-.Ltmp18, $4  }
0x2b7: {  	[hbm4b:s15+s3] =	stream.linear.scatter [tilespmem:s6], [sflag:$0xC], $0x80, $0x38;
	[tilespmem:$0x14C00] =	vst v63  }
0x2b8: {  	s6 =	sadd.s32 $0x12D30, s2;
	s15 =	sadd.s32 $0x60, s18;
	s2 =	sadd.s32 $0x12DB8, s2  }
0x2b9: {  	[hbm4b:s15+s3] =	stream.linear.scatter [tilespmem:s6], [sflag:$0xC], $0x80, $0x38;
	[tilespmem:$0x14C00] =	vst v63  }
0x2ba: {  	s6 =	sadd.s32 $0x70, s18;
	s18 =	sadd.s32 $0x1000, s18;
	s15 =	smov.u32 s7  }
0x2bb: {  	[hbm4b:s6+s3] =	stream.linear.scatter [tilespmem:s2], [sflag:$0xC], $0x80, $0x38;
	[tilespmem:$0x14C00] =	vst v63  }
0x2bc: {  	s7 =	sadd.s32 $0x12A00, s1  }
0x2bd: {  	[hbm4b:s18+s3] =	stream.linear.scatter [tilespmem:s7], [sflag:$0xC], $0x80, $0x38;
	[tilespmem:$0x14C00] =	vst v63  }
0x2be: {  	s15 =	sadd.s32 $0x12A88, s1;
	s30 =	sadd.s32 $0x10, s18  }
0x2bf: {  	[hbm4b:s30+s3] =	stream.linear.scatter [tilespmem:s15], [sflag:$0xC], $0x80, $0x38;
	[tilespmem:$0x14C00] =	vst v63  }
0x2c0: {  	s6 =	sadd.s32 $0x12B10, s1;
	s7 =	sadd.s32 $0x20, s18  }
0x2c1: {  	[hbm4b:s7+s3] =	stream.linear.scatter [tilespmem:s6], [sflag:$0xC], $0x80, $0x38;
	[tilespmem:$0x14C00] =	vst v63  }
0x2c2: {  	s15 =	sadd.s32 $0x12B98, s1;
	s30 =	sadd.s32 $0x30, s18  }
0x2c3: {  	[hbm4b:s30+s3] =	stream.linear.scatter [tilespmem:s15], [sflag:$0xC], $0x80, $0x38;
	[tilespmem:$0x14C00] =	vst v63  }
0x2c4: {  	s6 =	sadd.s32 $0x12C20, s1;
	s7 =	sadd.s32 $0x40, s18  }
0x2c5: {  	[hbm4b:s7+s3] =	stream.linear.scatter [tilespmem:s6], [sflag:$0xC], $0x80, $0x38;
	[tilespmem:$0x14C00] =	vst v63  }
0x2c6: {  	s15 =	sadd.s32 $0x12CA8, s1;
	s30 =	sadd.s32 $0x50, s18  }
0x2c7: {  	[hbm4b:s30+s3] =	stream.linear.scatter [tilespmem:s15], [sflag:$0xC], $0x80, $0x38;
	[tilespmem:$0x14C00] =	vst v63  }
0x2c8: {  	s6 =	sadd.s32 $0x12D30, s1;
	s7 =	sadd.s32 $0x60, s18  }
0x2c9: {  	[hbm4b:s7+s3] =	stream.linear.scatter [tilespmem:s6], [sflag:$0xC], $0x80, $0x38;
	[tilespmem:$0x14C00] =	vst v63  }
0x2ca: {  	s2 =	simm.s32 @!p0 $0x80;
	s15 =	sadd.s32 $0x12DB8, s1;
	s30 =	sadd.s32 $0x70, s18  }
0x2cb: {  	[hbm4b:s30+s3] =	stream.linear.scatter [tilespmem:s15], [sflag:$0xC], $0x80, $0x38;
	[tilespmem:$0x14C00] =	vst v63  }
0x2cc: {  	p1 =	sne.s32 @!p0 s17, $0x19;
	s1 =	sxor.u32 @!p0 $0x780, s14;
	s6 =	simm.s32 @!p0 $0xE800  }
0x2cd: {  	[tilespmem:s6], [sflag:$0xA] =	stream.indirect.gather @!p0 [hbm4b:s4+s2], $0x40, s1, s2, $0xb8;
	[tilespmem:$0x14C00] =	vst v63  }
0x2ce: {  	p0 =	por p0, !p1  }
.Ltmp19:
0x2cf: {  	_ = 	snop;
	(pc) =	sbr.rel @!p0 .LBB2_2-.Ltmp19, $2  }
0x2d0: {  	_ =	sdelay $0x2  }
0x2d1: {  	s31 =	smov.u32 s17  }
0x2d2: {  	_ =	swait.ge [sflag:s23], $0x2000  }
0x2d3: {  	[sflag:s23] =	ssyncset.done $0x0  }
0x2d4: {  	[sflag:s23] =	ssyncadd.s32 $0xFFFFE000  }
0x2d5: {  	_ =	swait.ge [sflag:s20], $0x2000  }
0x2d6: {  	s2 =	rddreg [dreg:$0x6]  }
0x2d7: {  	s1 =	rddreg [dreg:$0x5];
	s2 =	sadd.s32 $0x1, s2  }
0x2d8: {  	p0 =	sne.s32 s2, s1  }
.Ltmp20:
0x2d9: {  	_ = 	snop;
	(pc) =	sbr.rel @p0 .LBB2_1-.Ltmp20, $3  }
0x2da: {  	_ =	sdelay $0x1  }
0x2db: {  	[sflag:s20] =	ssyncset.done $0x0  }
0x2dc: {  	[sflag:s20] =	ssyncadd.s32 $0xFFFFE000  }
0x2dd: {  	_ =	sfence.sel $0x180000  }
0x2de: {  	[bflag:$0x0] =	sbarrier.arrive $0xFFFF  }
0x2df: {  	_ =	strace $0x90000047  }
0x2e0: {  	s0 =	stileid.u32;
	[bflag:$0x2] =	sbarrier.arrive $0xFFFF  }
0x2e1: {  	p0 =	sne.s32 s0, $0x0;
	s0 =	rddreg [dreg:$0x2]  }
0x2e2: {  	s0 =	sadd.s32 @!p0 $0x100000, s0  }
0x2e3: {  	[sflag:s0] =	ssyncadd.tile.s32 @!p0 $0x1;
	_ =	shalt  }
.Lfunc_end2:
_tile_overlayer_lowered:
.L_overlay_start_2:
0x2e4: {  	(tag) =	ssettag $0x2  }
0x2e5: {  	s0 =	rddreg [dreg:$0x0];
	s2 =	stileid.u32  }
0x2e6: {  	s1 =	rddreg [dreg:$0x1];
	p0 =	sne.s32 s2, $0x0  }
0x2e7: {  	s3 =	rddreg [dreg:$0x2];
	[bflag:$0x3] =	sbarrier.arrive $0xFFFF;
	s2 =	simm.s32 @!p0 $0x1C0D  }
0x2e8: {  	[timem:s3], [sflag:s2] =	dma.local @!p0 [hbm:s0], s1  }
0x2e9: {  	s0 =	simm.s32 @!p0 $0xD  }
0x2ea: {  	_ =	swait.ge @!p0 [sflag:s0], s1  }
0x2eb: {  	s1 =	ssub.s32 @!p0 $0x0, s1;
	[sflag:s0] =	ssyncset.done @!p0 $0x0  }
0x2ec: {  	[sflag:s0] =	ssyncadd.s32 @!p0 s1  }
0x2ed: {  	[bflag:$0x3] =	sbarrier.arrive $0xFFFF  }
0x2ee: {  	_ =	shalt  }

</sc_bundles>
